<compile_context>
chip_gen: v7x
topology: tpu7x:2x2x1
jax: 0.10.2.dev20260603
libtpu: 0.0.44.dev20260713+nightly
codegen_flags: <defaults>
</compile_context>

<pallas_src>
import jax
import jax.numpy as jnp
from jax import lax
from jax.experimental import pallas as pl
from jax.experimental.pallas import tpu as pltpu
from jax.experimental.pallas import tpu_sc as plsc

N = 10000
E = 320000
D = 128

NC = 2
NS = 16
NW = NC * NS

CHUNK = 128

K3 = 80
KPP = 160
SLOW_CID = 0
KA = 80
KB = KPP - KA
BSTG = 40
EPAD = NS * KPP * CHUNK

NPAD = 10240
WPT = NPAD // NS
NBUF = 2

BN = 512


def _mesh():
    return plsc.VectorSubcoreMesh(
        core_axis_name="c", subcore_axis_name="s", num_cores=NC, num_subcores=NS
    )


def _deg_body(col_hbm, out_hbm, col2d, degv):
    cid = lax.axis_index("c")
    sid = lax.axis_index("s")
    wid = cid * NS + sid

    zeros16 = jnp.zeros((16,), jnp.float32)
    ones16 = jnp.ones((16,), jnp.float32)

    def _fz(r, _):
        degv[pl.ds(r * 16, 16)] = zeros16
        return 0

    lax.fori_loop(0, NPAD // 16, _fz, 0)

    pltpu.sync_copy(col_hbm.at[pl.ds(wid * K3, K3)], col2d)

    def _step(j, _):
        for l in range(CHUNK // 16):
            c16 = col2d[j, pl.ds(l * 16, 16)]
            plsc.addupdate_scatter(degv, [c16], ones16)
        return 0

    lax.fori_loop(0, K3, _step, 0)

    pltpu.sync_copy(degv, out_hbm.at[pl.ds(wid * NPAD, NPAD)])


def _deg_call(col):
    k = pl.kernel(
        _deg_body,
        out_type=jax.ShapeDtypeStruct((NW * NPAD,), jnp.float32),
        mesh=_mesh(),
        compiler_params=pltpu.CompilerParams(needs_layout_passes=False),
        scratch_types=[
            pltpu.VMEM((K3, CHUNK), jnp.int32),
            pltpu.VMEM((NPAD,), jnp.float32),
        ],
    )
    return k(col)


def _agg_body(g_hbm, row_hbm, col_hbm, out_hbm, row2d, col2d, rows_v,
              acc_sh, gsem, ssem):
    cid = lax.axis_index("c")
    sid = lax.axis_index("s")

    zeros16 = jnp.zeros((16,), jnp.float32)

    def _fz(r, _):
        for c in range(D // 16):
            rows_v[r, pl.ds(c * 16, 16)] = zeros16
        return 0

    lax.fori_loop(0, CHUNK, _fz, 0)

    for t in range(WPT // CHUNK):
        pltpu.sync_copy(rows_v.at[pl.ds(0, CHUNK)],
                        acc_sh.at[pl.ds(sid * WPT + t * CHUNK, CHUNK)])
    plsc.subcore_barrier()

    def _gather_start(j):
        pltpu.async_copy(g_hbm.at[row2d.at[j]],
                         rows_v.at[pl.ds((j % NBUF) * CHUNK, CHUNK)], gsem)

    def _gather_wait(j):
        pltpu.make_async_copy(
            g_hbm.at[row2d.at[j]],
            rows_v.at[pl.ds((j % NBUF) * CHUNK, CHUNK)], gsem).wait()

    def _scatter_start(j):
        pltpu.async_copy(rows_v.at[pl.ds((j % NBUF) * CHUNK, CHUNK)],
                         acc_sh.at[col2d.at[j]], ssem, add=True)

    def _scatter_wait(j):
        pltpu.make_async_copy(
            rows_v.at[pl.ds((j % NBUF) * CHUNK, CHUNK)],
            acc_sh.at[col2d.at[j]], ssem).wait()

    is_slow = cid == SLOW_CID
    base = sid * KPP + jnp.where(is_slow, 0, KA)
    nblk = jnp.where(is_slow, KA // BSTG, KB // BSTG)

    def _phase(p, _):
        blk = base + p * BSTG
        pltpu.sync_copy(row_hbm.at[pl.ds(blk, BSTG)], row2d)
        pltpu.sync_copy(col_hbm.at[pl.ds(blk, BSTG)], col2d)

        for m in range(NBUF - 1):
            _gather_start(m)

        def _step(j, _):
            _gather_wait(j)

            @pl.when(j >= 1)
            def _():
                _scatter_wait(j - 1)

            @pl.when(j + NBUF - 1 < BSTG)
            def _():
                _gather_start(j + NBUF - 1)

            _scatter_start(j)
            return 0

        lax.fori_loop(0, BSTG, _step, 0)
        _scatter_wait(BSTG - 1)
        return 0

    lax.fori_loop(0, nblk, _phase, 0)

    plsc.subcore_barrier()

    for t in range(WPT // CHUNK):
        r0 = sid * WPT + t * CHUNK
        pltpu.sync_copy(acc_sh.at[pl.ds(r0, CHUNK)],
                        out_hbm.at[pl.ds(cid * NPAD + r0, CHUNK)])


def _agg_call(g, row, col):
    k = pl.kernel(
        _agg_body,
        out_type=jax.ShapeDtypeStruct((NC * NPAD, D), jnp.float32),
        mesh=_mesh(),
        scratch_types=[
            pltpu.VMEM((BSTG, CHUNK), jnp.int32),
            pltpu.VMEM((BSTG, CHUNK), jnp.int32),
            pltpu.VMEM((NBUF * CHUNK, D), jnp.float32),
            pltpu.VMEM_SHARED((NPAD, D), jnp.float32),
            pltpu.SemaphoreType.DMA,
            pltpu.SemaphoreType.DMA,
        ],
    )
    return k(g, row, col)


def _pre_body(x_ref, w_ref, dt_ref, g_ref, dinv_ref):
    deg = jnp.sum(dt_ref[...], axis=1, keepdims=True) + 1.0
    dinv = lax.rsqrt(deg)
    dinv_ref[...] = jnp.broadcast_to(dinv, dinv_ref.shape)
    h = jnp.dot(x_ref[...], w_ref[...], preferred_element_type=jnp.float32)
    g_ref[...] = h * dinv


def _pre_call(x, w, degT):
    return pl.pallas_call(
        _pre_body,
        grid=(NPAD // BN,),
        in_specs=[
            pl.BlockSpec((BN, D), lambda i: (i, 0)),
            pl.BlockSpec((D, D), lambda i: (0, 0)),
            pl.BlockSpec((BN, NW), lambda i: (i, 0)),
        ],
        out_specs=[
            pl.BlockSpec((BN, D), lambda i: (i, 0)),
            pl.BlockSpec((BN, NW), lambda i: (i, 0)),
        ],
        out_shape=[
            jax.ShapeDtypeStruct((NPAD, D), jnp.float32),
            jax.ShapeDtypeStruct((NPAD, NW), jnp.float32),
        ],
    )(x, w, degT)


def _mid_body(p0_ref, p1_ref, g1_ref, dinv_ref, b_ref, w_ref, g2_ref):
    dinv = dinv_ref[...][:, :1]
    x2 = dinv * (p0_ref[...] + p1_ref[...] + g1_ref[...]) + b_ref[...]
    x2 = jnp.maximum(x2, 0.0)
    g2_ref[...] = (
        jnp.dot(x2, w_ref[...], preferred_element_type=jnp.float32) * dinv
    )


def _mid_call(parts, g1, dinv32, b, w):
    return pl.pallas_call(
        _mid_body,
        grid=(NPAD // BN,),
        in_specs=[
            pl.BlockSpec((BN, D), lambda i: (i, 0)),
            pl.BlockSpec((BN, D), lambda i: (i + NPAD // BN, 0)),
            pl.BlockSpec((BN, D), lambda i: (i, 0)),
            pl.BlockSpec((BN, NW), lambda i: (i, 0)),
            pl.BlockSpec((1, D), lambda i: (0, 0)),
            pl.BlockSpec((D, D), lambda i: (0, 0)),
        ],
        out_specs=pl.BlockSpec((BN, D), lambda i: (i, 0)),
        out_shape=jax.ShapeDtypeStruct((NPAD, D), jnp.float32),
    )(parts, parts, g1, dinv32, b, w)


def _post_body(p0_ref, p1_ref, g2_ref, dinv_ref, b_ref, o_ref):
    dinv = dinv_ref[...][:, :1]
    o_ref[...] = dinv * (p0_ref[...] + p1_ref[...] + g2_ref[...]) + b_ref[...]


def _post_call(parts, g2, dinv32, b):
    return pl.pallas_call(
        _post_body,
        grid=(NPAD // BN,),
        in_specs=[
            pl.BlockSpec((BN, D), lambda i: (i, 0)),
            pl.BlockSpec((BN, D), lambda i: (i + NPAD // BN, 0)),
            pl.BlockSpec((BN, D), lambda i: (i, 0)),
            pl.BlockSpec((BN, NW), lambda i: (i, 0)),
            pl.BlockSpec((1, D), lambda i: (0, 0)),
        ],
        out_specs=pl.BlockSpec((BN, D), lambda i: (i, 0)),
        out_shape=jax.ShapeDtypeStruct((NPAD, D), jnp.float32),
    )(parts, parts, g2, dinv32, b)


def kernel(node_features, edge_index, W1, b1, W2, b2):
    ei = edge_index.astype(jnp.int32)
    padv = N + (jnp.arange(EPAD - E, dtype=jnp.int32) % (NPAD - N))
    row = jnp.concatenate([ei[0], padv]).reshape(NW * K3, CHUNK)
    col = jnp.concatenate([ei[1], padv]).reshape(NW * K3, CHUNK)
    x_pad = jnp.pad(node_features, ((0, NPAD - N), (0, 0)))

    deg = _deg_call(col)
    degT = deg.reshape(NW, NPAD).T

    g1, dinv32 = _pre_call(x_pad, W1, degT)
    agg1 = _agg_call(g1, row, col)
    g2 = _mid_call(agg1, g1, dinv32, b1.reshape(1, D), W2)
    agg2 = _agg_call(g2, row, col)
    out = _post_call(agg2, g2, dinv32, b2.reshape(1, D))
    return out[:N]

# --- scband reference (transcript-rebuilt; emitter-appended) ---
"""Pipeline reference for scband-dependency-gnn-41094247088987 (READ-ONLY COPY).

The authoritative reference and input builder live on the scoring server;
editing this copy changes nothing except your own understanding.
"""

import jax, jax.numpy as jnp
import numpy as np

N_NODES = 10000
N_EDGES = 320000
D_IN = 128
D_H = 128


def setup_inputs(seed: int = 0) -> dict:
    key = jax.random.key(seed)
    k1, k2, k3, k4, k5, k6 = jax.random.split(key, 6)
    node_features = jax.random.normal(k1, (N_NODES, D_IN), dtype=jnp.float32)
    edge_index = jax.random.randint(k2, (2, N_EDGES), 0, N_NODES).astype(jnp.int64)
    # GCNConv weights (glorot-like scale) and biases for two layers
    W1 = jax.random.normal(k3, (D_IN, D_H), dtype=jnp.float32) * (1.0 / np.sqrt(D_IN))
    b1 = jnp.zeros((D_H,), dtype=jnp.float32)
    W2 = jax.random.normal(k4, (D_H, D_H), dtype=jnp.float32) * (1.0 / np.sqrt(D_H))
    b2 = jnp.zeros((D_H,), dtype=jnp.float32)
    return {"node_features": node_features, "edge_index": edge_index,
            "W1": W1, "b1": b1, "W2": W2, "b2": b2}


def _gcn_norm(edge_index, num_nodes, dtype):
    # PyG gcn_norm with add_self_loops=True, symmetric normalization
    loop = jnp.arange(num_nodes, dtype=edge_index.dtype)
    row = jnp.concatenate([edge_index[0], loop])
    col = jnp.concatenate([edge_index[1], loop])
    ones = jnp.ones(row.shape[0], dtype=dtype)
    deg = jax.ops.segment_sum(ones, col, num_segments=num_nodes)
    deg_inv_sqrt = jnp.where(deg > 0, jax.lax.rsqrt(jnp.maximum(deg, 1e-12)), 0.0)
    norm = deg_inv_sqrt[row] * deg_inv_sqrt[col]
    return row, col, norm


def _gcn_conv(x, W, b, row, col, norm, num_nodes):
    h = x @ W                                  # linear transform (no bias)
    msg = h[row] * norm[:, None]               # gather + scale (message)
    out = jax.ops.segment_sum(msg, col, num_segments=num_nodes)  # scatter-add aggregate
    return out + b


def reference(node_features, edge_index, W1, b1, W2, b2):
    num_nodes = node_features.shape[0]
    row, col, norm = _gcn_norm(edge_index, num_nodes, node_features.dtype)
    x = _gcn_conv(node_features, W1, b1, row, col, norm, num_nodes)
    x = jax.nn.relu(x)
    x = _gcn_conv(x, W2, b2, row, col, norm, num_nodes)
    return x

if __name__ == "__main__":
    import jax
    _d = setup_inputs()
    print(jax.jit(kernel)(*tuple(_d.values())))

</pallas_src>

<mosaic_0001>
#map = affine_map<(d0, d1) -> (0, 0)>
module attributes {stable_mosaic.version = 14 : i64} {
  func.func @_agg_body(%arg0: i32, %arg1: i32, %arg2: memref<10240x128xf32, #tpu.memory_space<hbm>>, %arg3: memref<2560x128xi32, #tpu.memory_space<hbm>>, %arg4: memref<2560x128xi32, #tpu.memory_space<hbm>>, %arg5: memref<20480x128xf32, #tpu.memory_space<hbm>>, %arg6: memref<40x128xi32, #tpu.memory_space<vmem>>, %arg7: memref<40x128xi32, #tpu.memory_space<vmem>>, %arg8: memref<256x128xf32, #tpu.memory_space<vmem>>, %arg9: memref<10240x128xf32, #tpu.memory_space<vmem_shared>>, %arg10: memref<!tpu.dma_semaphore, #tpu.memory_space<semaphore_mem>>, %arg11: memref<!tpu.dma_semaphore, #tpu.memory_space<semaphore_mem>>) attributes {dimension_semantics = [#tpu.dimension_semantics<core_parallel>, #tpu.dimension_semantics<subcore_parallel>], iteration_bounds = array<i64: 2, 16>, scalar_prefetch = 0 : i64, scratch_operands = 6 : i64, tpu.core_type = #tpu.core_type<sc_vector_subcore>, window_params = [{transform_indices = #map}, {transform_indices = #map}, {transform_indices = #map}, {transform_indices = #map}]} {
    %broadcast_in_dim3A = arith.constant 0.000000e+00 : f32
    %broadcast_in_dim3A_0 = vector.broadcast %broadcast_in_dim3A : f32 to vector<16xf32>
    %scan3A = arith.constant 0 : i32
    %scan3A_1 = arith.constant 0 : i32
    %scan3A_2 = arith.constant 128 : i32
    %scan3A_3 = arith.addi %scan3A_1, %scan3A_2 : i32
    %scan3A_4 = arith.constant 1 : i32
    %scan3A_5 = scf.for %scan3A_80 = %scan3A_1 to %scan3A_3 step %scan3A_4 iter_args(%scan3A_81 = %scan3A) -> (i32)  : i32 {
      %swap3A = arith.index_cast %scan3A_80 : i32 to index
      %swap3A_82 = arith.constant 0 : index
      %swap3A_83 = tpu.vector_load %arg8[%swap3A, %swap3A_82] {strides = array<i32>} : memref<256x128xf32, #tpu.memory_space<vmem>>, vector<1x16xf32>,
      %swap3A_84 = vector.shape_cast %swap3A_83 : vector<1x16xf32> to vector<16xf32>
      %swap3A_85 = vector.shape_cast %broadcast_in_dim3A_0 : vector<16xf32> to vector<1x16xf32>
      tpu.vector_store %arg8[%swap3A, %swap3A_82], %swap3A_85 {strides = array<i32>} : memref<256x128xf32, #tpu.memory_space<vmem>>, vector<1x16xf32>,
      %swap3A_86 = arith.index_cast %scan3A_80 : i32 to index
      %swap3A_87 = arith.constant 16 : index
      %swap3A_88 = tpu.vector_load %arg8[%swap3A_86, %swap3A_87] {strides = array<i32>} : memref<256x128xf32, #tpu.memory_space<vmem>>, vector<1x16xf32>,
      %swap3A_89 = vector.shape_cast %swap3A_88 : vector<1x16xf32> to vector<16xf32>
      %swap3A_90 = vector.shape_cast %broadcast_in_dim3A_0 : vector<16xf32> to vector<1x16xf32>
      tpu.vector_store %arg8[%swap3A_86, %swap3A_87], %swap3A_90 {strides = array<i32>} : memref<256x128xf32, #tpu.memory_space<vmem>>, vector<1x16xf32>,
      %swap3A_91 = arith.index_cast %scan3A_80 : i32 to index
      %swap3A_92 = arith.constant 32 : index
      %swap3A_93 = tpu.vector_load %arg8[%swap3A_91, %swap3A_92] {strides = array<i32>} : memref<256x128xf32, #tpu.memory_space<vmem>>, vector<1x16xf32>,
      %swap3A_94 = vector.shape_cast %swap3A_93 : vector<1x16xf32> to vector<16xf32>
      %swap3A_95 = vector.shape_cast %broadcast_in_dim3A_0 : vector<16xf32> to vector<1x16xf32>
      tpu.vector_store %arg8[%swap3A_91, %swap3A_92], %swap3A_95 {strides = array<i32>} : memref<256x128xf32, #tpu.memory_space<vmem>>, vector<1x16xf32>,
      %swap3A_96 = arith.index_cast %scan3A_80 : i32 to index
      %swap3A_97 = arith.constant 48 : index
      %swap3A_98 = tpu.vector_load %arg8[%swap3A_96, %swap3A_97] {strides = array<i32>} : memref<256x128xf32, #tpu.memory_space<vmem>>, vector<1x16xf32>,
      %swap3A_99 = vector.shape_cast %swap3A_98 : vector<1x16xf32> to vector<16xf32>
      %swap3A_100 = vector.shape_cast %broadcast_in_dim3A_0 : vector<16xf32> to vector<1x16xf32>
      tpu.vector_store %arg8[%swap3A_96, %swap3A_97], %swap3A_100 {strides = array<i32>} : memref<256x128xf32, #tpu.memory_space<vmem>>, vector<1x16xf32>,
      %swap3A_101 = arith.index_cast %scan3A_80 : i32 to index
      %swap3A_102 = arith.constant 64 : index
      %swap3A_103 = tpu.vector_load %arg8[%swap3A_101, %swap3A_102] {strides = array<i32>} : memref<256x128xf32, #tpu.memory_space<vmem>>, vector<1x16xf32>,
      %swap3A_104 = vector.shape_cast %swap3A_103 : vector<1x16xf32> to vector<16xf32>
      %swap3A_105 = vector.shape_cast %broadcast_in_dim3A_0 : vector<16xf32> to vector<1x16xf32>
      tpu.vector_store %arg8[%swap3A_101, %swap3A_102], %swap3A_105 {strides = array<i32>} : memref<256x128xf32, #tpu.memory_space<vmem>>, vector<1x16xf32>,
      %swap3A_106 = arith.index_cast %scan3A_80 : i32 to index
      %swap3A_107 = arith.constant 80 : index
      %swap3A_108 = tpu.vector_load %arg8[%swap3A_106, %swap3A_107] {strides = array<i32>} : memref<256x128xf32, #tpu.memory_space<vmem>>, vector<1x16xf32>,
      %swap3A_109 = vector.shape_cast %swap3A_108 : vector<1x16xf32> to vector<16xf32>
      %swap3A_110 = vector.shape_cast %broadcast_in_dim3A_0 : vector<16xf32> to vector<1x16xf32>
      tpu.vector_store %arg8[%swap3A_106, %swap3A_107], %swap3A_110 {strides = array<i32>} : memref<256x128xf32, #tpu.memory_space<vmem>>, vector<1x16xf32>,
      %swap3A_111 = arith.index_cast %scan3A_80 : i32 to index
      %swap3A_112 = arith.constant 96 : index
      %swap3A_113 = tpu.vector_load %arg8[%swap3A_111, %swap3A_112] {strides = array<i32>} : memref<256x128xf32, #tpu.memory_space<vmem>>, vector<1x16xf32>,
      %swap3A_114 = vector.shape_cast %swap3A_113 : vector<1x16xf32> to vector<16xf32>
      %swap3A_115 = vector.shape_cast %broadcast_in_dim3A_0 : vector<16xf32> to vector<1x16xf32>
      tpu.vector_store %arg8[%swap3A_111, %swap3A_112], %swap3A_115 {strides = array<i32>} : memref<256x128xf32, #tpu.memory_space<vmem>>, vector<1x16xf32>,
      %swap3A_116 = arith.index_cast %scan3A_80 : i32 to index
      %swap3A_117 = arith.constant 112 : index
      %swap3A_118 = tpu.vector_load %arg8[%swap3A_116, %swap3A_117] {strides = array<i32>} : memref<256x128xf32, #tpu.memory_space<vmem>>, vector<1x16xf32>,
      %swap3A_119 = vector.shape_cast %swap3A_118 : vector<1x16xf32> to vector<16xf32>
      %swap3A_120 = vector.shape_cast %broadcast_in_dim3A_0 : vector<16xf32> to vector<1x16xf32>
      tpu.vector_store %arg8[%swap3A_116, %swap3A_117], %swap3A_120 {strides = array<i32>} : memref<256x128xf32, #tpu.memory_space<vmem>>, vector<1x16xf32>,
      %scan3A_121 = arith.constant 0 : i32
      scf.yield %scan3A_121 : i32
    }
    %scan3A_6 = arith.constant 128 : i32
    %mul3A = arith.constant 640 : i32
    %mul3A_7 = arith.muli %arg1, %mul3A : i32
    %add3A = arith.constant 0 : i32
    %add3A_8 = arith.addi %mul3A_7, %add3A : i32
    "tpu.region"() ({
      %run_scoped3A = tpu.sem_alloc : memref<!tpu.dma_semaphore, #tpu.memory_space<semaphore_mem>>
      %dma_start3A = arith.constant 0 : i32
      %dma_start3A_80 = arith.constant 0 : i32
      %dma_start3A_81 = tpu.memref_slice %arg8[%dma_start3A, %dma_start3A_80] : memref<256x128xf32, #tpu.memory_space<vmem>> -> memref<128x128xf32, #tpu.memory_space<vmem>>
      %dma_start3A_82 = arith.constant 0 : i32
      %dma_start3A_83 = tpu.memref_slice %arg9[%add3A_8, %dma_start3A_82] : memref<10240x128xf32, #tpu.memory_space<vmem_shared>> -> memref<128x128xf32, #tpu.memory_space<vmem_shared>>
      %dma_start3A_84 = arith.constant 0 : i32
      %dma_start3A_85 = tpu.memref_slice %arg9[%add3A_8, %dma_start3A_84] : memref<10240x128xf32, #tpu.memory_space<vmem_shared>> -> memref<128x128xf32, #tpu.memory_space<vmem_shared>>
      %dma_start3A_86 = arith.constant 0 : i32
      %dma_start3A_87 = arith.constant 0 : i32
      %dma_start3A_88 = tpu.memref_slice %arg8[%dma_start3A_86, %dma_start3A_87] : memref<256x128xf32, #tpu.memory_space<vmem>> -> memref<128x128xf32, #tpu.memory_space<vmem>>
      tpu.enqueue_dma source(%dma_start3A_88 : memref<128x128xf32, #tpu.memory_space<vmem>>) target(%dma_start3A_85 : memref<128x128xf32, #tpu.memory_space<vmem_shared>>) target_semaphore(%run_scoped3A : memref<!tpu.dma_semaphore, #tpu.memory_space<semaphore_mem>>)
      %dma_wait3A = arith.constant 0 : i32
      %dma_wait3A_89 = arith.constant 0 : i32
      %dma_wait3A_90 = tpu.memref_slice %arg8[%dma_wait3A, %dma_wait3A_89] : memref<256x128xf32, #tpu.memory_space<vmem>> -> memref<128x128xf32, #tpu.memory_space<vmem>>
      %dma_wait3A_91 = arith.constant 0 : i32
      %dma_wait3A_92 = tpu.memref_slice %arg9[%add3A_8, %dma_wait3A_91] : memref<10240x128xf32, #tpu.memory_space<vmem_shared>> -> memref<128x128xf32, #tpu.memory_space<vmem_shared>>
      %dma_wait3A_93 = arith.constant 0 : i32
      %dma_wait3A_94 = tpu.memref_slice %arg9[%add3A_8, %dma_wait3A_93] : memref<10240x128xf32, #tpu.memory_space<vmem_shared>> -> memref<128x128xf32, #tpu.memory_space<vmem_shared>>
      %dma_wait3A_95 = arith.constant 0 : i32
      %dma_wait3A_96 = arith.constant 0 : i32
      %dma_wait3A_97 = tpu.memref_slice %arg8[%dma_wait3A_95, %dma_wait3A_96] : memref<256x128xf32, #tpu.memory_space<vmem>> -> memref<128x128xf32, #tpu.memory_space<vmem>>
      tpu.wait_dma2 semaphore(%run_scoped3A : memref<!tpu.dma_semaphore, #tpu.memory_space<semaphore_mem>>) src(%dma_wait3A_97 : memref<128x128xf32, #tpu.memory_space<vmem>>) dst(%dma_wait3A_94 : memref<128x128xf32, #tpu.memory_space<vmem_shared>>)
      tpu.yield
    }) : () -> ()
    %mul3A_9 = arith.constant 640 : i32
    %mul3A_10 = arith.muli %arg1, %mul3A_9 : i32
    %add3A_11 = arith.constant 128 : i32
    %add3A_12 = arith.addi %mul3A_10, %add3A_11 : i32
    "tpu.region"() ({
      %run_scoped3A = tpu.sem_alloc : memref<!tpu.dma_semaphore, #tpu.memory_space<semaphore_mem>>
      %dma_start3A = arith.constant 0 : i32
      %dma_start3A_80 = arith.constant 0 : i32
      %dma_start3A_81 = tpu.memref_slice %arg8[%dma_start3A, %dma_start3A_80] : memref<256x128xf32, #tpu.memory_space<vmem>> -> memref<128x128xf32, #tpu.memory_space<vmem>>
      %dma_start3A_82 = arith.constant 0 : i32
      %dma_start3A_83 = tpu.memref_slice %arg9[%add3A_12, %dma_start3A_82] : memref<10240x128xf32, #tpu.memory_space<vmem_shared>> -> memref<128x128xf32, #tpu.memory_space<vmem_shared>>
      %dma_start3A_84 = arith.constant 0 : i32
      %dma_start3A_85 = tpu.memref_slice %arg9[%add3A_12, %dma_start3A_84] : memref<10240x128xf32, #tpu.memory_space<vmem_shared>> -> memref<128x128xf32, #tpu.memory_space<vmem_shared>>
      %dma_start3A_86 = arith.constant 0 : i32
      %dma_start3A_87 = arith.constant 0 : i32
      %dma_start3A_88 = tpu.memref_slice %arg8[%dma_start3A_86, %dma_start3A_87] : memref<256x128xf32, #tpu.memory_space<vmem>> -> memref<128x128xf32, #tpu.memory_space<vmem>>
      tpu.enqueue_dma source(%dma_start3A_88 : memref<128x128xf32, #tpu.memory_space<vmem>>) target(%dma_start3A_85 : memref<128x128xf32, #tpu.memory_space<vmem_shared>>) target_semaphore(%run_scoped3A : memref<!tpu.dma_semaphore, #tpu.memory_space<semaphore_mem>>)
      %dma_wait3A = arith.constant 0 : i32
      %dma_wait3A_89 = arith.constant 0 : i32
      %dma_wait3A_90 = tpu.memref_slice %arg8[%dma_wait3A, %dma_wait3A_89] : memref<256x128xf32, #tpu.memory_space<vmem>> -> memref<128x128xf32, #tpu.memory_space<vmem>>
      %dma_wait3A_91 = arith.constant 0 : i32
      %dma_wait3A_92 = tpu.memref_slice %arg9[%add3A_12, %dma_wait3A_91] : memref<10240x128xf32, #tpu.memory_space<vmem_shared>> -> memref<128x128xf32, #tpu.memory_space<vmem_shared>>
      %dma_wait3A_93 = arith.constant 0 : i32
      %dma_wait3A_94 = tpu.memref_slice %arg9[%add3A_12, %dma_wait3A_93] : memref<10240x128xf32, #tpu.memory_space<vmem_shared>> -> memref<128x128xf32, #tpu.memory_space<vmem_shared>>
      %dma_wait3A_95 = arith.constant 0 : i32
      %dma_wait3A_96 = arith.constant 0 : i32
      %dma_wait3A_97 = tpu.memref_slice %arg8[%dma_wait3A_95, %dma_wait3A_96] : memref<256x128xf32, #tpu.memory_space<vmem>> -> memref<128x128xf32, #tpu.memory_space<vmem>>
      tpu.wait_dma2 semaphore(%run_scoped3A : memref<!tpu.dma_semaphore, #tpu.memory_space<semaphore_mem>>) src(%dma_wait3A_97 : memref<128x128xf32, #tpu.memory_space<vmem>>) dst(%dma_wait3A_94 : memref<128x128xf32, #tpu.memory_space<vmem_shared>>)
      tpu.yield
    }) : () -> ()
    %mul3A_13 = arith.constant 640 : i32
    %mul3A_14 = arith.muli %arg1, %mul3A_13 : i32
    %add3A_15 = arith.constant 256 : i32
    %add3A_16 = arith.addi %mul3A_14, %add3A_15 : i32
    "tpu.region"() ({
      %run_scoped3A = tpu.sem_alloc : memref<!tpu.dma_semaphore, #tpu.memory_space<semaphore_mem>>
      %dma_start3A = arith.constant 0 : i32
      %dma_start3A_80 = arith.constant 0 : i32
      %dma_start3A_81 = tpu.memref_slice %arg8[%dma_start3A, %dma_start3A_80] : memref<256x128xf32, #tpu.memory_space<vmem>> -> memref<128x128xf32, #tpu.memory_space<vmem>>
      %dma_start3A_82 = arith.constant 0 : i32
      %dma_start3A_83 = tpu.memref_slice %arg9[%add3A_16, %dma_start3A_82] : memref<10240x128xf32, #tpu.memory_space<vmem_shared>> -> memref<128x128xf32, #tpu.memory_space<vmem_shared>>
      %dma_start3A_84 = arith.constant 0 : i32
      %dma_start3A_85 = tpu.memref_slice %arg9[%add3A_16, %dma_start3A_84] : memref<10240x128xf32, #tpu.memory_space<vmem_shared>> -> memref<128x128xf32, #tpu.memory_space<vmem_shared>>
      %dma_start3A_86 = arith.constant 0 : i32
      %dma_start3A_87 = arith.constant 0 : i32
      %dma_start3A_88 = tpu.memref_slice %arg8[%dma_start3A_86, %dma_start3A_87] : memref<256x128xf32, #tpu.memory_space<vmem>> -> memref<128x128xf32, #tpu.memory_space<vmem>>
      tpu.enqueue_dma source(%dma_start3A_88 : memref<128x128xf32, #tpu.memory_space<vmem>>) target(%dma_start3A_85 : memref<128x128xf32, #tpu.memory_space<vmem_shared>>) target_semaphore(%run_scoped3A : memref<!tpu.dma_semaphore, #tpu.memory_space<semaphore_mem>>)
      %dma_wait3A = arith.constant 0 : i32
      %dma_wait3A_89 = arith.constant 0 : i32
      %dma_wait3A_90 = tpu.memref_slice %arg8[%dma_wait3A, %dma_wait3A_89] : memref<256x128xf32, #tpu.memory_space<vmem>> -> memref<128x128xf32, #tpu.memory_space<vmem>>
      %dma_wait3A_91 = arith.constant 0 : i32
      %dma_wait3A_92 = tpu.memref_slice %arg9[%add3A_16, %dma_wait3A_91] : memref<10240x128xf32, #tpu.memory_space<vmem_shared>> -> memref<128x128xf32, #tpu.memory_space<vmem_shared>>
      %dma_wait3A_93 = arith.constant 0 : i32
      %dma_wait3A_94 = tpu.memref_slice %arg9[%add3A_16, %dma_wait3A_93] : memref<10240x128xf32, #tpu.memory_space<vmem_shared>> -> memref<128x128xf32, #tpu.memory_space<vmem_shared>>
      %dma_wait3A_95 = arith.constant 0 : i32
      %dma_wait3A_96 = arith.constant 0 : i32
      %dma_wait3A_97 = tpu.memref_slice %arg8[%dma_wait3A_95, %dma_wait3A_96] : memref<256x128xf32, #tpu.memory_space<vmem>> -> memref<128x128xf32, #tpu.memory_space<vmem>>
      tpu.wait_dma2 semaphore(%run_scoped3A : memref<!tpu.dma_semaphore, #tpu.memory_space<semaphore_mem>>) src(%dma_wait3A_97 : memref<128x128xf32, #tpu.memory_space<vmem>>) dst(%dma_wait3A_94 : memref<128x128xf32, #tpu.memory_space<vmem_shared>>)
      tpu.yield
    }) : () -> ()
    %mul3A_17 = arith.constant 640 : i32
    %mul3A_18 = arith.muli %arg1, %mul3A_17 : i32
    %add3A_19 = arith.constant 384 : i32
    %add3A_20 = arith.addi %mul3A_18, %add3A_19 : i32
    "tpu.region"() ({
      %run_scoped3A = tpu.sem_alloc : memref<!tpu.dma_semaphore, #tpu.memory_space<semaphore_mem>>
      %dma_start3A = arith.constant 0 : i32
      %dma_start3A_80 = arith.constant 0 : i32
      %dma_start3A_81 = tpu.memref_slice %arg8[%dma_start3A, %dma_start3A_80] : memref<256x128xf32, #tpu.memory_space<vmem>> -> memref<128x128xf32, #tpu.memory_space<vmem>>
      %dma_start3A_82 = arith.constant 0 : i32
      %dma_start3A_83 = tpu.memref_slice %arg9[%add3A_20, %dma_start3A_82] : memref<10240x128xf32, #tpu.memory_space<vmem_shared>> -> memref<128x128xf32, #tpu.memory_space<vmem_shared>>
      %dma_start3A_84 = arith.constant 0 : i32
      %dma_start3A_85 = tpu.memref_slice %arg9[%add3A_20, %dma_start3A_84] : memref<10240x128xf32, #tpu.memory_space<vmem_shared>> -> memref<128x128xf32, #tpu.memory_space<vmem_shared>>
      %dma_start3A_86 = arith.constant 0 : i32
      %dma_start3A_87 = arith.constant 0 : i32
      %dma_start3A_88 = tpu.memref_slice %arg8[%dma_start3A_86, %dma_start3A_87] : memref<256x128xf32, #tpu.memory_space<vmem>> -> memref<128x128xf32, #tpu.memory_space<vmem>>
      tpu.enqueue_dma source(%dma_start3A_88 : memref<128x128xf32, #tpu.memory_space<vmem>>) target(%dma_start3A_85 : memref<128x128xf32, #tpu.memory_space<vmem_shared>>) target_semaphore(%run_scoped3A : memref<!tpu.dma_semaphore, #tpu.memory_space<semaphore_mem>>)
      %dma_wait3A = arith.constant 0 : i32
      %dma_wait3A_89 = arith.constant 0 : i32
      %dma_wait3A_90 = tpu.memref_slice %arg8[%dma_wait3A, %dma_wait3A_89] : memref<256x128xf32, #tpu.memory_space<vmem>> -> memref<128x128xf32, #tpu.memory_space<vmem>>
      %dma_wait3A_91 = arith.constant 0 : i32
      %dma_wait3A_92 = tpu.memref_slice %arg9[%add3A_20, %dma_wait3A_91] : memref<10240x128xf32, #tpu.memory_space<vmem_shared>> -> memref<128x128xf32, #tpu.memory_space<vmem_shared>>
      %dma_wait3A_93 = arith.constant 0 : i32
      %dma_wait3A_94 = tpu.memref_slice %arg9[%add3A_20, %dma_wait3A_93] : memref<10240x128xf32, #tpu.memory_space<vmem_shared>> -> memref<128x128xf32, #tpu.memory_space<vmem_shared>>
      %dma_wait3A_95 = arith.constant 0 : i32
      %dma_wait3A_96 = arith.constant 0 : i32
      %dma_wait3A_97 = tpu.memref_slice %arg8[%dma_wait3A_95, %dma_wait3A_96] : memref<256x128xf32, #tpu.memory_space<vmem>> -> memref<128x128xf32, #tpu.memory_space<vmem>>
      tpu.wait_dma2 semaphore(%run_scoped3A : memref<!tpu.dma_semaphore, #tpu.memory_space<semaphore_mem>>) src(%dma_wait3A_97 : memref<128x128xf32, #tpu.memory_space<vmem>>) dst(%dma_wait3A_94 : memref<128x128xf32, #tpu.memory_space<vmem_shared>>)
      tpu.yield
    }) : () -> ()
    %mul3A_21 = arith.constant 640 : i32
    %mul3A_22 = arith.muli %arg1, %mul3A_21 : i32
    %add3A_23 = arith.constant 512 : i32
    %add3A_24 = arith.addi %mul3A_22, %add3A_23 : i32
    "tpu.region"() ({
      %run_scoped3A = tpu.sem_alloc : memref<!tpu.dma_semaphore, #tpu.memory_space<semaphore_mem>>
      %dma_start3A = arith.constant 0 : i32
      %dma_start3A_80 = arith.constant 0 : i32
      %dma_start3A_81 = tpu.memref_slice %arg8[%dma_start3A, %dma_start3A_80] : memref<256x128xf32, #tpu.memory_space<vmem>> -> memref<128x128xf32, #tpu.memory_space<vmem>>
      %dma_start3A_82 = arith.constant 0 : i32
      %dma_start3A_83 = tpu.memref_slice %arg9[%add3A_24, %dma_start3A_82] : memref<10240x128xf32, #tpu.memory_space<vmem_shared>> -> memref<128x128xf32, #tpu.memory_space<vmem_shared>>
      %dma_start3A_84 = arith.constant 0 : i32
      %dma_start3A_85 = tpu.memref_slice %arg9[%add3A_24, %dma_start3A_84] : memref<10240x128xf32, #tpu.memory_space<vmem_shared>> -> memref<128x128xf32, #tpu.memory_space<vmem_shared>>
      %dma_start3A_86 = arith.constant 0 : i32
      %dma_start3A_87 = arith.constant 0 : i32
      %dma_start3A_88 = tpu.memref_slice %arg8[%dma_start3A_86, %dma_start3A_87] : memref<256x128xf32, #tpu.memory_space<vmem>> -> memref<128x128xf32, #tpu.memory_space<vmem>>
      tpu.enqueue_dma source(%dma_start3A_88 : memref<128x128xf32, #tpu.memory_space<vmem>>) target(%dma_start3A_85 : memref<128x128xf32, #tpu.memory_space<vmem_shared>>) target_semaphore(%run_scoped3A : memref<!tpu.dma_semaphore, #tpu.memory_space<semaphore_mem>>)
      %dma_wait3A = arith.constant 0 : i32
      %dma_wait3A_89 = arith.constant 0 : i32
      %dma_wait3A_90 = tpu.memref_slice %arg8[%dma_wait3A, %dma_wait3A_89] : memref<256x128xf32, #tpu.memory_space<vmem>> -> memref<128x128xf32, #tpu.memory_space<vmem>>
      %dma_wait3A_91 = arith.constant 0 : i32
      %dma_wait3A_92 = tpu.memref_slice %arg9[%add3A_24, %dma_wait3A_91] : memref<10240x128xf32, #tpu.memory_space<vmem_shared>> -> memref<128x128xf32, #tpu.memory_space<vmem_shared>>
      %dma_wait3A_93 = arith.constant 0 : i32
      %dma_wait3A_94 = tpu.memref_slice %arg9[%add3A_24, %dma_wait3A_93] : memref<10240x128xf32, #tpu.memory_space<vmem_shared>> -> memref<128x128xf32, #tpu.memory_space<vmem_shared>>
      %dma_wait3A_95 = arith.constant 0 : i32
      %dma_wait3A_96 = arith.constant 0 : i32
      %dma_wait3A_97 = tpu.memref_slice %arg8[%dma_wait3A_95, %dma_wait3A_96] : memref<256x128xf32, #tpu.memory_space<vmem>> -> memref<128x128xf32, #tpu.memory_space<vmem>>
      tpu.wait_dma2 semaphore(%run_scoped3A : memref<!tpu.dma_semaphore, #tpu.memory_space<semaphore_mem>>) src(%dma_wait3A_97 : memref<128x128xf32, #tpu.memory_space<vmem>>) dst(%dma_wait3A_94 : memref<128x128xf32, #tpu.memory_space<vmem_shared>>)
      tpu.yield
    }) : () -> ()
    %barrier3A = arith.constant 0 : index
    tpu.barrier barrier_id(%barrier3A)
    %eq3A = arith.constant 0 : i32
    %eq3A_25 = arith.cmpi eq, %arg0, %eq3A : i32
    %mul3A_26 = arith.constant 160 : i32
    %mul3A_27 = arith.muli %arg1, %mul3A_26 : i32
    %jit3A = arith.constant 0 : i32
    %jit3A_28 = arith.constant 80 : i32
    %select_n3A = arith.select %eq3A_25, %jit3A, %jit3A_28 : i32
    %add3A_29 = arith.addi %mul3A_27, %select_n3A : i32
    %jit3A_30 = arith.constant 2 : i32
    %jit3A_31 = arith.constant 2 : i32
    %select_n3A_32 = arith.select %eq3A_25, %jit3A_30, %jit3A_31 : i32
    %while3A = arith.constant 0 : i32
    %while3A_33 = arith.constant 0 : i32
    %while3A_34 = arith.subi %select_n3A_32, %while3A : i32
    %while3A_35 = arith.addi %while3A, %while3A_34 : i32
    %while3A_36 = arith.constant 1 : i32
    %while3A_37 = arith.divsi %while3A_34, %while3A_36 : i32
    %while3A_38 = arith.muli %while3A_37, %while3A_36 : i32
    %while3A_39 = arith.addi %while3A, %while3A_38 : i32
    %while3A_40 = arith.constant 1 : i32
    %while3A_41 = scf.for %while3A_80 = %while3A to %while3A_39 step %while3A_40 iter_args(%while3A_81 = %while3A_33) -> (i32)  : i32 {
      %mul3A_82 = arith.constant 40 : i32
      %mul3A_83 = arith.muli %while3A_80, %mul3A_82 : i32
      %add3A_84 = arith.addi %add3A_29, %mul3A_83 : i32
      "tpu.region"() ({
        %run_scoped3A = tpu.sem_alloc : memref<!tpu.dma_semaphore, #tpu.memory_space<semaphore_mem>>
        %dma_start3A_111 = arith.constant 0 : i32
        %dma_start3A_112 = tpu.memref_slice %arg3[%add3A_84, %dma_start3A_111] : memref<2560x128xi32, #tpu.memory_space<hbm>> -> memref<40x128xi32, #tpu.memory_space<hbm>>
        %dma_start3A_113 = arith.constant 0 : i32
        %dma_start3A_114 = tpu.memref_slice %arg3[%add3A_84, %dma_start3A_113] : memref<2560x128xi32, #tpu.memory_space<hbm>> -> memref<40x128xi32, #tpu.memory_space<hbm>>
        tpu.enqueue_dma source(%dma_start3A_114 : memref<40x128xi32, #tpu.memory_space<hbm>>) target(%arg6 : memref<40x128xi32, #tpu.memory_space<vmem>>) target_semaphore(%run_scoped3A : memref<!tpu.dma_semaphore, #tpu.memory_space<semaphore_mem>>)
        %dma_wait3A_115 = arith.constant 0 : i32
        %dma_wait3A_116 = tpu.memref_slice %arg3[%add3A_84, %dma_wait3A_115] : memref<2560x128xi32, #tpu.memory_space<hbm>> -> memref<40x128xi32, #tpu.memory_space<hbm>>
        %dma_wait3A_117 = arith.constant 0 : i32
        %dma_wait3A_118 = tpu.memref_slice %arg3[%add3A_84, %dma_wait3A_117] : memref<2560x128xi32, #tpu.memory_space<hbm>> -> memref<40x128xi32, #tpu.memory_space<hbm>>
        tpu.wait_dma2 semaphore(%run_scoped3A : memref<!tpu.dma_semaphore, #tpu.memory_space<semaphore_mem>>) src(%dma_wait3A_118 : memref<40x128xi32, #tpu.memory_space<hbm>>) dst(%arg6 : memref<40x128xi32, #tpu.memory_space<vmem>>)
        tpu.yield
      }) : () -> ()
      "tpu.region"() ({
        %run_scoped3A = tpu.sem_alloc : memref<!tpu.dma_semaphore, #tpu.memory_space<semaphore_mem>>
        %dma_start3A_111 = arith.constant 0 : i32
        %dma_start3A_112 = tpu.memref_slice %arg4[%add3A_84, %dma_start3A_111] : memref<2560x128xi32, #tpu.memory_space<hbm>> -> memref<40x128xi32, #tpu.memory_space<hbm>>
        %dma_start3A_113 = arith.constant 0 : i32
        %dma_start3A_114 = tpu.memref_slice %arg4[%add3A_84, %dma_start3A_113] : memref<2560x128xi32, #tpu.memory_space<hbm>> -> memref<40x128xi32, #tpu.memory_space<hbm>>
        tpu.enqueue_dma source(%dma_start3A_114 : memref<40x128xi32, #tpu.memory_space<hbm>>) target(%arg7 : memref<40x128xi32, #tpu.memory_space<vmem>>) target_semaphore(%run_scoped3A : memref<!tpu.dma_semaphore, #tpu.memory_space<semaphore_mem>>)
        %dma_wait3A_115 = arith.constant 0 : i32
        %dma_wait3A_116 = tpu.memref_slice %arg4[%add3A_84, %dma_wait3A_115] : memref<2560x128xi32, #tpu.memory_space<hbm>> -> memref<40x128xi32, #tpu.memory_space<hbm>>
        %dma_wait3A_117 = arith.constant 0 : i32
        %dma_wait3A_118 = tpu.memref_slice %arg4[%add3A_84, %dma_wait3A_117] : memref<2560x128xi32, #tpu.memory_space<hbm>> -> memref<40x128xi32, #tpu.memory_space<hbm>>
        tpu.wait_dma2 semaphore(%run_scoped3A : memref<!tpu.dma_semaphore, #tpu.memory_space<semaphore_mem>>) src(%dma_wait3A_118 : memref<40x128xi32, #tpu.memory_space<hbm>>) dst(%arg7 : memref<40x128xi32, #tpu.memory_space<vmem>>)
        tpu.yield
      }) : () -> ()
      %dma_start3A = arith.constant 0 : i32
      %dma_start3A_85 = arith.constant 0 : i32
      %dma_start3A_86 = arith.constant 0 : i32
      %dma_start3A_87 = tpu.memref_slice %arg8[%dma_start3A_85, %dma_start3A_86] : memref<256x128xf32, #tpu.memory_space<vmem>> -> memref<128x128xf32, #tpu.memory_space<vmem>>
      %dma_start3A_88 = arith.constant 0 : i32
      %dma_start3A_89 = tpu.memref_slice %arg6[%dma_start3A, %dma_start3A_88] : memref<40x128xi32, #tpu.memory_space<vmem>> -> memref<1x128xi32, #tpu.memory_space<vmem>>
      %dma_start3A_90 = tpu.memref_squeeze %dma_start3A_89 : memref<1x128xi32, #tpu.memory_space<vmem>> -> memref<128xi32, #tpu.memory_space<vmem>>
      %dma_start3A_91 = arith.constant 0 : i32
      %dma_start3A_92 = arith.constant 0 : i32
      %dma_start3A_93 = tpu.memref_slice %arg2[%dma_start3A_91, %dma_start3A_92] : memref<10240x128xf32, #tpu.memory_space<hbm>> -> memref<10240x128xf32, #tpu.memory_space<hbm>>
      tpu.enqueue_indirect_dma source(%dma_start3A_93 : memref<10240x128xf32, #tpu.memory_space<hbm>>) target(%dma_start3A_87 : memref<128x128xf32, #tpu.memory_space<vmem>>) offsets(%dma_start3A_90 : memref<128xi32, #tpu.memory_space<vmem>>) semaphore(%arg10 : memref<!tpu.dma_semaphore, #tpu.memory_space<semaphore_mem>>)
      %scan3A_94 = arith.constant 0 : i32
      %scan3A_95 = arith.constant 0 : i32
      %scan3A_96 = arith.constant 40 : i32
      %scan3A_97 = arith.addi %scan3A_95, %scan3A_96 : i32
      %scan3A_98 = arith.constant 1 : i32
      %scan3A_99 = scf.for %scan3A_111 = %scan3A_95 to %scan3A_97 step %scan3A_98 iter_args(%scan3A_112 = %scan3A_94) -> (i32)  : i32 {
        %jit3A_113 = arith.constant 2 : i32
        %eq3A_114 = arith.constant 0 : i32
        %eq3A_115 = arith.cmpi eq, %jit3A_113, %eq3A_114 : i32
        %jit3A_116 = arith.constant 1 : i32
        %select_n3A_117 = arith.select %eq3A_115, %jit3A_116, %jit3A_113 : i32
        %rem3A = arith.remsi %scan3A_111, %select_n3A_117 : i32
        %ne3A = arith.constant 0 : i32
        %ne3A_118 = arith.cmpi ne, %rem3A, %ne3A : i32
        %lt3A = arith.constant 0 : i32
        %lt3A_119 = arith.cmpi slt, %rem3A, %lt3A : i32
        %lt3A_120 = arith.constant 0 : i32
        %lt3A_121 = arith.cmpi slt, %select_n3A_117, %lt3A_120 : i32
        %ne3A_122 = arith.xori %lt3A_119, %lt3A_121 : i1
        %and3A = arith.andi %ne3A_122, %ne3A_118 : i1
        %add3A_123 = arith.addi %rem3A, %select_n3A_117 : i32
        %select_n3A_124 = arith.select %and3A, %add3A_123, %rem3A : i32
        %mul3A_125 = arith.constant 128 : i32
        %mul3A_126 = arith.muli %select_n3A_124, %mul3A_125 : i32
        %dma_wait3A_127 = arith.constant 0 : i32
        %dma_wait3A_128 = tpu.memref_slice %arg8[%mul3A_126, %dma_wait3A_127] : memref<256x128xf32, #tpu.memory_space<vmem>> -> memref<128x128xf32, #tpu.memory_space<vmem>>
        %dma_wait3A_129 = arith.constant 0 : i32
        %dma_wait3A_130 = tpu.memref_slice %arg6[%scan3A_111, %dma_wait3A_129] : memref<40x128xi32, #tpu.memory_space<vmem>> -> memref<1x128xi32, #tpu.memory_space<vmem>>
        %dma_wait3A_131 = tpu.memref_squeeze %dma_wait3A_130 : memref<1x128xi32, #tpu.memory_space<vmem>> -> memref<128xi32, #tpu.memory_space<vmem>>
        %dma_wait3A_132 = arith.constant 0 : i32
        %dma_wait3A_133 = arith.constant 0 : i32
        %dma_wait3A_134 = tpu.memref_slice %arg2[%dma_wait3A_132, %dma_wait3A_133] : memref<10240x128xf32, #tpu.memory_space<hbm>> -> memref<10240x128xf32, #tpu.memory_space<hbm>>
        tpu.wait_indirect_dma semaphore(%arg10 : memref<!tpu.dma_semaphore, #tpu.memory_space<semaphore_mem>>) src(%dma_wait3A_134 : memref<10240x128xf32, #tpu.memory_space<hbm>>) dst(%dma_wait3A_128 : memref<128x128xf32, #tpu.memory_space<vmem>>)
        %ge3A = arith.constant 1 : i32
        %ge3A_135 = arith.cmpi sge, %scan3A_111, %ge3A : i32
        %convert_element_type3A = arith.extui %ge3A_135 : i1 to i32
        %cond3A = arith.constant 0 : i32
        %cond3A_136 = arith.cmpi ne, %convert_element_type3A, %cond3A : i32
        scf.if %cond3A_136 {
          %sub3A_172 = arith.constant 1 : i32
          %sub3A_173 = arith.subi %scan3A_111, %sub3A_172 : i32
          %jit3A_174 = arith.constant 2 : i32
          %eq3A_175 = arith.constant 0 : i32
          %eq3A_176 = arith.cmpi eq, %jit3A_174, %eq3A_175 : i32
          %jit3A_177 = arith.constant 1 : i32
          %select_n3A_178 = arith.select %eq3A_176, %jit3A_177, %jit3A_174 : i32
          %rem3A_179 = arith.remsi %sub3A_173, %select_n3A_178 : i32
          %ne3A_180 = arith.constant 0 : i32
          %ne3A_181 = arith.cmpi ne, %rem3A_179, %ne3A_180 : i32
          %lt3A_182 = arith.constant 0 : i32
          %lt3A_183 = arith.cmpi slt, %rem3A_179, %lt3A_182 : i32
          %lt3A_184 = arith.constant 0 : i32
          %lt3A_185 = arith.cmpi slt, %select_n3A_178, %lt3A_184 : i32
          %ne3A_186 = arith.xori %lt3A_183, %lt3A_185 : i1
          %and3A_187 = arith.andi %ne3A_186, %ne3A_181 : i1
          %add3A_188 = arith.addi %rem3A_179, %select_n3A_178 : i32
          %select_n3A_189 = arith.select %and3A_187, %add3A_188, %rem3A_179 : i32
          %mul3A_190 = arith.constant 128 : i32
          %mul3A_191 = arith.muli %select_n3A_189, %mul3A_190 : i32
          %dma_wait3A_192 = arith.constant 0 : i32
          %dma_wait3A_193 = tpu.memref_slice %arg8[%mul3A_191, %dma_wait3A_192] : memref<256x128xf32, #tpu.memory_space<vmem>> -> memref<128x128xf32, #tpu.memory_space<vmem>>
          %dma_wait3A_194 = arith.constant 0 : i32
          %dma_wait3A_195 = tpu.memref_slice %arg7[%sub3A_173, %dma_wait3A_194] : memref<40x128xi32, #tpu.memory_space<vmem>> -> memref<1x128xi32, #tpu.memory_space<vmem>>
          %dma_wait3A_196 = tpu.memref_squeeze %dma_wait3A_195 : memref<1x128xi32, #tpu.memory_space<vmem>> -> memref<128xi32, #tpu.memory_space<vmem>>
          %dma_wait3A_197 = arith.constant 0 : i32
          %dma_wait3A_198 = arith.constant 0 : i32
          %dma_wait3A_199 = tpu.memref_slice %arg9[%dma_wait3A_197, %dma_wait3A_198] : memref<10240x128xf32, #tpu.memory_space<vmem_shared>> -> memref<10240x128xf32, #tpu.memory_space<vmem_shared>>
          tpu.wait_indirect_dma semaphore(%arg11 : memref<!tpu.dma_semaphore, #tpu.memory_space<semaphore_mem>>) src(%dma_wait3A_193 : memref<128x128xf32, #tpu.memory_space<vmem>>) dst(%dma_wait3A_199 : memref<10240x128xf32, #tpu.memory_space<vmem_shared>>)
        } else {
        }
        %add3A_137 = arith.constant 2 : i32
        %add3A_138 = arith.addi %scan3A_111, %add3A_137 : i32
        %sub3A = arith.constant 1 : i32
        %sub3A_139 = arith.subi %add3A_138, %sub3A : i32
        %lt3A_140 = arith.constant 40 : i32
        %lt3A_141 = arith.cmpi slt, %sub3A_139, %lt3A_140 : i32
        %convert_element_type3A_142 = arith.extui %lt3A_141 : i1 to i32
        %cond3A_143 = arith.constant 0 : i32
        %cond3A_144 = arith.cmpi ne, %convert_element_type3A_142, %cond3A_143 : i32
        scf.if %cond3A_144 {
          %add3A_172 = arith.constant 2 : i32
          %add3A_173 = arith.addi %scan3A_111, %add3A_172 : i32
          %sub3A_174 = arith.constant 1 : i32
          %sub3A_175 = arith.subi %add3A_173, %sub3A_174 : i32
          %jit3A_176 = arith.constant 2 : i32
          %eq3A_177 = arith.constant 0 : i32
          %eq3A_178 = arith.cmpi eq, %jit3A_176, %eq3A_177 : i32
          %jit3A_179 = arith.constant 1 : i32
          %select_n3A_180 = arith.select %eq3A_178, %jit3A_179, %jit3A_176 : i32
          %rem3A_181 = arith.remsi %sub3A_175, %select_n3A_180 : i32
          %ne3A_182 = arith.constant 0 : i32
          %ne3A_183 = arith.cmpi ne, %rem3A_181, %ne3A_182 : i32
          %lt3A_184 = arith.constant 0 : i32
          %lt3A_185 = arith.cmpi slt, %rem3A_181, %lt3A_184 : i32
          %lt3A_186 = arith.constant 0 : i32
          %lt3A_187 = arith.cmpi slt, %select_n3A_180, %lt3A_186 : i32
          %ne3A_188 = arith.xori %lt3A_185, %lt3A_187 : i1
          %and3A_189 = arith.andi %ne3A_188, %ne3A_183 : i1
          %add3A_190 = arith.addi %rem3A_181, %select_n3A_180 : i32
          %select_n3A_191 = arith.select %and3A_189, %add3A_190, %rem3A_181 : i32
          %mul3A_192 = arith.constant 128 : i32
          %mul3A_193 = arith.muli %select_n3A_191, %mul3A_192 : i32
          %dma_start3A_194 = arith.constant 0 : i32
          %dma_start3A_195 = tpu.memref_slice %arg8[%mul3A_193, %dma_start3A_194] : memref<256x128xf32, #tpu.memory_space<vmem>> -> memref<128x128xf32, #tpu.memory_space<vmem>>
          %dma_start3A_196 = arith.constant 0 : i32
          %dma_start3A_197 = tpu.memref_slice %arg6[%sub3A_175, %dma_start3A_196] : memref<40x128xi32, #tpu.memory_space<vmem>> -> memref<1x128xi32, #tpu.memory_space<vmem>>
          %dma_start3A_198 = tpu.memref_squeeze %dma_start3A_197 : memref<1x128xi32, #tpu.memory_space<vmem>> -> memref<128xi32, #tpu.memory_space<vmem>>
          %dma_start3A_199 = arith.constant 0 : i32
          %dma_start3A_200 = arith.constant 0 : i32
          %dma_start3A_201 = tpu.memref_slice %arg2[%dma_start3A_199, %dma_start3A_200] : memref<10240x128xf32, #tpu.memory_space<hbm>> -> memref<10240x128xf32, #tpu.memory_space<hbm>>
          tpu.enqueue_indirect_dma source(%dma_start3A_201 : memref<10240x128xf32, #tpu.memory_space<hbm>>) target(%dma_start3A_195 : memref<128x128xf32, #tpu.memory_space<vmem>>) offsets(%dma_start3A_198 : memref<128xi32, #tpu.memory_space<vmem>>) semaphore(%arg10 : memref<!tpu.dma_semaphore, #tpu.memory_space<semaphore_mem>>)
        } else {
        }
        %jit3A_145 = arith.constant 2 : i32
        %eq3A_146 = arith.constant 0 : i32
        %eq3A_147 = arith.cmpi eq, %jit3A_145, %eq3A_146 : i32
        %jit3A_148 = arith.constant 1 : i32
        %select_n3A_149 = arith.select %eq3A_147, %jit3A_148, %jit3A_145 : i32
        %rem3A_150 = arith.remsi %scan3A_111, %select_n3A_149 : i32
        %ne3A_151 = arith.constant 0 : i32
        %ne3A_152 = arith.cmpi ne, %rem3A_150, %ne3A_151 : i32
        %lt3A_153 = arith.constant 0 : i32
        %lt3A_154 = arith.cmpi slt, %rem3A_150, %lt3A_153 : i32
        %lt3A_155 = arith.constant 0 : i32
        %lt3A_156 = arith.cmpi slt, %select_n3A_149, %lt3A_155 : i32
        %ne3A_157 = arith.xori %lt3A_154, %lt3A_156 : i1
        %and3A_158 = arith.andi %ne3A_157, %ne3A_152 : i1
        %add3A_159 = arith.addi %rem3A_150, %select_n3A_149 : i32
        %select_n3A_160 = arith.select %and3A_158, %add3A_159, %rem3A_150 : i32
        %mul3A_161 = arith.constant 128 : i32
        %mul3A_162 = arith.muli %select_n3A_160, %mul3A_161 : i32
        %dma_start3A_163 = arith.constant 0 : i32
        %dma_start3A_164 = tpu.memref_slice %arg8[%mul3A_162, %dma_start3A_163] : memref<256x128xf32, #tpu.memory_space<vmem>> -> memref<128x128xf32, #tpu.memory_space<vmem>>
        %dma_start3A_165 = arith.constant 0 : i32
        %dma_start3A_166 = tpu.memref_slice %arg7[%scan3A_111, %dma_start3A_165] : memref<40x128xi32, #tpu.memory_space<vmem>> -> memref<1x128xi32, #tpu.memory_space<vmem>>
        %dma_start3A_167 = tpu.memref_squeeze %dma_start3A_166 : memref<1x128xi32, #tpu.memory_space<vmem>> -> memref<128xi32, #tpu.memory_space<vmem>>
        %dma_start3A_168 = arith.constant 0 : i32
        %dma_start3A_169 = arith.constant 0 : i32
        %dma_start3A_170 = tpu.memref_slice %arg9[%dma_start3A_168, %dma_start3A_169] : memref<10240x128xf32, #tpu.memory_space<vmem_shared>> -> memref<10240x128xf32, #tpu.memory_space<vmem_shared>>
        tpu.enqueue_indirect_dma source(%dma_start3A_164 : memref<128x128xf32, #tpu.memory_space<vmem>>) target(%dma_start3A_170 : memref<10240x128xf32, #tpu.memory_space<vmem_shared>>) offsets(%dma_start3A_167 : memref<128xi32, #tpu.memory_space<vmem>>) semaphore(%arg11 : memref<!tpu.dma_semaphore, #tpu.memory_space<semaphore_mem>>) {add = true}
        %scan3A_171 = arith.constant 0 : i32
        scf.yield %scan3A_171 : i32
      }
      %scan3A_100 = arith.constant 40 : i32
      %dma_wait3A = arith.constant 39 : i32
      %dma_wait3A_101 = arith.constant 128 : i32
      %dma_wait3A_102 = arith.constant 0 : i32
      %dma_wait3A_103 = tpu.memref_slice %arg8[%dma_wait3A_101, %dma_wait3A_102] : memref<256x128xf32, #tpu.memory_space<vmem>> -> memref<128x128xf32, #tpu.memory_space<vmem>>
      %dma_wait3A_104 = arith.constant 0 : i32
      %dma_wait3A_105 = tpu.memref_slice %arg7[%dma_wait3A, %dma_wait3A_104] : memref<40x128xi32, #tpu.memory_space<vmem>> -> memref<1x128xi32, #tpu.memory_space<vmem>>
      %dma_wait3A_106 = tpu.memref_squeeze %dma_wait3A_105 : memref<1x128xi32, #tpu.memory_space<vmem>> -> memref<128xi32, #tpu.memory_space<vmem>>
      %dma_wait3A_107 = arith.constant 0 : i32
      %dma_wait3A_108 = arith.constant 0 : i32
      %dma_wait3A_109 = tpu.memref_slice %arg9[%dma_wait3A_107, %dma_wait3A_108] : memref<10240x128xf32, #tpu.memory_space<vmem_shared>> -> memref<10240x128xf32, #tpu.memory_space<vmem_shared>>
      tpu.wait_indirect_dma semaphore(%arg11 : memref<!tpu.dma_semaphore, #tpu.memory_space<semaphore_mem>>) src(%dma_wait3A_103 : memref<128x128xf32, #tpu.memory_space<vmem>>) dst(%dma_wait3A_109 : memref<10240x128xf32, #tpu.memory_space<vmem_shared>>)
      %while3A_110 = arith.constant 0 : i32
      scf.yield %while3A_110 : i32
    }
    %while3A_42 = arith.constant 1 : i32
    %while3A_43 = scf.for %while3A_80 = %while3A_39 to %while3A_35 step %while3A_42 iter_args(%while3A_81 = %while3A_41) -> (i32)  : i32 {
      %mul3A_82 = arith.constant 40 : i32
      %mul3A_83 = arith.muli %while3A_80, %mul3A_82 : i32
      %add3A_84 = arith.addi %add3A_29, %mul3A_83 : i32
      "tpu.region"() ({
        %run_scoped3A = tpu.sem_alloc : memref<!tpu.dma_semaphore, #tpu.memory_space<semaphore_mem>>
        %dma_start3A_111 = arith.constant 0 : i32
        %dma_start3A_112 = tpu.memref_slice %arg3[%add3A_84, %dma_start3A_111] : memref<2560x128xi32, #tpu.memory_space<hbm>> -> memref<40x128xi32, #tpu.memory_space<hbm>>
        %dma_start3A_113 = arith.constant 0 : i32
        %dma_start3A_114 = tpu.memref_slice %arg3[%add3A_84, %dma_start3A_113] : memref<2560x128xi32, #tpu.memory_space<hbm>> -> memref<40x128xi32, #tpu.memory_space<hbm>>
        tpu.enqueue_dma source(%dma_start3A_114 : memref<40x128xi32, #tpu.memory_space<hbm>>) target(%arg6 : memref<40x128xi32, #tpu.memory_space<vmem>>) target_semaphore(%run_scoped3A : memref<!tpu.dma_semaphore, #tpu.memory_space<semaphore_mem>>)
        %dma_wait3A_115 = arith.constant 0 : i32
        %dma_wait3A_116 = tpu.memref_slice %arg3[%add3A_84, %dma_wait3A_115] : memref<2560x128xi32, #tpu.memory_space<hbm>> -> memref<40x128xi32, #tpu.memory_space<hbm>>
        %dma_wait3A_117 = arith.constant 0 : i32
        %dma_wait3A_118 = tpu.memref_slice %arg3[%add3A_84, %dma_wait3A_117] : memref<2560x128xi32, #tpu.memory_space<hbm>> -> memref<40x128xi32, #tpu.memory_space<hbm>>
        tpu.wait_dma2 semaphore(%run_scoped3A : memref<!tpu.dma_semaphore, #tpu.memory_space<semaphore_mem>>) src(%dma_wait3A_118 : memref<40x128xi32, #tpu.memory_space<hbm>>) dst(%arg6 : memref<40x128xi32, #tpu.memory_space<vmem>>)
        tpu.yield
      }) : () -> ()
      "tpu.region"() ({
        %run_scoped3A = tpu.sem_alloc : memref<!tpu.dma_semaphore, #tpu.memory_space<semaphore_mem>>
        %dma_start3A_111 = arith.constant 0 : i32
        %dma_start3A_112 = tpu.memref_slice %arg4[%add3A_84, %dma_start3A_111] : memref<2560x128xi32, #tpu.memory_space<hbm>> -> memref<40x128xi32, #tpu.memory_space<hbm>>
        %dma_start3A_113 = arith.constant 0 : i32
        %dma_start3A_114 = tpu.memref_slice %arg4[%add3A_84, %dma_start3A_113] : memref<2560x128xi32, #tpu.memory_space<hbm>> -> memref<40x128xi32, #tpu.memory_space<hbm>>
        tpu.enqueue_dma source(%dma_start3A_114 : memref<40x128xi32, #tpu.memory_space<hbm>>) target(%arg7 : memref<40x128xi32, #tpu.memory_space<vmem>>) target_semaphore(%run_scoped3A : memref<!tpu.dma_semaphore, #tpu.memory_space<semaphore_mem>>)
        %dma_wait3A_115 = arith.constant 0 : i32
        %dma_wait3A_116 = tpu.memref_slice %arg4[%add3A_84, %dma_wait3A_115] : memref<2560x128xi32, #tpu.memory_space<hbm>> -> memref<40x128xi32, #tpu.memory_space<hbm>>
        %dma_wait3A_117 = arith.constant 0 : i32
        %dma_wait3A_118 = tpu.memref_slice %arg4[%add3A_84, %dma_wait3A_117] : memref<2560x128xi32, #tpu.memory_space<hbm>> -> memref<40x128xi32, #tpu.memory_space<hbm>>
        tpu.wait_dma2 semaphore(%run_scoped3A : memref<!tpu.dma_semaphore, #tpu.memory_space<semaphore_mem>>) src(%dma_wait3A_118 : memref<40x128xi32, #tpu.memory_space<hbm>>) dst(%arg7 : memref<40x128xi32, #tpu.memory_space<vmem>>)
        tpu.yield
      }) : () -> ()
      %dma_start3A = arith.constant 0 : i32
      %dma_start3A_85 = arith.constant 0 : i32
      %dma_start3A_86 = arith.constant 0 : i32
      %dma_start3A_87 = tpu.memref_slice %arg8[%dma_start3A_85, %dma_start3A_86] : memref<256x128xf32, #tpu.memory_space<vmem>> -> memref<128x128xf32, #tpu.memory_space<vmem>>
      %dma_start3A_88 = arith.constant 0 : i32
      %dma_start3A_89 = tpu.memref_slice %arg6[%dma_start3A, %dma_start3A_88] : memref<40x128xi32, #tpu.memory_space<vmem>> -> memref<1x128xi32, #tpu.memory_space<vmem>>
      %dma_start3A_90 = tpu.memref_squeeze %dma_start3A_89 : memref<1x128xi32, #tpu.memory_space<vmem>> -> memref<128xi32, #tpu.memory_space<vmem>>
      %dma_start3A_91 = arith.constant 0 : i32
      %dma_start3A_92 = arith.constant 0 : i32
      %dma_start3A_93 = tpu.memref_slice %arg2[%dma_start3A_91, %dma_start3A_92] : memref<10240x128xf32, #tpu.memory_space<hbm>> -> memref<10240x128xf32, #tpu.memory_space<hbm>>
      tpu.enqueue_indirect_dma source(%dma_start3A_93 : memref<10240x128xf32, #tpu.memory_space<hbm>>) target(%dma_start3A_87 : memref<128x128xf32, #tpu.memory_space<vmem>>) offsets(%dma_start3A_90 : memref<128xi32, #tpu.memory_space<vmem>>) semaphore(%arg10 : memref<!tpu.dma_semaphore, #tpu.memory_space<semaphore_mem>>)
      %scan3A_94 = arith.constant 0 : i32
      %scan3A_95 = arith.constant 0 : i32
      %scan3A_96 = arith.constant 40 : i32
      %scan3A_97 = arith.addi %scan3A_95, %scan3A_96 : i32
      %scan3A_98 = arith.constant 1 : i32
      %scan3A_99 = scf.for %scan3A_111 = %scan3A_95 to %scan3A_97 step %scan3A_98 iter_args(%scan3A_112 = %scan3A_94) -> (i32)  : i32 {
        %jit3A_113 = arith.constant 2 : i32
        %eq3A_114 = arith.constant 0 : i32
        %eq3A_115 = arith.cmpi eq, %jit3A_113, %eq3A_114 : i32
        %jit3A_116 = arith.constant 1 : i32
        %select_n3A_117 = arith.select %eq3A_115, %jit3A_116, %jit3A_113 : i32
        %rem3A = arith.remsi %scan3A_111, %select_n3A_117 : i32
        %ne3A = arith.constant 0 : i32
        %ne3A_118 = arith.cmpi ne, %rem3A, %ne3A : i32
        %lt3A = arith.constant 0 : i32
        %lt3A_119 = arith.cmpi slt, %rem3A, %lt3A : i32
        %lt3A_120 = arith.constant 0 : i32
        %lt3A_121 = arith.cmpi slt, %select_n3A_117, %lt3A_120 : i32
        %ne3A_122 = arith.xori %lt3A_119, %lt3A_121 : i1
        %and3A = arith.andi %ne3A_122, %ne3A_118 : i1
        %add3A_123 = arith.addi %rem3A, %select_n3A_117 : i32
        %select_n3A_124 = arith.select %and3A, %add3A_123, %rem3A : i32
        %mul3A_125 = arith.constant 128 : i32
        %mul3A_126 = arith.muli %select_n3A_124, %mul3A_125 : i32
        %dma_wait3A_127 = arith.constant 0 : i32
        %dma_wait3A_128 = tpu.memref_slice %arg8[%mul3A_126, %dma_wait3A_127] : memref<256x128xf32, #tpu.memory_space<vmem>> -> memref<128x128xf32, #tpu.memory_space<vmem>>
        %dma_wait3A_129 = arith.constant 0 : i32
        %dma_wait3A_130 = tpu.memref_slice %arg6[%scan3A_111, %dma_wait3A_129] : memref<40x128xi32, #tpu.memory_space<vmem>> -> memref<1x128xi32, #tpu.memory_space<vmem>>
        %dma_wait3A_131 = tpu.memref_squeeze %dma_wait3A_130 : memref<1x128xi32, #tpu.memory_space<vmem>> -> memref<128xi32, #tpu.memory_space<vmem>>
        %dma_wait3A_132 = arith.constant 0 : i32
        %dma_wait3A_133 = arith.constant 0 : i32
        %dma_wait3A_134 = tpu.memref_slice %arg2[%dma_wait3A_132, %dma_wait3A_133] : memref<10240x128xf32, #tpu.memory_space<hbm>> -> memref<10240x128xf32, #tpu.memory_space<hbm>>
        tpu.wait_indirect_dma semaphore(%arg10 : memref<!tpu.dma_semaphore, #tpu.memory_space<semaphore_mem>>) src(%dma_wait3A_134 : memref<10240x128xf32, #tpu.memory_space<hbm>>) dst(%dma_wait3A_128 : memref<128x128xf32, #tpu.memory_space<vmem>>)
        %ge3A = arith.constant 1 : i32
        %ge3A_135 = arith.cmpi sge, %scan3A_111, %ge3A : i32
        %convert_element_type3A = arith.extui %ge3A_135 : i1 to i32
        %cond3A = arith.constant 0 : i32
        %cond3A_136 = arith.cmpi ne, %convert_element_type3A, %cond3A : i32
        scf.if %cond3A_136 {
          %sub3A_172 = arith.constant 1 : i32
          %sub3A_173 = arith.subi %scan3A_111, %sub3A_172 : i32
          %jit3A_174 = arith.constant 2 : i32
          %eq3A_175 = arith.constant 0 : i32
          %eq3A_176 = arith.cmpi eq, %jit3A_174, %eq3A_175 : i32
          %jit3A_177 = arith.constant 1 : i32
          %select_n3A_178 = arith.select %eq3A_176, %jit3A_177, %jit3A_174 : i32
          %rem3A_179 = arith.remsi %sub3A_173, %select_n3A_178 : i32
          %ne3A_180 = arith.constant 0 : i32
          %ne3A_181 = arith.cmpi ne, %rem3A_179, %ne3A_180 : i32
          %lt3A_182 = arith.constant 0 : i32
          %lt3A_183 = arith.cmpi slt, %rem3A_179, %lt3A_182 : i32
          %lt3A_184 = arith.constant 0 : i32
          %lt3A_185 = arith.cmpi slt, %select_n3A_178, %lt3A_184 : i32
          %ne3A_186 = arith.xori %lt3A_183, %lt3A_185 : i1
          %and3A_187 = arith.andi %ne3A_186, %ne3A_181 : i1
          %add3A_188 = arith.addi %rem3A_179, %select_n3A_178 : i32
          %select_n3A_189 = arith.select %and3A_187, %add3A_188, %rem3A_179 : i32
          %mul3A_190 = arith.constant 128 : i32
          %mul3A_191 = arith.muli %select_n3A_189, %mul3A_190 : i32
          %dma_wait3A_192 = arith.constant 0 : i32
          %dma_wait3A_193 = tpu.memref_slice %arg8[%mul3A_191, %dma_wait3A_192] : memref<256x128xf32, #tpu.memory_space<vmem>> -> memref<128x128xf32, #tpu.memory_space<vmem>>
          %dma_wait3A_194 = arith.constant 0 : i32
          %dma_wait3A_195 = tpu.memref_slice %arg7[%sub3A_173, %dma_wait3A_194] : memref<40x128xi32, #tpu.memory_space<vmem>> -> memref<1x128xi32, #tpu.memory_space<vmem>>
          %dma_wait3A_196 = tpu.memref_squeeze %dma_wait3A_195 : memref<1x128xi32, #tpu.memory_space<vmem>> -> memref<128xi32, #tpu.memory_space<vmem>>
          %dma_wait3A_197 = arith.constant 0 : i32
          %dma_wait3A_198 = arith.constant 0 : i32
          %dma_wait3A_199 = tpu.memref_slice %arg9[%dma_wait3A_197, %dma_wait3A_198] : memref<10240x128xf32, #tpu.memory_space<vmem_shared>> -> memref<10240x128xf32, #tpu.memory_space<vmem_shared>>
          tpu.wait_indirect_dma semaphore(%arg11 : memref<!tpu.dma_semaphore, #tpu.memory_space<semaphore_mem>>) src(%dma_wait3A_193 : memref<128x128xf32, #tpu.memory_space<vmem>>) dst(%dma_wait3A_199 : memref<10240x128xf32, #tpu.memory_space<vmem_shared>>)
        } else {
        }
        %add3A_137 = arith.constant 2 : i32
        %add3A_138 = arith.addi %scan3A_111, %add3A_137 : i32
        %sub3A = arith.constant 1 : i32
        %sub3A_139 = arith.subi %add3A_138, %sub3A : i32
        %lt3A_140 = arith.constant 40 : i32
        %lt3A_141 = arith.cmpi slt, %sub3A_139, %lt3A_140 : i32
        %convert_element_type3A_142 = arith.extui %lt3A_141 : i1 to i32
        %cond3A_143 = arith.constant 0 : i32
        %cond3A_144 = arith.cmpi ne, %convert_element_type3A_142, %cond3A_143 : i32
        scf.if %cond3A_144 {
          %add3A_172 = arith.constant 2 : i32
          %add3A_173 = arith.addi %scan3A_111, %add3A_172 : i32
          %sub3A_174 = arith.constant 1 : i32
          %sub3A_175 = arith.subi %add3A_173, %sub3A_174 : i32
          %jit3A_176 = arith.constant 2 : i32
          %eq3A_177 = arith.constant 0 : i32
          %eq3A_178 = arith.cmpi eq, %jit3A_176, %eq3A_177 : i32
          %jit3A_179 = arith.constant 1 : i32
          %select_n3A_180 = arith.select %eq3A_178, %jit3A_179, %jit3A_176 : i32
          %rem3A_181 = arith.remsi %sub3A_175, %select_n3A_180 : i32
          %ne3A_182 = arith.constant 0 : i32
          %ne3A_183 = arith.cmpi ne, %rem3A_181, %ne3A_182 : i32
          %lt3A_184 = arith.constant 0 : i32
          %lt3A_185 = arith.cmpi slt, %rem3A_181, %lt3A_184 : i32
          %lt3A_186 = arith.constant 0 : i32
          %lt3A_187 = arith.cmpi slt, %select_n3A_180, %lt3A_186 : i32
          %ne3A_188 = arith.xori %lt3A_185, %lt3A_187 : i1
          %and3A_189 = arith.andi %ne3A_188, %ne3A_183 : i1
          %add3A_190 = arith.addi %rem3A_181, %select_n3A_180 : i32
          %select_n3A_191 = arith.select %and3A_189, %add3A_190, %rem3A_181 : i32
          %mul3A_192 = arith.constant 128 : i32
          %mul3A_193 = arith.muli %select_n3A_191, %mul3A_192 : i32
          %dma_start3A_194 = arith.constant 0 : i32
          %dma_start3A_195 = tpu.memref_slice %arg8[%mul3A_193, %dma_start3A_194] : memref<256x128xf32, #tpu.memory_space<vmem>> -> memref<128x128xf32, #tpu.memory_space<vmem>>
          %dma_start3A_196 = arith.constant 0 : i32
          %dma_start3A_197 = tpu.memref_slice %arg6[%sub3A_175, %dma_start3A_196] : memref<40x128xi32, #tpu.memory_space<vmem>> -> memref<1x128xi32, #tpu.memory_space<vmem>>
          %dma_start3A_198 = tpu.memref_squeeze %dma_start3A_197 : memref<1x128xi32, #tpu.memory_space<vmem>> -> memref<128xi32, #tpu.memory_space<vmem>>
          %dma_start3A_199 = arith.constant 0 : i32
          %dma_start3A_200 = arith.constant 0 : i32
          %dma_start3A_201 = tpu.memref_slice %arg2[%dma_start3A_199, %dma_start3A_200] : memref<10240x128xf32, #tpu.memory_space<hbm>> -> memref<10240x128xf32, #tpu.memory_space<hbm>>
          tpu.enqueue_indirect_dma source(%dma_start3A_201 : memref<10240x128xf32, #tpu.memory_space<hbm>>) target(%dma_start3A_195 : memref<128x128xf32, #tpu.memory_space<vmem>>) offsets(%dma_start3A_198 : memref<128xi32, #tpu.memory_space<vmem>>) semaphore(%arg10 : memref<!tpu.dma_semaphore, #tpu.memory_space<semaphore_mem>>)
        } else {
        }
        %jit3A_145 = arith.constant 2 : i32
        %eq3A_146 = arith.constant 0 : i32
        %eq3A_147 = arith.cmpi eq, %jit3A_145, %eq3A_146 : i32
        %jit3A_148 = arith.constant 1 : i32
        %select_n3A_149 = arith.select %eq3A_147, %jit3A_148, %jit3A_145 : i32
        %rem3A_150 = arith.remsi %scan3A_111, %select_n3A_149 : i32
        %ne3A_151 = arith.constant 0 : i32
        %ne3A_152 = arith.cmpi ne, %rem3A_150, %ne3A_151 : i32
        %lt3A_153 = arith.constant 0 : i32
        %lt3A_154 = arith.cmpi slt, %rem3A_150, %lt3A_153 : i32
        %lt3A_155 = arith.constant 0 : i32
        %lt3A_156 = arith.cmpi slt, %select_n3A_149, %lt3A_155 : i32
        %ne3A_157 = arith.xori %lt3A_154, %lt3A_156 : i1
        %and3A_158 = arith.andi %ne3A_157, %ne3A_152 : i1
        %add3A_159 = arith.addi %rem3A_150, %select_n3A_149 : i32
        %select_n3A_160 = arith.select %and3A_158, %add3A_159, %rem3A_150 : i32
        %mul3A_161 = arith.constant 128 : i32
        %mul3A_162 = arith.muli %select_n3A_160, %mul3A_161 : i32
        %dma_start3A_163 = arith.constant 0 : i32
        %dma_start3A_164 = tpu.memref_slice %arg8[%mul3A_162, %dma_start3A_163] : memref<256x128xf32, #tpu.memory_space<vmem>> -> memref<128x128xf32, #tpu.memory_space<vmem>>
        %dma_start3A_165 = arith.constant 0 : i32
        %dma_start3A_166 = tpu.memref_slice %arg7[%scan3A_111, %dma_start3A_165] : memref<40x128xi32, #tpu.memory_space<vmem>> -> memref<1x128xi32, #tpu.memory_space<vmem>>
        %dma_start3A_167 = tpu.memref_squeeze %dma_start3A_166 : memref<1x128xi32, #tpu.memory_space<vmem>> -> memref<128xi32, #tpu.memory_space<vmem>>
        %dma_start3A_168 = arith.constant 0 : i32
        %dma_start3A_169 = arith.constant 0 : i32
        %dma_start3A_170 = tpu.memref_slice %arg9[%dma_start3A_168, %dma_start3A_169] : memref<10240x128xf32, #tpu.memory_space<vmem_shared>> -> memref<10240x128xf32, #tpu.memory_space<vmem_shared>>
        tpu.enqueue_indirect_dma source(%dma_start3A_164 : memref<128x128xf32, #tpu.memory_space<vmem>>) target(%dma_start3A_170 : memref<10240x128xf32, #tpu.memory_space<vmem_shared>>) offsets(%dma_start3A_167 : memref<128xi32, #tpu.memory_space<vmem>>) semaphore(%arg11 : memref<!tpu.dma_semaphore, #tpu.memory_space<semaphore_mem>>) {add = true}
        %scan3A_171 = arith.constant 0 : i32
        scf.yield %scan3A_171 : i32
      }
      %scan3A_100 = arith.constant 40 : i32
      %dma_wait3A = arith.constant 39 : i32
      %dma_wait3A_101 = arith.constant 128 : i32
      %dma_wait3A_102 = arith.constant 0 : i32
      %dma_wait3A_103 = tpu.memref_slice %arg8[%dma_wait3A_101, %dma_wait3A_102] : memref<256x128xf32, #tpu.memory_space<vmem>> -> memref<128x128xf32, #tpu.memory_space<vmem>>
      %dma_wait3A_104 = arith.constant 0 : i32
      %dma_wait3A_105 = tpu.memref_slice %arg7[%dma_wait3A, %dma_wait3A_104] : memref<40x128xi32, #tpu.memory_space<vmem>> -> memref<1x128xi32, #tpu.memory_space<vmem>>
      %dma_wait3A_106 = tpu.memref_squeeze %dma_wait3A_105 : memref<1x128xi32, #tpu.memory_space<vmem>> -> memref<128xi32, #tpu.memory_space<vmem>>
      %dma_wait3A_107 = arith.constant 0 : i32
      %dma_wait3A_108 = arith.constant 0 : i32
      %dma_wait3A_109 = tpu.memref_slice %arg9[%dma_wait3A_107, %dma_wait3A_108] : memref<10240x128xf32, #tpu.memory_space<vmem_shared>> -> memref<10240x128xf32, #tpu.memory_space<vmem_shared>>
      tpu.wait_indirect_dma semaphore(%arg11 : memref<!tpu.dma_semaphore, #tpu.memory_space<semaphore_mem>>) src(%dma_wait3A_103 : memref<128x128xf32, #tpu.memory_space<vmem>>) dst(%dma_wait3A_109 : memref<10240x128xf32, #tpu.memory_space<vmem_shared>>)
      %while3A_110 = arith.constant 0 : i32
      scf.yield %while3A_110 : i32
    }
    %barrier3A_44 = arith.constant 0 : index
    tpu.barrier barrier_id(%barrier3A_44)
    %mul3A_45 = arith.constant 640 : i32
    %mul3A_46 = arith.muli %arg1, %mul3A_45 : i32
    %add3A_47 = arith.constant 0 : i32
    %add3A_48 = arith.addi %mul3A_46, %add3A_47 : i32
    %mul3A_49 = arith.constant 10240 : i32
    %mul3A_50 = arith.muli %arg0, %mul3A_49 : i32
    %add3A_51 = arith.addi %mul3A_50, %add3A_48 : i32
    "tpu.region"() ({
      %run_scoped3A = tpu.sem_alloc : memref<!tpu.dma_semaphore, #tpu.memory_space<semaphore_mem>>
      %dma_start3A = arith.constant 0 : i32
      %dma_start3A_80 = tpu.memref_slice %arg5[%add3A_51, %dma_start3A] : memref<20480x128xf32, #tpu.memory_space<hbm>> -> memref<128x128xf32, #tpu.memory_space<hbm>>
      %dma_start3A_81 = arith.constant 0 : i32
      %dma_start3A_82 = tpu.memref_slice %arg9[%add3A_48, %dma_start3A_81] : memref<10240x128xf32, #tpu.memory_space<vmem_shared>> -> memref<128x128xf32, #tpu.memory_space<vmem_shared>>
      tpu.enqueue_dma source(%dma_start3A_82 : memref<128x128xf32, #tpu.memory_space<vmem_shared>>) target(%dma_start3A_80 : memref<128x128xf32, #tpu.memory_space<hbm>>) target_semaphore(%run_scoped3A : memref<!tpu.dma_semaphore, #tpu.memory_space<semaphore_mem>>)
      %dma_wait3A = arith.constant 0 : i32
      %dma_wait3A_83 = tpu.memref_slice %arg5[%add3A_51, %dma_wait3A] : memref<20480x128xf32, #tpu.memory_space<hbm>> -> memref<128x128xf32, #tpu.memory_space<hbm>>
      %dma_wait3A_84 = arith.constant 0 : i32
      %dma_wait3A_85 = tpu.memref_slice %arg9[%add3A_48, %dma_wait3A_84] : memref<10240x128xf32, #tpu.memory_space<vmem_shared>> -> memref<128x128xf32, #tpu.memory_space<vmem_shared>>
      tpu.wait_dma2 semaphore(%run_scoped3A : memref<!tpu.dma_semaphore, #tpu.memory_space<semaphore_mem>>) src(%dma_wait3A_85 : memref<128x128xf32, #tpu.memory_space<vmem_shared>>) dst(%dma_wait3A_83 : memref<128x128xf32, #tpu.memory_space<hbm>>)
      tpu.yield
    }) : () -> ()
    %mul3A_52 = arith.constant 640 : i32
    %mul3A_53 = arith.muli %arg1, %mul3A_52 : i32
    %add3A_54 = arith.constant 128 : i32
    %add3A_55 = arith.addi %mul3A_53, %add3A_54 : i32
    %mul3A_56 = arith.constant 10240 : i32
    %mul3A_57 = arith.muli %arg0, %mul3A_56 : i32
    %add3A_58 = arith.addi %mul3A_57, %add3A_55 : i32
    "tpu.region"() ({
      %run_scoped3A = tpu.sem_alloc : memref<!tpu.dma_semaphore, #tpu.memory_space<semaphore_mem>>
      %dma_start3A = arith.constant 0 : i32
      %dma_start3A_80 = tpu.memref_slice %arg5[%add3A_58, %dma_start3A] : memref<20480x128xf32, #tpu.memory_space<hbm>> -> memref<128x128xf32, #tpu.memory_space<hbm>>
      %dma_start3A_81 = arith.constant 0 : i32
      %dma_start3A_82 = tpu.memref_slice %arg9[%add3A_55, %dma_start3A_81] : memref<10240x128xf32, #tpu.memory_space<vmem_shared>> -> memref<128x128xf32, #tpu.memory_space<vmem_shared>>
      tpu.enqueue_dma source(%dma_start3A_82 : memref<128x128xf32, #tpu.memory_space<vmem_shared>>) target(%dma_start3A_80 : memref<128x128xf32, #tpu.memory_space<hbm>>) target_semaphore(%run_scoped3A : memref<!tpu.dma_semaphore, #tpu.memory_space<semaphore_mem>>)
      %dma_wait3A = arith.constant 0 : i32
      %dma_wait3A_83 = tpu.memref_slice %arg5[%add3A_58, %dma_wait3A] : memref<20480x128xf32, #tpu.memory_space<hbm>> -> memref<128x128xf32, #tpu.memory_space<hbm>>
      %dma_wait3A_84 = arith.constant 0 : i32
      %dma_wait3A_85 = tpu.memref_slice %arg9[%add3A_55, %dma_wait3A_84] : memref<10240x128xf32, #tpu.memory_space<vmem_shared>> -> memref<128x128xf32, #tpu.memory_space<vmem_shared>>
      tpu.wait_dma2 semaphore(%run_scoped3A : memref<!tpu.dma_semaphore, #tpu.memory_space<semaphore_mem>>) src(%dma_wait3A_85 : memref<128x128xf32, #tpu.memory_space<vmem_shared>>) dst(%dma_wait3A_83 : memref<128x128xf32, #tpu.memory_space<hbm>>)
      tpu.yield
    }) : () -> ()
    %mul3A_59 = arith.constant 640 : i32
    %mul3A_60 = arith.muli %arg1, %mul3A_59 : i32
    %add3A_61 = arith.constant 256 : i32
    %add3A_62 = arith.addi %mul3A_60, %add3A_61 : i32
    %mul3A_63 = arith.constant 10240 : i32
    %mul3A_64 = arith.muli %arg0, %mul3A_63 : i32
    %add3A_65 = arith.addi %mul3A_64, %add3A_62 : i32
    "tpu.region"() ({
      %run_scoped3A = tpu.sem_alloc : memref<!tpu.dma_semaphore, #tpu.memory_space<semaphore_mem>>
      %dma_start3A = arith.constant 0 : i32
      %dma_start3A_80 = tpu.memref_slice %arg5[%add3A_65, %dma_start3A] : memref<20480x128xf32, #tpu.memory_space<hbm>> -> memref<128x128xf32, #tpu.memory_space<hbm>>
      %dma_start3A_81 = arith.constant 0 : i32
      %dma_start3A_82 = tpu.memref_slice %arg9[%add3A_62, %dma_start3A_81] : memref<10240x128xf32, #tpu.memory_space<vmem_shared>> -> memref<128x128xf32, #tpu.memory_space<vmem_shared>>
      tpu.enqueue_dma source(%dma_start3A_82 : memref<128x128xf32, #tpu.memory_space<vmem_shared>>) target(%dma_start3A_80 : memref<128x128xf32, #tpu.memory_space<hbm>>) target_semaphore(%run_scoped3A : memref<!tpu.dma_semaphore, #tpu.memory_space<semaphore_mem>>)
      %dma_wait3A = arith.constant 0 : i32
      %dma_wait3A_83 = tpu.memref_slice %arg5[%add3A_65, %dma_wait3A] : memref<20480x128xf32, #tpu.memory_space<hbm>> -> memref<128x128xf32, #tpu.memory_space<hbm>>
      %dma_wait3A_84 = arith.constant 0 : i32
      %dma_wait3A_85 = tpu.memref_slice %arg9[%add3A_62, %dma_wait3A_84] : memref<10240x128xf32, #tpu.memory_space<vmem_shared>> -> memref<128x128xf32, #tpu.memory_space<vmem_shared>>
      tpu.wait_dma2 semaphore(%run_scoped3A : memref<!tpu.dma_semaphore, #tpu.memory_space<semaphore_mem>>) src(%dma_wait3A_85 : memref<128x128xf32, #tpu.memory_space<vmem_shared>>) dst(%dma_wait3A_83 : memref<128x128xf32, #tpu.memory_space<hbm>>)
      tpu.yield
    }) : () -> ()
    %mul3A_66 = arith.constant 640 : i32
    %mul3A_67 = arith.muli %arg1, %mul3A_66 : i32
    %add3A_68 = arith.constant 384 : i32
    %add3A_69 = arith.addi %mul3A_67, %add3A_68 : i32
    %mul3A_70 = arith.constant 10240 : i32
    %mul3A_71 = arith.muli %arg0, %mul3A_70 : i32
    %add3A_72 = arith.addi %mul3A_71, %add3A_69 : i32
    "tpu.region"() ({
      %run_scoped3A = tpu.sem_alloc : memref<!tpu.dma_semaphore, #tpu.memory_space<semaphore_mem>>
      %dma_start3A = arith.constant 0 : i32
      %dma_start3A_80 = tpu.memref_slice %arg5[%add3A_72, %dma_start3A] : memref<20480x128xf32, #tpu.memory_space<hbm>> -> memref<128x128xf32, #tpu.memory_space<hbm>>
      %dma_start3A_81 = arith.constant 0 : i32
      %dma_start3A_82 = tpu.memref_slice %arg9[%add3A_69, %dma_start3A_81] : memref<10240x128xf32, #tpu.memory_space<vmem_shared>> -> memref<128x128xf32, #tpu.memory_space<vmem_shared>>
      tpu.enqueue_dma source(%dma_start3A_82 : memref<128x128xf32, #tpu.memory_space<vmem_shared>>) target(%dma_start3A_80 : memref<128x128xf32, #tpu.memory_space<hbm>>) target_semaphore(%run_scoped3A : memref<!tpu.dma_semaphore, #tpu.memory_space<semaphore_mem>>)
      %dma_wait3A = arith.constant 0 : i32
      %dma_wait3A_83 = tpu.memref_slice %arg5[%add3A_72, %dma_wait3A] : memref<20480x128xf32, #tpu.memory_space<hbm>> -> memref<128x128xf32, #tpu.memory_space<hbm>>
      %dma_wait3A_84 = arith.constant 0 : i32
      %dma_wait3A_85 = tpu.memref_slice %arg9[%add3A_69, %dma_wait3A_84] : memref<10240x128xf32, #tpu.memory_space<vmem_shared>> -> memref<128x128xf32, #tpu.memory_space<vmem_shared>>
      tpu.wait_dma2 semaphore(%run_scoped3A : memref<!tpu.dma_semaphore, #tpu.memory_space<semaphore_mem>>) src(%dma_wait3A_85 : memref<128x128xf32, #tpu.memory_space<vmem_shared>>) dst(%dma_wait3A_83 : memref<128x128xf32, #tpu.memory_space<hbm>>)
      tpu.yield
    }) : () -> ()
    %mul3A_73 = arith.constant 640 : i32
    %mul3A_74 = arith.muli %arg1, %mul3A_73 : i32
    %add3A_75 = arith.constant 512 : i32
    %add3A_76 = arith.addi %mul3A_74, %add3A_75 : i32
    %mul3A_77 = arith.constant 10240 : i32
    %mul3A_78 = arith.muli %arg0, %mul3A_77 : i32
    %add3A_79 = arith.addi %mul3A_78, %add3A_76 : i32
    "tpu.region"() ({
      %run_scoped3A = tpu.sem_alloc : memref<!tpu.dma_semaphore, #tpu.memory_space<semaphore_mem>>
      %dma_start3A = arith.constant 0 : i32
      %dma_start3A_80 = tpu.memref_slice %arg5[%add3A_79, %dma_start3A] : memref<20480x128xf32, #tpu.memory_space<hbm>> -> memref<128x128xf32, #tpu.memory_space<hbm>>
      %dma_start3A_81 = arith.constant 0 : i32
      %dma_start3A_82 = tpu.memref_slice %arg9[%add3A_76, %dma_start3A_81] : memref<10240x128xf32, #tpu.memory_space<vmem_shared>> -> memref<128x128xf32, #tpu.memory_space<vmem_shared>>
      tpu.enqueue_dma source(%dma_start3A_82 : memref<128x128xf32, #tpu.memory_space<vmem_shared>>) target(%dma_start3A_80 : memref<128x128xf32, #tpu.memory_space<hbm>>) target_semaphore(%run_scoped3A : memref<!tpu.dma_semaphore, #tpu.memory_space<semaphore_mem>>)
      %dma_wait3A = arith.constant 0 : i32
      %dma_wait3A_83 = tpu.memref_slice %arg5[%add3A_79, %dma_wait3A] : memref<20480x128xf32, #tpu.memory_space<hbm>> -> memref<128x128xf32, #tpu.memory_space<hbm>>
      %dma_wait3A_84 = arith.constant 0 : i32
      %dma_wait3A_85 = tpu.memref_slice %arg9[%add3A_76, %dma_wait3A_84] : memref<10240x128xf32, #tpu.memory_space<vmem_shared>> -> memref<128x128xf32, #tpu.memory_space<vmem_shared>>
      tpu.wait_dma2 semaphore(%run_scoped3A : memref<!tpu.dma_semaphore, #tpu.memory_space<semaphore_mem>>) src(%dma_wait3A_85 : memref<128x128xf32, #tpu.memory_space<vmem_shared>>) dst(%dma_wait3A_83 : memref<128x128xf32, #tpu.memory_space<hbm>>)
      tpu.yield
    }) : () -> ()
    return
  }
}

#map = affine_map<(d0, d1) -> (0, 0)>
module attributes {stable_mosaic.version = 14 : i64} {
  func.func @_agg_body(%arg0: i32, %arg1: i32, %arg2: memref<10240x128xf32, #tpu.memory_space<hbm>>, %arg3: memref<2560x128xi32, #tpu.memory_space<hbm>>, %arg4: memref<2560x128xi32, #tpu.memory_space<hbm>>, %arg5: memref<20480x128xf32, #tpu.memory_space<hbm>>, %arg6: memref<40x128xi32, #tpu.memory_space<vmem>>, %arg7: memref<40x128xi32, #tpu.memory_space<vmem>>, %arg8: memref<256x128xf32, #tpu.memory_space<vmem>>, %arg9: memref<10240x128xf32, #tpu.memory_space<vmem_shared>>, %arg10: memref<!tpu.dma_semaphore, #tpu.memory_space<semaphore_mem>>, %arg11: memref<!tpu.dma_semaphore, #tpu.memory_space<semaphore_mem>>) attributes {dimension_semantics = [#tpu.dimension_semantics<core_parallel>, #tpu.dimension_semantics<subcore_parallel>], iteration_bounds = array<i64: 2, 16>, scalar_prefetch = 0 : i64, scratch_operands = 6 : i64, tpu.core_type = #tpu.core_type<sc_vector_subcore>, window_params = [{transform_indices = #map}, {transform_indices = #map}, {transform_indices = #map}, {transform_indices = #map}]} {
    %broadcast_in_dim3A = arith.constant 0.000000e+00 : f32
    %broadcast_in_dim3A_0 = vector.broadcast %broadcast_in_dim3A : f32 to vector<16xf32>
    %scan3A = arith.constant 0 : i32
    %scan3A_1 = arith.constant 0 : i32
    %scan3A_2 = arith.constant 128 : i32
    %scan3A_3 = arith.addi %scan3A_1, %scan3A_2 : i32
    %scan3A_4 = arith.constant 1 : i32
    %scan3A_5 = scf.for %scan3A_80 = %scan3A_1 to %scan3A_3 step %scan3A_4 iter_args(%scan3A_81 = %scan3A) -> (i32)  : i32 {
      %swap3A = arith.index_cast %scan3A_80 : i32 to index
      %swap3A_82 = arith.constant 0 : index
      %swap3A_83 = tpu.vector_load %arg8[%swap3A, %swap3A_82] {strides = array<i32>} : memref<256x128xf32, #tpu.memory_space<vmem>>, vector<1x16xf32>,
      %swap3A_84 = vector.shape_cast %swap3A_83 : vector<1x16xf32> to vector<16xf32>
      %swap3A_85 = vector.shape_cast %broadcast_in_dim3A_0 : vector<16xf32> to vector<1x16xf32>
      tpu.vector_store %arg8[%swap3A, %swap3A_82], %swap3A_85 {strides = array<i32>} : memref<256x128xf32, #tpu.memory_space<vmem>>, vector<1x16xf32>,
      %swap3A_86 = arith.index_cast %scan3A_80 : i32 to index
      %swap3A_87 = arith.constant 16 : index
      %swap3A_88 = tpu.vector_load %arg8[%swap3A_86, %swap3A_87] {strides = array<i32>} : memref<256x128xf32, #tpu.memory_space<vmem>>, vector<1x16xf32>,
      %swap3A_89 = vector.shape_cast %swap3A_88 : vector<1x16xf32> to vector<16xf32>
      %swap3A_90 = vector.shape_cast %broadcast_in_dim3A_0 : vector<16xf32> to vector<1x16xf32>
      tpu.vector_store %arg8[%swap3A_86, %swap3A_87], %swap3A_90 {strides = array<i32>} : memref<256x128xf32, #tpu.memory_space<vmem>>, vector<1x16xf32>,
      %swap3A_91 = arith.index_cast %scan3A_80 : i32 to index
      %swap3A_92 = arith.constant 32 : index
      %swap3A_93 = tpu.vector_load %arg8[%swap3A_91, %swap3A_92] {strides = array<i32>} : memref<256x128xf32, #tpu.memory_space<vmem>>, vector<1x16xf32>,
      %swap3A_94 = vector.shape_cast %swap3A_93 : vector<1x16xf32> to vector<16xf32>
      %swap3A_95 = vector.shape_cast %broadcast_in_dim3A_0 : vector<16xf32> to vector<1x16xf32>
      tpu.vector_store %arg8[%swap3A_91, %swap3A_92], %swap3A_95 {strides = array<i32>} : memref<256x128xf32, #tpu.memory_space<vmem>>, vector<1x16xf32>,
      %swap3A_96 = arith.index_cast %scan3A_80 : i32 to index
      %swap3A_97 = arith.constant 48 : index
      %swap3A_98 = tpu.vector_load %arg8[%swap3A_96, %swap3A_97] {strides = array<i32>} : memref<256x128xf32, #tpu.memory_space<vmem>>, vector<1x16xf32>,
      %swap3A_99 = vector.shape_cast %swap3A_98 : vector<1x16xf32> to vector<16xf32>
      %swap3A_100 = vector.shape_cast %broadcast_in_dim3A_0 : vector<16xf32> to vector<1x16xf32>
      tpu.vector_store %arg8[%swap3A_96, %swap3A_97], %swap3A_100 {strides = array<i32>} : memref<256x128xf32, #tpu.memory_space<vmem>>, vector<1x16xf32>,
      %swap3A_101 = arith.index_cast %scan3A_80 : i32 to index
      %swap3A_102 = arith.constant 64 : index
      %swap3A_103 = tpu.vector_load %arg8[%swap3A_101, %swap3A_102] {strides = array<i32>} : memref<256x128xf32, #tpu.memory_space<vmem>>, vector<1x16xf32>,
      %swap3A_104 = vector.shape_cast %swap3A_103 : vector<1x16xf32> to vector<16xf32>
      %swap3A_105 = vector.shape_cast %broadcast_in_dim3A_0 : vector<16xf32> to vector<1x16xf32>
      tpu.vector_store %arg8[%swap3A_101, %swap3A_102], %swap3A_105 {strides = array<i32>} : memref<256x128xf32, #tpu.memory_space<vmem>>, vector<1x16xf32>,
      %swap3A_106 = arith.index_cast %scan3A_80 : i32 to index
      %swap3A_107 = arith.constant 80 : index
      %swap3A_108 = tpu.vector_load %arg8[%swap3A_106, %swap3A_107] {strides = array<i32>} : memref<256x128xf32, #tpu.memory_space<vmem>>, vector<1x16xf32>,
      %swap3A_109 = vector.shape_cast %swap3A_108 : vector<1x16xf32> to vector<16xf32>
      %swap3A_110 = vector.shape_cast %broadcast_in_dim3A_0 : vector<16xf32> to vector<1x16xf32>
      tpu.vector_store %arg8[%swap3A_106, %swap3A_107], %swap3A_110 {strides = array<i32>} : memref<256x128xf32, #tpu.memory_space<vmem>>, vector<1x16xf32>,
      %swap3A_111 = arith.index_cast %scan3A_80 : i32 to index
      %swap3A_112 = arith.constant 96 : index
      %swap3A_113 = tpu.vector_load %arg8[%swap3A_111, %swap3A_112] {strides = array<i32>} : memref<256x128xf32, #tpu.memory_space<vmem>>, vector<1x16xf32>,
      %swap3A_114 = vector.shape_cast %swap3A_113 : vector<1x16xf32> to vector<16xf32>
      %swap3A_115 = vector.shape_cast %broadcast_in_dim3A_0 : vector<16xf32> to vector<1x16xf32>
      tpu.vector_store %arg8[%swap3A_111, %swap3A_112], %swap3A_115 {strides = array<i32>} : memref<256x128xf32, #tpu.memory_space<vmem>>, vector<1x16xf32>,
      %swap3A_116 = arith.index_cast %scan3A_80 : i32 to index
      %swap3A_117 = arith.constant 112 : index
      %swap3A_118 = tpu.vector_load %arg8[%swap3A_116, %swap3A_117] {strides = array<i32>} : memref<256x128xf32, #tpu.memory_space<vmem>>, vector<1x16xf32>,
      %swap3A_119 = vector.shape_cast %swap3A_118 : vector<1x16xf32> to vector<16xf32>
      %swap3A_120 = vector.shape_cast %broadcast_in_dim3A_0 : vector<16xf32> to vector<1x16xf32>
      tpu.vector_store %arg8[%swap3A_116, %swap3A_117], %swap3A_120 {strides = array<i32>} : memref<256x128xf32, #tpu.memory_space<vmem>>, vector<1x16xf32>,
      %scan3A_121 = arith.constant 0 : i32
      scf.yield %scan3A_121 : i32
    }
    %scan3A_6 = arith.constant 128 : i32
    %mul3A = arith.constant 640 : i32
    %mul3A_7 = arith.muli %arg1, %mul3A : i32
    %add3A = arith.constant 0 : i32
    %add3A_8 = arith.addi %mul3A_7, %add3A : i32
    "tpu.region"() ({
      %run_scoped3A = tpu.sem_alloc : memref<!tpu.dma_semaphore, #tpu.memory_space<semaphore_mem>>
      %dma_start3A = arith.constant 0 : i32
      %dma_start3A_80 = arith.constant 0 : i32
      %dma_start3A_81 = tpu.memref_slice %arg8[%dma_start3A, %dma_start3A_80] : memref<256x128xf32, #tpu.memory_space<vmem>> -> memref<128x128xf32, #tpu.memory_space<vmem>>
      %dma_start3A_82 = arith.constant 0 : i32
      %dma_start3A_83 = tpu.memref_slice %arg9[%add3A_8, %dma_start3A_82] : memref<10240x128xf32, #tpu.memory_space<vmem_shared>> -> memref<128x128xf32, #tpu.memory_space<vmem_shared>>
      %dma_start3A_84 = arith.constant 0 : i32
      %dma_start3A_85 = tpu.memref_slice %arg9[%add3A_8, %dma_start3A_84] : memref<10240x128xf32, #tpu.memory_space<vmem_shared>> -> memref<128x128xf32, #tpu.memory_space<vmem_shared>>
      %dma_start3A_86 = arith.constant 0 : i32
      %dma_start3A_87 = arith.constant 0 : i32
      %dma_start3A_88 = tpu.memref_slice %arg8[%dma_start3A_86, %dma_start3A_87] : memref<256x128xf32, #tpu.memory_space<vmem>> -> memref<128x128xf32, #tpu.memory_space<vmem>>
      tpu.enqueue_dma source(%dma_start3A_88 : memref<128x128xf32, #tpu.memory_space<vmem>>) target(%dma_start3A_85 : memref<128x128xf32, #tpu.memory_space<vmem_shared>>) target_semaphore(%run_scoped3A : memref<!tpu.dma_semaphore, #tpu.memory_space<semaphore_mem>>)
      %dma_wait3A = arith.constant 0 : i32
      %dma_wait3A_89 = arith.constant 0 : i32
      %dma_wait3A_90 = tpu.memref_slice %arg8[%dma_wait3A, %dma_wait3A_89] : memref<256x128xf32, #tpu.memory_space<vmem>> -> memref<128x128xf32, #tpu.memory_space<vmem>>
      %dma_wait3A_91 = arith.constant 0 : i32
      %dma_wait3A_92 = tpu.memref_slice %arg9[%add3A_8, %dma_wait3A_91] : memref<10240x128xf32, #tpu.memory_space<vmem_shared>> -> memref<128x128xf32, #tpu.memory_space<vmem_shared>>
      %dma_wait3A_93 = arith.constant 0 : i32
      %dma_wait3A_94 = tpu.memref_slice %arg9[%add3A_8, %dma_wait3A_93] : memref<10240x128xf32, #tpu.memory_space<vmem_shared>> -> memref<128x128xf32, #tpu.memory_space<vmem_shared>>
      %dma_wait3A_95 = arith.constant 0 : i32
      %dma_wait3A_96 = arith.constant 0 : i32
      %dma_wait3A_97 = tpu.memref_slice %arg8[%dma_wait3A_95, %dma_wait3A_96] : memref<256x128xf32, #tpu.memory_space<vmem>> -> memref<128x128xf32, #tpu.memory_space<vmem>>
      tpu.wait_dma2 semaphore(%run_scoped3A : memref<!tpu.dma_semaphore, #tpu.memory_space<semaphore_mem>>) src(%dma_wait3A_97 : memref<128x128xf32, #tpu.memory_space<vmem>>) dst(%dma_wait3A_94 : memref<128x128xf32, #tpu.memory_space<vmem_shared>>)
      tpu.yield
    }) : () -> ()
    %mul3A_9 = arith.constant 640 : i32
    %mul3A_10 = arith.muli %arg1, %mul3A_9 : i32
    %add3A_11 = arith.constant 128 : i32
    %add3A_12 = arith.addi %mul3A_10, %add3A_11 : i32
    "tpu.region"() ({
      %run_scoped3A = tpu.sem_alloc : memref<!tpu.dma_semaphore, #tpu.memory_space<semaphore_mem>>
      %dma_start3A = arith.constant 0 : i32
      %dma_start3A_80 = arith.constant 0 : i32
      %dma_start3A_81 = tpu.memref_slice %arg8[%dma_start3A, %dma_start3A_80] : memref<256x128xf32, #tpu.memory_space<vmem>> -> memref<128x128xf32, #tpu.memory_space<vmem>>
      %dma_start3A_82 = arith.constant 0 : i32
      %dma_start3A_83 = tpu.memref_slice %arg9[%add3A_12, %dma_start3A_82] : memref<10240x128xf32, #tpu.memory_space<vmem_shared>> -> memref<128x128xf32, #tpu.memory_space<vmem_shared>>
      %dma_start3A_84 = arith.constant 0 : i32
      %dma_start3A_85 = tpu.memref_slice %arg9[%add3A_12, %dma_start3A_84] : memref<10240x128xf32, #tpu.memory_space<vmem_shared>> -> memref<128x128xf32, #tpu.memory_space<vmem_shared>>
      %dma_start3A_86 = arith.constant 0 : i32
      %dma_start3A_87 = arith.constant 0 : i32
      %dma_start3A_88 = tpu.memref_slice %arg8[%dma_start3A_86, %dma_start3A_87] : memref<256x128xf32, #tpu.memory_space<vmem>> -> memref<128x128xf32, #tpu.memory_space<vmem>>
      tpu.enqueue_dma source(%dma_start3A_88 : memref<128x128xf32, #tpu.memory_space<vmem>>) target(%dma_start3A_85 : memref<128x128xf32, #tpu.memory_space<vmem_shared>>) target_semaphore(%run_scoped3A : memref<!tpu.dma_semaphore, #tpu.memory_space<semaphore_mem>>)
      %dma_wait3A = arith.constant 0 : i32
      %dma_wait3A_89 = arith.constant 0 : i32
      %dma_wait3A_90 = tpu.memref_slice %arg8[%dma_wait3A, %dma_wait3A_89] : memref<256x128xf32, #tpu.memory_space<vmem>> -> memref<128x128xf32, #tpu.memory_space<vmem>>
      %dma_wait3A_91 = arith.constant 0 : i32
      %dma_wait3A_92 = tpu.memref_slice %arg9[%add3A_12, %dma_wait3A_91] : memref<10240x128xf32, #tpu.memory_space<vmem_shared>> -> memref<128x128xf32, #tpu.memory_space<vmem_shared>>
      %dma_wait3A_93 = arith.constant 0 : i32
      %dma_wait3A_94 = tpu.memref_slice %arg9[%add3A_12, %dma_wait3A_93] : memref<10240x128xf32, #tpu.memory_space<vmem_shared>> -> memref<128x128xf32, #tpu.memory_space<vmem_shared>>
      %dma_wait3A_95 = arith.constant 0 : i32
      %dma_wait3A_96 = arith.constant 0 : i32
      %dma_wait3A_97 = tpu.memref_slice %arg8[%dma_wait3A_95, %dma_wait3A_96] : memref<256x128xf32, #tpu.memory_space<vmem>> -> memref<128x128xf32, #tpu.memory_space<vmem>>
      tpu.wait_dma2 semaphore(%run_scoped3A : memref<!tpu.dma_semaphore, #tpu.memory_space<semaphore_mem>>) src(%dma_wait3A_97 : memref<128x128xf32, #tpu.memory_space<vmem>>) dst(%dma_wait3A_94 : memref<128x128xf32, #tpu.memory_space<vmem_shared>>)
      tpu.yield
    }) : () -> ()
    %mul3A_13 = arith.constant 640 : i32
    %mul3A_14 = arith.muli %arg1, %mul3A_13 : i32
    %add3A_15 = arith.constant 256 : i32
    %add3A_16 = arith.addi %mul3A_14, %add3A_15 : i32
    "tpu.region"() ({
      %run_scoped3A = tpu.sem_alloc : memref<!tpu.dma_semaphore, #tpu.memory_space<semaphore_mem>>
      %dma_start3A = arith.constant 0 : i32
      %dma_start3A_80 = arith.constant 0 : i32
      %dma_start3A_81 = tpu.memref_slice %arg8[%dma_start3A, %dma_start3A_80] : memref<256x128xf32, #tpu.memory_space<vmem>> -> memref<128x128xf32, #tpu.memory_space<vmem>>
      %dma_start3A_82 = arith.constant 0 : i32
      %dma_start3A_83 = tpu.memref_slice %arg9[%add3A_16, %dma_start3A_82] : memref<10240x128xf32, #tpu.memory_space<vmem_shared>> -> memref<128x128xf32, #tpu.memory_space<vmem_shared>>
      %dma_start3A_84 = arith.constant 0 : i32
      %dma_start3A_85 = tpu.memref_slice %arg9[%add3A_16, %dma_start3A_84] : memref<10240x128xf32, #tpu.memory_space<vmem_shared>> -> memref<128x128xf32, #tpu.memory_space<vmem_shared>>
      %dma_start3A_86 = arith.constant 0 : i32
      %dma_start3A_87 = arith.constant 0 : i32
      %dma_start3A_88 = tpu.memref_slice %arg8[%dma_start3A_86, %dma_start3A_87] : memref<256x128xf32, #tpu.memory_space<vmem>> -> memref<128x128xf32, #tpu.memory_space<vmem>>
      tpu.enqueue_dma source(%dma_start3A_88 : memref<128x128xf32, #tpu.memory_space<vmem>>) target(%dma_start3A_85 : memref<128x128xf32, #tpu.memory_space<vmem_shared>>) target_semaphore(%run_scoped3A : memref<!tpu.dma_semaphore, #tpu.memory_space<semaphore_mem>>)
      %dma_wait3A = arith.constant 0 : i32
      %dma_wait3A_89 = arith.constant 0 : i32
      %dma_wait3A_90 = tpu.memref_slice %arg8[%dma_wait3A, %dma_wait3A_89] : memref<256x128xf32, #tpu.memory_space<vmem>> -> memref<128x128xf32, #tpu.memory_space<vmem>>
      %dma_wait3A_91 = arith.constant 0 : i32
      %dma_wait3A_92 = tpu.memref_slice %arg9[%add3A_16, %dma_wait3A_91] : memref<10240x128xf32, #tpu.memory_space<vmem_shared>> -> memref<128x128xf32, #tpu.memory_space<vmem_shared>>
      %dma_wait3A_93 = arith.constant 0 : i32
      %dma_wait3A_94 = tpu.memref_slice %arg9[%add3A_16, %dma_wait3A_93] : memref<10240x128xf32, #tpu.memory_space<vmem_shared>> -> memref<128x128xf32, #tpu.memory_space<vmem_shared>>
      %dma_wait3A_95 = arith.constant 0 : i32
      %dma_wait3A_96 = arith.constant 0 : i32
      %dma_wait3A_97 = tpu.memref_slice %arg8[%dma_wait3A_95, %dma_wait3A_96] : memref<256x128xf32, #tpu.memory_space<vmem>> -> memref<128x128xf32, #tpu.memory_space<vmem>>
      tpu.wait_dma2 semaphore(%run_scoped3A : memref<!tpu.dma_semaphore, #tpu.memory_space<semaphore_mem>>) src(%dma_wait3A_97 : memref<128x128xf32, #tpu.memory_space<vmem>>) dst(%dma_wait3A_94 : memref<128x128xf32, #tpu.memory_space<vmem_shared>>)
      tpu.yield
    }) : () -> ()
    %mul3A_17 = arith.constant 640 : i32
    %mul3A_18 = arith.muli %arg1, %mul3A_17 : i32
    %add3A_19 = arith.constant 384 : i32
    %add3A_20 = arith.addi %mul3A_18, %add3A_19 : i32
    "tpu.region"() ({
      %run_scoped3A = tpu.sem_alloc : memref<!tpu.dma_semaphore, #tpu.memory_space<semaphore_mem>>
      %dma_start3A = arith.constant 0 : i32
      %dma_start3A_80 = arith.constant 0 : i32
      %dma_start3A_81 = tpu.memref_slice %arg8[%dma_start3A, %dma_start3A_80] : memref<256x128xf32, #tpu.memory_space<vmem>> -> memref<128x128xf32, #tpu.memory_space<vmem>>
      %dma_start3A_82 = arith.constant 0 : i32
      %dma_start3A_83 = tpu.memref_slice %arg9[%add3A_20, %dma_start3A_82] : memref<10240x128xf32, #tpu.memory_space<vmem_shared>> -> memref<128x128xf32, #tpu.memory_space<vmem_shared>>
      %dma_start3A_84 = arith.constant 0 : i32
      %dma_start3A_85 = tpu.memref_slice %arg9[%add3A_20, %dma_start3A_84] : memref<10240x128xf32, #tpu.memory_space<vmem_shared>> -> memref<128x128xf32, #tpu.memory_space<vmem_shared>>
      %dma_start3A_86 = arith.constant 0 : i32
      %dma_start3A_87 = arith.constant 0 : i32
      %dma_start3A_88 = tpu.memref_slice %arg8[%dma_start3A_86, %dma_start3A_87] : memref<256x128xf32, #tpu.memory_space<vmem>> -> memref<128x128xf32, #tpu.memory_space<vmem>>
      tpu.enqueue_dma source(%dma_start3A_88 : memref<128x128xf32, #tpu.memory_space<vmem>>) target(%dma_start3A_85 : memref<128x128xf32, #tpu.memory_space<vmem_shared>>) target_semaphore(%run_scoped3A : memref<!tpu.dma_semaphore, #tpu.memory_space<semaphore_mem>>)
      %dma_wait3A = arith.constant 0 : i32
      %dma_wait3A_89 = arith.constant 0 : i32
      %dma_wait3A_90 = tpu.memref_slice %arg8[%dma_wait3A, %dma_wait3A_89] : memref<256x128xf32, #tpu.memory_space<vmem>> -> memref<128x128xf32, #tpu.memory_space<vmem>>
      %dma_wait3A_91 = arith.constant 0 : i32
      %dma_wait3A_92 = tpu.memref_slice %arg9[%add3A_20, %dma_wait3A_91] : memref<10240x128xf32, #tpu.memory_space<vmem_shared>> -> memref<128x128xf32, #tpu.memory_space<vmem_shared>>
      %dma_wait3A_93 = arith.constant 0 : i32
      %dma_wait3A_94 = tpu.memref_slice %arg9[%add3A_20, %dma_wait3A_93] : memref<10240x128xf32, #tpu.memory_space<vmem_shared>> -> memref<128x128xf32, #tpu.memory_space<vmem_shared>>
      %dma_wait3A_95 = arith.constant 0 : i32
      %dma_wait3A_96 = arith.constant 0 : i32
      %dma_wait3A_97 = tpu.memref_slice %arg8[%dma_wait3A_95, %dma_wait3A_96] : memref<256x128xf32, #tpu.memory_space<vmem>> -> memref<128x128xf32, #tpu.memory_space<vmem>>
      tpu.wait_dma2 semaphore(%run_scoped3A : memref<!tpu.dma_semaphore, #tpu.memory_space<semaphore_mem>>) src(%dma_wait3A_97 : memref<128x128xf32, #tpu.memory_space<vmem>>) dst(%dma_wait3A_94 : memref<128x128xf32, #tpu.memory_space<vmem_shared>>)
      tpu.yield
    }) : () -> ()
    %mul3A_21 = arith.constant 640 : i32
    %mul3A_22 = arith.muli %arg1, %mul3A_21 : i32
    %add3A_23 = arith.constant 512 : i32
    %add3A_24 = arith.addi %mul3A_22, %add3A_23 : i32
    "tpu.region"() ({
      %run_scoped3A = tpu.sem_alloc : memref<!tpu.dma_semaphore, #tpu.memory_space<semaphore_mem>>
      %dma_start3A = arith.constant 0 : i32
      %dma_start3A_80 = arith.constant 0 : i32
      %dma_start3A_81 = tpu.memref_slice %arg8[%dma_start3A, %dma_start3A_80] : memref<256x128xf32, #tpu.memory_space<vmem>> -> memref<128x128xf32, #tpu.memory_space<vmem>>
      %dma_start3A_82 = arith.constant 0 : i32
      %dma_start3A_83 = tpu.memref_slice %arg9[%add3A_24, %dma_start3A_82] : memref<10240x128xf32, #tpu.memory_space<vmem_shared>> -> memref<128x128xf32, #tpu.memory_space<vmem_shared>>
      %dma_start3A_84 = arith.constant 0 : i32
      %dma_start3A_85 = tpu.memref_slice %arg9[%add3A_24, %dma_start3A_84] : memref<10240x128xf32, #tpu.memory_space<vmem_shared>> -> memref<128x128xf32, #tpu.memory_space<vmem_shared>>
      %dma_start3A_86 = arith.constant 0 : i32
      %dma_start3A_87 = arith.constant 0 : i32
      %dma_start3A_88 = tpu.memref_slice %arg8[%dma_start3A_86, %dma_start3A_87] : memref<256x128xf32, #tpu.memory_space<vmem>> -> memref<128x128xf32, #tpu.memory_space<vmem>>
      tpu.enqueue_dma source(%dma_start3A_88 : memref<128x128xf32, #tpu.memory_space<vmem>>) target(%dma_start3A_85 : memref<128x128xf32, #tpu.memory_space<vmem_shared>>) target_semaphore(%run_scoped3A : memref<!tpu.dma_semaphore, #tpu.memory_space<semaphore_mem>>)
      %dma_wait3A = arith.constant 0 : i32
      %dma_wait3A_89 = arith.constant 0 : i32
      %dma_wait3A_90 = tpu.memref_slice %arg8[%dma_wait3A, %dma_wait3A_89] : memref<256x128xf32, #tpu.memory_space<vmem>> -> memref<128x128xf32, #tpu.memory_space<vmem>>
      %dma_wait3A_91 = arith.constant 0 : i32
      %dma_wait3A_92 = tpu.memref_slice %arg9[%add3A_24, %dma_wait3A_91] : memref<10240x128xf32, #tpu.memory_space<vmem_shared>> -> memref<128x128xf32, #tpu.memory_space<vmem_shared>>
      %dma_wait3A_93 = arith.constant 0 : i32
      %dma_wait3A_94 = tpu.memref_slice %arg9[%add3A_24, %dma_wait3A_93] : memref<10240x128xf32, #tpu.memory_space<vmem_shared>> -> memref<128x128xf32, #tpu.memory_space<vmem_shared>>
      %dma_wait3A_95 = arith.constant 0 : i32
      %dma_wait3A_96 = arith.constant 0 : i32
      %dma_wait3A_97 = tpu.memref_slice %arg8[%dma_wait3A_95, %dma_wait3A_96] : memref<256x128xf32, #tpu.memory_space<vmem>> -> memref<128x128xf32, #tpu.memory_space<vmem>>
      tpu.wait_dma2 semaphore(%run_scoped3A : memref<!tpu.dma_semaphore, #tpu.memory_space<semaphore_mem>>) src(%dma_wait3A_97 : memref<128x128xf32, #tpu.memory_space<vmem>>) dst(%dma_wait3A_94 : memref<128x128xf32, #tpu.memory_space<vmem_shared>>)
      tpu.yield
    }) : () -> ()
    %barrier3A = arith.constant 0 : index
    tpu.barrier barrier_id(%barrier3A)
    %eq3A = arith.constant 0 : i32
    %eq3A_25 = arith.cmpi eq, %arg0, %eq3A : i32
    %mul3A_26 = arith.constant 160 : i32
    %mul3A_27 = arith.muli %arg1, %mul3A_26 : i32
    %jit3A = arith.constant 0 : i32
    %jit3A_28 = arith.constant 80 : i32
    %select_n3A = arith.select %eq3A_25, %jit3A, %jit3A_28 : i32
    %add3A_29 = arith.addi %mul3A_27, %select_n3A : i32
    %jit3A_30 = arith.constant 2 : i32
    %jit3A_31 = arith.constant 2 : i32
    %select_n3A_32 = arith.select %eq3A_25, %jit3A_30, %jit3A_31 : i32
    %while3A = arith.constant 0 : i32
    %while3A_33 = arith.constant 0 : i32
    %while3A_34 = arith.subi %select_n3A_32, %while3A : i32
    %while3A_35 = arith.addi %while3A, %while3A_34 : i32
    %while3A_36 = arith.constant 1 : i32
    %while3A_37 = arith.divsi %while3A_34, %while3A_36 : i32
    %while3A_38 = arith.muli %while3A_37, %while3A_36 : i32
    %while3A_39 = arith.addi %while3A, %while3A_38 : i32
    %while3A_40 = arith.constant 1 : i32
    %while3A_41 = scf.for %while3A_80 = %while3A to %while3A_39 step %while3A_40 iter_args(%while3A_81 = %while3A_33) -> (i32)  : i32 {
      %mul3A_82 = arith.constant 40 : i32
      %mul3A_83 = arith.muli %while3A_80, %mul3A_82 : i32
      %add3A_84 = arith.addi %add3A_29, %mul3A_83 : i32
      "tpu.region"() ({
        %run_scoped3A = tpu.sem_alloc : memref<!tpu.dma_semaphore, #tpu.memory_space<semaphore_mem>>
        %dma_start3A_111 = arith.constant 0 : i32
        %dma_start3A_112 = tpu.memref_slice %arg3[%add3A_84, %dma_start3A_111] : memref<2560x128xi32, #tpu.memory_space<hbm>> -> memref<40x128xi32, #tpu.memory_space<hbm>>
        %dma_start3A_113 = arith.constant 0 : i32
        %dma_start3A_114 = tpu.memref_slice %arg3[%add3A_84, %dma_start3A_113] : memref<2560x128xi32, #tpu.memory_space<hbm>> -> memref<40x128xi32, #tpu.memory_space<hbm>>
        tpu.enqueue_dma source(%dma_start3A_114 : memref<40x128xi32, #tpu.memory_space<hbm>>) target(%arg6 : memref<40x128xi32, #tpu.memory_space<vmem>>) target_semaphore(%run_scoped3A : memref<!tpu.dma_semaphore, #tpu.memory_space<semaphore_mem>>)
        %dma_wait3A_115 = arith.constant 0 : i32
        %dma_wait3A_116 = tpu.memref_slice %arg3[%add3A_84, %dma_wait3A_115] : memref<2560x128xi32, #tpu.memory_space<hbm>> -> memref<40x128xi32, #tpu.memory_space<hbm>>
        %dma_wait3A_117 = arith.constant 0 : i32
        %dma_wait3A_118 = tpu.memref_slice %arg3[%add3A_84, %dma_wait3A_117] : memref<2560x128xi32, #tpu.memory_space<hbm>> -> memref<40x128xi32, #tpu.memory_space<hbm>>
        tpu.wait_dma2 semaphore(%run_scoped3A : memref<!tpu.dma_semaphore, #tpu.memory_space<semaphore_mem>>) src(%dma_wait3A_118 : memref<40x128xi32, #tpu.memory_space<hbm>>) dst(%arg6 : memref<40x128xi32, #tpu.memory_space<vmem>>)
        tpu.yield
      }) : () -> ()
      "tpu.region"() ({
        %run_scoped3A = tpu.sem_alloc : memref<!tpu.dma_semaphore, #tpu.memory_space<semaphore_mem>>
        %dma_start3A_111 = arith.constant 0 : i32
        %dma_start3A_112 = tpu.memref_slice %arg4[%add3A_84, %dma_start3A_111] : memref<2560x128xi32, #tpu.memory_space<hbm>> -> memref<40x128xi32, #tpu.memory_space<hbm>>
        %dma_start3A_113 = arith.constant 0 : i32
        %dma_start3A_114 = tpu.memref_slice %arg4[%add3A_84, %dma_start3A_113] : memref<2560x128xi32, #tpu.memory_space<hbm>> -> memref<40x128xi32, #tpu.memory_space<hbm>>
        tpu.enqueue_dma source(%dma_start3A_114 : memref<40x128xi32, #tpu.memory_space<hbm>>) target(%arg7 : memref<40x128xi32, #tpu.memory_space<vmem>>) target_semaphore(%run_scoped3A : memref<!tpu.dma_semaphore, #tpu.memory_space<semaphore_mem>>)
        %dma_wait3A_115 = arith.constant 0 : i32
        %dma_wait3A_116 = tpu.memref_slice %arg4[%add3A_84, %dma_wait3A_115] : memref<2560x128xi32, #tpu.memory_space<hbm>> -> memref<40x128xi32, #tpu.memory_space<hbm>>
        %dma_wait3A_117 = arith.constant 0 : i32
        %dma_wait3A_118 = tpu.memref_slice %arg4[%add3A_84, %dma_wait3A_117] : memref<2560x128xi32, #tpu.memory_space<hbm>> -> memref<40x128xi32, #tpu.memory_space<hbm>>
        tpu.wait_dma2 semaphore(%run_scoped3A : memref<!tpu.dma_semaphore, #tpu.memory_space<semaphore_mem>>) src(%dma_wait3A_118 : memref<40x128xi32, #tpu.memory_space<hbm>>) dst(%arg7 : memref<40x128xi32, #tpu.memory_space<vmem>>)
        tpu.yield
      }) : () -> ()
      %dma_start3A = arith.constant 0 : i32
      %dma_start3A_85 = arith.constant 0 : i32
      %dma_start3A_86 = arith.constant 0 : i32
      %dma_start3A_87 = tpu.memref_slice %arg8[%dma_start3A_85, %dma_start3A_86] : memref<256x128xf32, #tpu.memory_space<vmem>> -> memref<128x128xf32, #tpu.memory_space<vmem>>
      %dma_start3A_88 = arith.constant 0 : i32
      %dma_start3A_89 = tpu.memref_slice %arg6[%dma_start3A, %dma_start3A_88] : memref<40x128xi32, #tpu.memory_space<vmem>> -> memref<1x128xi32, #tpu.memory_space<vmem>>
      %dma_start3A_90 = tpu.memref_squeeze %dma_start3A_89 : memref<1x128xi32, #tpu.memory_space<vmem>> -> memref<128xi32, #tpu.memory_space<vmem>>
      %dma_start3A_91 = arith.constant 0 : i32
      %dma_start3A_92 = arith.constant 0 : i32
      %dma_start3A_93 = tpu.memref_slice %arg2[%dma_start3A_91, %dma_start3A_92] : memref<10240x128xf32, #tpu.memory_space<hbm>> -> memref<10240x128xf32, #tpu.memory_space<hbm>>
      tpu.enqueue_indirect_dma source(%dma_start3A_93 : memref<10240x128xf32, #tpu.memory_space<hbm>>) target(%dma_start3A_87 : memref<128x128xf32, #tpu.memory_space<vmem>>) offsets(%dma_start3A_90 : memref<128xi32, #tpu.memory_space<vmem>>) semaphore(%arg10 : memref<!tpu.dma_semaphore, #tpu.memory_space<semaphore_mem>>)
      %scan3A_94 = arith.constant 0 : i32
      %scan3A_95 = arith.constant 0 : i32
      %scan3A_96 = arith.constant 40 : i32
      %scan3A_97 = arith.addi %scan3A_95, %scan3A_96 : i32
      %scan3A_98 = arith.constant 1 : i32
      %scan3A_99 = scf.for %scan3A_111 = %scan3A_95 to %scan3A_97 step %scan3A_98 iter_args(%scan3A_112 = %scan3A_94) -> (i32)  : i32 {
        %jit3A_113 = arith.constant 2 : i32
        %eq3A_114 = arith.constant 0 : i32
        %eq3A_115 = arith.cmpi eq, %jit3A_113, %eq3A_114 : i32
        %jit3A_116 = arith.constant 1 : i32
        %select_n3A_117 = arith.select %eq3A_115, %jit3A_116, %jit3A_113 : i32
        %rem3A = arith.remsi %scan3A_111, %select_n3A_117 : i32
        %ne3A = arith.constant 0 : i32
        %ne3A_118 = arith.cmpi ne, %rem3A, %ne3A : i32
        %lt3A = arith.constant 0 : i32
        %lt3A_119 = arith.cmpi slt, %rem3A, %lt3A : i32
        %lt3A_120 = arith.constant 0 : i32
        %lt3A_121 = arith.cmpi slt, %select_n3A_117, %lt3A_120 : i32
        %ne3A_122 = arith.xori %lt3A_119, %lt3A_121 : i1
        %and3A = arith.andi %ne3A_122, %ne3A_118 : i1
        %add3A_123 = arith.addi %rem3A, %select_n3A_117 : i32
        %select_n3A_124 = arith.select %and3A, %add3A_123, %rem3A : i32
        %mul3A_125 = arith.constant 128 : i32
        %mul3A_126 = arith.muli %select_n3A_124, %mul3A_125 : i32
        %dma_wait3A_127 = arith.constant 0 : i32
        %dma_wait3A_128 = tpu.memref_slice %arg8[%mul3A_126, %dma_wait3A_127] : memref<256x128xf32, #tpu.memory_space<vmem>> -> memref<128x128xf32, #tpu.memory_space<vmem>>
        %dma_wait3A_129 = arith.constant 0 : i32
        %dma_wait3A_130 = tpu.memref_slice %arg6[%scan3A_111, %dma_wait3A_129] : memref<40x128xi32, #tpu.memory_space<vmem>> -> memref<1x128xi32, #tpu.memory_space<vmem>>
        %dma_wait3A_131 = tpu.memref_squeeze %dma_wait3A_130 : memref<1x128xi32, #tpu.memory_space<vmem>> -> memref<128xi32, #tpu.memory_space<vmem>>
        %dma_wait3A_132 = arith.constant 0 : i32
        %dma_wait3A_133 = arith.constant 0 : i32
        %dma_wait3A_134 = tpu.memref_slice %arg2[%dma_wait3A_132, %dma_wait3A_133] : memref<10240x128xf32, #tpu.memory_space<hbm>> -> memref<10240x128xf32, #tpu.memory_space<hbm>>
        tpu.wait_indirect_dma semaphore(%arg10 : memref<!tpu.dma_semaphore, #tpu.memory_space<semaphore_mem>>) src(%dma_wait3A_134 : memref<10240x128xf32, #tpu.memory_space<hbm>>) dst(%dma_wait3A_128 : memref<128x128xf32, #tpu.memory_space<vmem>>)
        %ge3A = arith.constant 1 : i32
        %ge3A_135 = arith.cmpi sge, %scan3A_111, %ge3A : i32
        %convert_element_type3A = arith.extui %ge3A_135 : i1 to i32
        %cond3A = arith.constant 0 : i32
        %cond3A_136 = arith.cmpi ne, %convert_element_type3A, %cond3A : i32
        scf.if %cond3A_136 {
          %sub3A_172 = arith.constant 1 : i32
          %sub3A_173 = arith.subi %scan3A_111, %sub3A_172 : i32
          %jit3A_174 = arith.constant 2 : i32
          %eq3A_175 = arith.constant 0 : i32
          %eq3A_176 = arith.cmpi eq, %jit3A_174, %eq3A_175 : i32
          %jit3A_177 = arith.constant 1 : i32
          %select_n3A_178 = arith.select %eq3A_176, %jit3A_177, %jit3A_174 : i32
          %rem3A_179 = arith.remsi %sub3A_173, %select_n3A_178 : i32
          %ne3A_180 = arith.constant 0 : i32
          %ne3A_181 = arith.cmpi ne, %rem3A_179, %ne3A_180 : i32
          %lt3A_182 = arith.constant 0 : i32
          %lt3A_183 = arith.cmpi slt, %rem3A_179, %lt3A_182 : i32
          %lt3A_184 = arith.constant 0 : i32
          %lt3A_185 = arith.cmpi slt, %select_n3A_178, %lt3A_184 : i32
          %ne3A_186 = arith.xori %lt3A_183, %lt3A_185 : i1
          %and3A_187 = arith.andi %ne3A_186, %ne3A_181 : i1
          %add3A_188 = arith.addi %rem3A_179, %select_n3A_178 : i32
          %select_n3A_189 = arith.select %and3A_187, %add3A_188, %rem3A_179 : i32
          %mul3A_190 = arith.constant 128 : i32
          %mul3A_191 = arith.muli %select_n3A_189, %mul3A_190 : i32
          %dma_wait3A_192 = arith.constant 0 : i32
          %dma_wait3A_193 = tpu.memref_slice %arg8[%mul3A_191, %dma_wait3A_192] : memref<256x128xf32, #tpu.memory_space<vmem>> -> memref<128x128xf32, #tpu.memory_space<vmem>>
          %dma_wait3A_194 = arith.constant 0 : i32
          %dma_wait3A_195 = tpu.memref_slice %arg7[%sub3A_173, %dma_wait3A_194] : memref<40x128xi32, #tpu.memory_space<vmem>> -> memref<1x128xi32, #tpu.memory_space<vmem>>
          %dma_wait3A_196 = tpu.memref_squeeze %dma_wait3A_195 : memref<1x128xi32, #tpu.memory_space<vmem>> -> memref<128xi32, #tpu.memory_space<vmem>>
          %dma_wait3A_197 = arith.constant 0 : i32
          %dma_wait3A_198 = arith.constant 0 : i32
          %dma_wait3A_199 = tpu.memref_slice %arg9[%dma_wait3A_197, %dma_wait3A_198] : memref<10240x128xf32, #tpu.memory_space<vmem_shared>> -> memref<10240x128xf32, #tpu.memory_space<vmem_shared>>
          tpu.wait_indirect_dma semaphore(%arg11 : memref<!tpu.dma_semaphore, #tpu.memory_space<semaphore_mem>>) src(%dma_wait3A_193 : memref<128x128xf32, #tpu.memory_space<vmem>>) dst(%dma_wait3A_199 : memref<10240x128xf32, #tpu.memory_space<vmem_shared>>)
        } else {
        }
        %add3A_137 = arith.constant 2 : i32
        %add3A_138 = arith.addi %scan3A_111, %add3A_137 : i32
        %sub3A = arith.constant 1 : i32
        %sub3A_139 = arith.subi %add3A_138, %sub3A : i32
        %lt3A_140 = arith.constant 40 : i32
        %lt3A_141 = arith.cmpi slt, %sub3A_139, %lt3A_140 : i32
        %convert_element_type3A_142 = arith.extui %lt3A_141 : i1 to i32
        %cond3A_143 = arith.constant 0 : i32
        %cond3A_144 = arith.cmpi ne, %convert_element_type3A_142, %cond3A_143 : i32
        scf.if %cond3A_144 {
          %add3A_172 = arith.constant 2 : i32
          %add3A_173 = arith.addi %scan3A_111, %add3A_172 : i32
          %sub3A_174 = arith.constant 1 : i32
          %sub3A_175 = arith.subi %add3A_173, %sub3A_174 : i32
          %jit3A_176 = arith.constant 2 : i32
          %eq3A_177 = arith.constant 0 : i32
          %eq3A_178 = arith.cmpi eq, %jit3A_176, %eq3A_177 : i32
          %jit3A_179 = arith.constant 1 : i32
          %select_n3A_180 = arith.select %eq3A_178, %jit3A_179, %jit3A_176 : i32
          %rem3A_181 = arith.remsi %sub3A_175, %select_n3A_180 : i32
          %ne3A_182 = arith.constant 0 : i32
          %ne3A_183 = arith.cmpi ne, %rem3A_181, %ne3A_182 : i32
          %lt3A_184 = arith.constant 0 : i32
          %lt3A_185 = arith.cmpi slt, %rem3A_181, %lt3A_184 : i32
          %lt3A_186 = arith.constant 0 : i32
          %lt3A_187 = arith.cmpi slt, %select_n3A_180, %lt3A_186 : i32
          %ne3A_188 = arith.xori %lt3A_185, %lt3A_187 : i1
          %and3A_189 = arith.andi %ne3A_188, %ne3A_183 : i1
          %add3A_190 = arith.addi %rem3A_181, %select_n3A_180 : i32
          %select_n3A_191 = arith.select %and3A_189, %add3A_190, %rem3A_181 : i32
          %mul3A_192 = arith.constant 128 : i32
          %mul3A_193 = arith.muli %select_n3A_191, %mul3A_192 : i32
          %dma_start3A_194 = arith.constant 0 : i32
          %dma_start3A_195 = tpu.memref_slice %arg8[%mul3A_193, %dma_start3A_194] : memref<256x128xf32, #tpu.memory_space<vmem>> -> memref<128x128xf32, #tpu.memory_space<vmem>>
          %dma_start3A_196 = arith.constant 0 : i32
          %dma_start3A_197 = tpu.memref_slice %arg6[%sub3A_175, %dma_start3A_196] : memref<40x128xi32, #tpu.memory_space<vmem>> -> memref<1x128xi32, #tpu.memory_space<vmem>>
          %dma_start3A_198 = tpu.memref_squeeze %dma_start3A_197 : memref<1x128xi32, #tpu.memory_space<vmem>> -> memref<128xi32, #tpu.memory_space<vmem>>
          %dma_start3A_199 = arith.constant 0 : i32
          %dma_start3A_200 = arith.constant 0 : i32
          %dma_start3A_201 = tpu.memref_slice %arg2[%dma_start3A_199, %dma_start3A_200] : memref<10240x128xf32, #tpu.memory_space<hbm>> -> memref<10240x128xf32, #tpu.memory_space<hbm>>
          tpu.enqueue_indirect_dma source(%dma_start3A_201 : memref<10240x128xf32, #tpu.memory_space<hbm>>) target(%dma_start3A_195 : memref<128x128xf32, #tpu.memory_space<vmem>>) offsets(%dma_start3A_198 : memref<128xi32, #tpu.memory_space<vmem>>) semaphore(%arg10 : memref<!tpu.dma_semaphore, #tpu.memory_space<semaphore_mem>>)
        } else {
        }
        %jit3A_145 = arith.constant 2 : i32
        %eq3A_146 = arith.constant 0 : i32
        %eq3A_147 = arith.cmpi eq, %jit3A_145, %eq3A_146 : i32
        %jit3A_148 = arith.constant 1 : i32
        %select_n3A_149 = arith.select %eq3A_147, %jit3A_148, %jit3A_145 : i32
        %rem3A_150 = arith.remsi %scan3A_111, %select_n3A_149 : i32
        %ne3A_151 = arith.constant 0 : i32
        %ne3A_152 = arith.cmpi ne, %rem3A_150, %ne3A_151 : i32
        %lt3A_153 = arith.constant 0 : i32
        %lt3A_154 = arith.cmpi slt, %rem3A_150, %lt3A_153 : i32
        %lt3A_155 = arith.constant 0 : i32
        %lt3A_156 = arith.cmpi slt, %select_n3A_149, %lt3A_155 : i32
        %ne3A_157 = arith.xori %lt3A_154, %lt3A_156 : i1
        %and3A_158 = arith.andi %ne3A_157, %ne3A_152 : i1
        %add3A_159 = arith.addi %rem3A_150, %select_n3A_149 : i32
        %select_n3A_160 = arith.select %and3A_158, %add3A_159, %rem3A_150 : i32
        %mul3A_161 = arith.constant 128 : i32
        %mul3A_162 = arith.muli %select_n3A_160, %mul3A_161 : i32
        %dma_start3A_163 = arith.constant 0 : i32
        %dma_start3A_164 = tpu.memref_slice %arg8[%mul3A_162, %dma_start3A_163] : memref<256x128xf32, #tpu.memory_space<vmem>> -> memref<128x128xf32, #tpu.memory_space<vmem>>
        %dma_start3A_165 = arith.constant 0 : i32
        %dma_start3A_166 = tpu.memref_slice %arg7[%scan3A_111, %dma_start3A_165] : memref<40x128xi32, #tpu.memory_space<vmem>> -> memref<1x128xi32, #tpu.memory_space<vmem>>
        %dma_start3A_167 = tpu.memref_squeeze %dma_start3A_166 : memref<1x128xi32, #tpu.memory_space<vmem>> -> memref<128xi32, #tpu.memory_space<vmem>>
        %dma_start3A_168 = arith.constant 0 : i32
        %dma_start3A_169 = arith.constant 0 : i32
        %dma_start3A_170 = tpu.memref_slice %arg9[%dma_start3A_168, %dma_start3A_169] : memref<10240x128xf32, #tpu.memory_space<vmem_shared>> -> memref<10240x128xf32, #tpu.memory_space<vmem_shared>>
        tpu.enqueue_indirect_dma source(%dma_start3A_164 : memref<128x128xf32, #tpu.memory_space<vmem>>) target(%dma_start3A_170 : memref<10240x128xf32, #tpu.memory_space<vmem_shared>>) offsets(%dma_start3A_167 : memref<128xi32, #tpu.memory_space<vmem>>) semaphore(%arg11 : memref<!tpu.dma_semaphore, #tpu.memory_space<semaphore_mem>>) {add = true}
        %scan3A_171 = arith.constant 0 : i32
        scf.yield %scan3A_171 : i32
      }
      %scan3A_100 = arith.constant 40 : i32
      %dma_wait3A = arith.constant 39 : i32
      %dma_wait3A_101 = arith.constant 128 : i32
      %dma_wait3A_102 = arith.constant 0 : i32
      %dma_wait3A_103 = tpu.memref_slice %arg8[%dma_wait3A_101, %dma_wait3A_102] : memref<256x128xf32, #tpu.memory_space<vmem>> -> memref<128x128xf32, #tpu.memory_space<vmem>>
      %dma_wait3A_104 = arith.constant 0 : i32
      %dma_wait3A_105 = tpu.memref_slice %arg7[%dma_wait3A, %dma_wait3A_104] : memref<40x128xi32, #tpu.memory_space<vmem>> -> memref<1x128xi32, #tpu.memory_space<vmem>>
      %dma_wait3A_106 = tpu.memref_squeeze %dma_wait3A_105 : memref<1x128xi32, #tpu.memory_space<vmem>> -> memref<128xi32, #tpu.memory_space<vmem>>
      %dma_wait3A_107 = arith.constant 0 : i32
      %dma_wait3A_108 = arith.constant 0 : i32
      %dma_wait3A_109 = tpu.memref_slice %arg9[%dma_wait3A_107, %dma_wait3A_108] : memref<10240x128xf32, #tpu.memory_space<vmem_shared>> -> memref<10240x128xf32, #tpu.memory_space<vmem_shared>>
      tpu.wait_indirect_dma semaphore(%arg11 : memref<!tpu.dma_semaphore, #tpu.memory_space<semaphore_mem>>) src(%dma_wait3A_103 : memref<128x128xf32, #tpu.memory_space<vmem>>) dst(%dma_wait3A_109 : memref<10240x128xf32, #tpu.memory_space<vmem_shared>>)
      %while3A_110 = arith.constant 0 : i32
      scf.yield %while3A_110 : i32
    }
    %while3A_42 = arith.constant 1 : i32
    %while3A_43 = scf.for %while3A_80 = %while3A_39 to %while3A_35 step %while3A_42 iter_args(%while3A_81 = %while3A_41) -> (i32)  : i32 {
      %mul3A_82 = arith.constant 40 : i32
      %mul3A_83 = arith.muli %while3A_80, %mul3A_82 : i32
      %add3A_84 = arith.addi %add3A_29, %mul3A_83 : i32
      "tpu.region"() ({
        %run_scoped3A = tpu.sem_alloc : memref<!tpu.dma_semaphore, #tpu.memory_space<semaphore_mem>>
        %dma_start3A_111 = arith.constant 0 : i32
        %dma_start3A_112 = tpu.memref_slice %arg3[%add3A_84, %dma_start3A_111] : memref<2560x128xi32, #tpu.memory_space<hbm>> -> memref<40x128xi32, #tpu.memory_space<hbm>>
        %dma_start3A_113 = arith.constant 0 : i32
        %dma_start3A_114 = tpu.memref_slice %arg3[%add3A_84, %dma_start3A_113] : memref<2560x128xi32, #tpu.memory_space<hbm>> -> memref<40x128xi32, #tpu.memory_space<hbm>>
        tpu.enqueue_dma source(%dma_start3A_114 : memref<40x128xi32, #tpu.memory_space<hbm>>) target(%arg6 : memref<40x128xi32, #tpu.memory_space<vmem>>) target_semaphore(%run_scoped3A : memref<!tpu.dma_semaphore, #tpu.memory_space<semaphore_mem>>)
        %dma_wait3A_115 = arith.constant 0 : i32
        %dma_wait3A_116 = tpu.memref_slice %arg3[%add3A_84, %dma_wait3A_115] : memref<2560x128xi32, #tpu.memory_space<hbm>> -> memref<40x128xi32, #tpu.memory_space<hbm>>
        %dma_wait3A_117 = arith.constant 0 : i32
        %dma_wait3A_118 = tpu.memref_slice %arg3[%add3A_84, %dma_wait3A_117] : memref<2560x128xi32, #tpu.memory_space<hbm>> -> memref<40x128xi32, #tpu.memory_space<hbm>>
        tpu.wait_dma2 semaphore(%run_scoped3A : memref<!tpu.dma_semaphore, #tpu.memory_space<semaphore_mem>>) src(%dma_wait3A_118 : memref<40x128xi32, #tpu.memory_space<hbm>>) dst(%arg6 : memref<40x128xi32, #tpu.memory_space<vmem>>)
        tpu.yield
      }) : () -> ()
      "tpu.region"() ({
        %run_scoped3A = tpu.sem_alloc : memref<!tpu.dma_semaphore, #tpu.memory_space<semaphore_mem>>
        %dma_start3A_111 = arith.constant 0 : i32
        %dma_start3A_112 = tpu.memref_slice %arg4[%add3A_84, %dma_start3A_111] : memref<2560x128xi32, #tpu.memory_space<hbm>> -> memref<40x128xi32, #tpu.memory_space<hbm>>
        %dma_start3A_113 = arith.constant 0 : i32
        %dma_start3A_114 = tpu.memref_slice %arg4[%add3A_84, %dma_start3A_113] : memref<2560x128xi32, #tpu.memory_space<hbm>> -> memref<40x128xi32, #tpu.memory_space<hbm>>
        tpu.enqueue_dma source(%dma_start3A_114 : memref<40x128xi32, #tpu.memory_space<hbm>>) target(%arg7 : memref<40x128xi32, #tpu.memory_space<vmem>>) target_semaphore(%run_scoped3A : memref<!tpu.dma_semaphore, #tpu.memory_space<semaphore_mem>>)
        %dma_wait3A_115 = arith.constant 0 : i32
        %dma_wait3A_116 = tpu.memref_slice %arg4[%add3A_84, %dma_wait3A_115] : memref<2560x128xi32, #tpu.memory_space<hbm>> -> memref<40x128xi32, #tpu.memory_space<hbm>>
        %dma_wait3A_117 = arith.constant 0 : i32
        %dma_wait3A_118 = tpu.memref_slice %arg4[%add3A_84, %dma_wait3A_117] : memref<2560x128xi32, #tpu.memory_space<hbm>> -> memref<40x128xi32, #tpu.memory_space<hbm>>
        tpu.wait_dma2 semaphore(%run_scoped3A : memref<!tpu.dma_semaphore, #tpu.memory_space<semaphore_mem>>) src(%dma_wait3A_118 : memref<40x128xi32, #tpu.memory_space<hbm>>) dst(%arg7 : memref<40x128xi32, #tpu.memory_space<vmem>>)
        tpu.yield
      }) : () -> ()
      %dma_start3A = arith.constant 0 : i32
      %dma_start3A_85 = arith.constant 0 : i32
      %dma_start3A_86 = arith.constant 0 : i32
      %dma_start3A_87 = tpu.memref_slice %arg8[%dma_start3A_85, %dma_start3A_86] : memref<256x128xf32, #tpu.memory_space<vmem>> -> memref<128x128xf32, #tpu.memory_space<vmem>>
      %dma_start3A_88 = arith.constant 0 : i32
      %dma_start3A_89 = tpu.memref_slice %arg6[%dma_start3A, %dma_start3A_88] : memref<40x128xi32, #tpu.memory_space<vmem>> -> memref<1x128xi32, #tpu.memory_space<vmem>>
      %dma_start3A_90 = tpu.memref_squeeze %dma_start3A_89 : memref<1x128xi32, #tpu.memory_space<vmem>> -> memref<128xi32, #tpu.memory_space<vmem>>
      %dma_start3A_91 = arith.constant 0 : i32
      %dma_start3A_92 = arith.constant 0 : i32
      %dma_start3A_93 = tpu.memref_slice %arg2[%dma_start3A_91, %dma_start3A_92] : memref<10240x128xf32, #tpu.memory_space<hbm>> -> memref<10240x128xf32, #tpu.memory_space<hbm>>
      tpu.enqueue_indirect_dma source(%dma_start3A_93 : memref<10240x128xf32, #tpu.memory_space<hbm>>) target(%dma_start3A_87 : memref<128x128xf32, #tpu.memory_space<vmem>>) offsets(%dma_start3A_90 : memref<128xi32, #tpu.memory_space<vmem>>) semaphore(%arg10 : memref<!tpu.dma_semaphore, #tpu.memory_space<semaphore_mem>>)
      %scan3A_94 = arith.constant 0 : i32
      %scan3A_95 = arith.constant 0 : i32
      %scan3A_96 = arith.constant 40 : i32
      %scan3A_97 = arith.addi %scan3A_95, %scan3A_96 : i32
      %scan3A_98 = arith.constant 1 : i32
      %scan3A_99 = scf.for %scan3A_111 = %scan3A_95 to %scan3A_97 step %scan3A_98 iter_args(%scan3A_112 = %scan3A_94) -> (i32)  : i32 {
        %jit3A_113 = arith.constant 2 : i32
        %eq3A_114 = arith.constant 0 : i32
        %eq3A_115 = arith.cmpi eq, %jit3A_113, %eq3A_114 : i32
        %jit3A_116 = arith.constant 1 : i32
        %select_n3A_117 = arith.select %eq3A_115, %jit3A_116, %jit3A_113 : i32
        %rem3A = arith.remsi %scan3A_111, %select_n3A_117 : i32
        %ne3A = arith.constant 0 : i32
        %ne3A_118 = arith.cmpi ne, %rem3A, %ne3A : i32
        %lt3A = arith.constant 0 : i32
        %lt3A_119 = arith.cmpi slt, %rem3A, %lt3A : i32
        %lt3A_120 = arith.constant 0 : i32
        %lt3A_121 = arith.cmpi slt, %select_n3A_117, %lt3A_120 : i32
        %ne3A_122 = arith.xori %lt3A_119, %lt3A_121 : i1
        %and3A = arith.andi %ne3A_122, %ne3A_118 : i1
        %add3A_123 = arith.addi %rem3A, %select_n3A_117 : i32
        %select_n3A_124 = arith.select %and3A, %add3A_123, %rem3A : i32
        %mul3A_125 = arith.constant 128 : i32
        %mul3A_126 = arith.muli %select_n3A_124, %mul3A_125 : i32
        %dma_wait3A_127 = arith.constant 0 : i32
        %dma_wait3A_128 = tpu.memref_slice %arg8[%mul3A_126, %dma_wait3A_127] : memref<256x128xf32, #tpu.memory_space<vmem>> -> memref<128x128xf32, #tpu.memory_space<vmem>>
        %dma_wait3A_129 = arith.constant 0 : i32
        %dma_wait3A_130 = tpu.memref_slice %arg6[%scan3A_111, %dma_wait3A_129] : memref<40x128xi32, #tpu.memory_space<vmem>> -> memref<1x128xi32, #tpu.memory_space<vmem>>
        %dma_wait3A_131 = tpu.memref_squeeze %dma_wait3A_130 : memref<1x128xi32, #tpu.memory_space<vmem>> -> memref<128xi32, #tpu.memory_space<vmem>>
        %dma_wait3A_132 = arith.constant 0 : i32
        %dma_wait3A_133 = arith.constant 0 : i32
        %dma_wait3A_134 = tpu.memref_slice %arg2[%dma_wait3A_132, %dma_wait3A_133] : memref<10240x128xf32, #tpu.memory_space<hbm>> -> memref<10240x128xf32, #tpu.memory_space<hbm>>
        tpu.wait_indirect_dma semaphore(%arg10 : memref<!tpu.dma_semaphore, #tpu.memory_space<semaphore_mem>>) src(%dma_wait3A_134 : memref<10240x128xf32, #tpu.memory_space<hbm>>) dst(%dma_wait3A_128 : memref<128x128xf32, #tpu.memory_space<vmem>>)
        %ge3A = arith.constant 1 : i32
        %ge3A_135 = arith.cmpi sge, %scan3A_111, %ge3A : i32
        %convert_element_type3A = arith.extui %ge3A_135 : i1 to i32
        %cond3A = arith.constant 0 : i32
        %cond3A_136 = arith.cmpi ne, %convert_element_type3A, %cond3A : i32
        scf.if %cond3A_136 {
          %sub3A_172 = arith.constant 1 : i32
          %sub3A_173 = arith.subi %scan3A_111, %sub3A_172 : i32
          %jit3A_174 = arith.constant 2 : i32
          %eq3A_175 = arith.constant 0 : i32
          %eq3A_176 = arith.cmpi eq, %jit3A_174, %eq3A_175 : i32
          %jit3A_177 = arith.constant 1 : i32
          %select_n3A_178 = arith.select %eq3A_176, %jit3A_177, %jit3A_174 : i32
          %rem3A_179 = arith.remsi %sub3A_173, %select_n3A_178 : i32
          %ne3A_180 = arith.constant 0 : i32
          %ne3A_181 = arith.cmpi ne, %rem3A_179, %ne3A_180 : i32
          %lt3A_182 = arith.constant 0 : i32
          %lt3A_183 = arith.cmpi slt, %rem3A_179, %lt3A_182 : i32
          %lt3A_184 = arith.constant 0 : i32
          %lt3A_185 = arith.cmpi slt, %select_n3A_178, %lt3A_184 : i32
          %ne3A_186 = arith.xori %lt3A_183, %lt3A_185 : i1
          %and3A_187 = arith.andi %ne3A_186, %ne3A_181 : i1
          %add3A_188 = arith.addi %rem3A_179, %select_n3A_178 : i32
          %select_n3A_189 = arith.select %and3A_187, %add3A_188, %rem3A_179 : i32
          %mul3A_190 = arith.constant 128 : i32
          %mul3A_191 = arith.muli %select_n3A_189, %mul3A_190 : i32
          %dma_wait3A_192 = arith.constant 0 : i32
          %dma_wait3A_193 = tpu.memref_slice %arg8[%mul3A_191, %dma_wait3A_192] : memref<256x128xf32, #tpu.memory_space<vmem>> -> memref<128x128xf32, #tpu.memory_space<vmem>>
          %dma_wait3A_194 = arith.constant 0 : i32
          %dma_wait3A_195 = tpu.memref_slice %arg7[%sub3A_173, %dma_wait3A_194] : memref<40x128xi32, #tpu.memory_space<vmem>> -> memref<1x128xi32, #tpu.memory_space<vmem>>
          %dma_wait3A_196 = tpu.memref_squeeze %dma_wait3A_195 : memref<1x128xi32, #tpu.memory_space<vmem>> -> memref<128xi32, #tpu.memory_space<vmem>>
          %dma_wait3A_197 = arith.constant 0 : i32
          %dma_wait3A_198 = arith.constant 0 : i32
          %dma_wait3A_199 = tpu.memref_slice %arg9[%dma_wait3A_197, %dma_wait3A_198] : memref<10240x128xf32, #tpu.memory_space<vmem_shared>> -> memref<10240x128xf32, #tpu.memory_space<vmem_shared>>
          tpu.wait_indirect_dma semaphore(%arg11 : memref<!tpu.dma_semaphore, #tpu.memory_space<semaphore_mem>>) src(%dma_wait3A_193 : memref<128x128xf32, #tpu.memory_space<vmem>>) dst(%dma_wait3A_199 : memref<10240x128xf32, #tpu.memory_space<vmem_shared>>)
        } else {
        }
        %add3A_137 = arith.constant 2 : i32
        %add3A_138 = arith.addi %scan3A_111, %add3A_137 : i32
        %sub3A = arith.constant 1 : i32
        %sub3A_139 = arith.subi %add3A_138, %sub3A : i32
        %lt3A_140 = arith.constant 40 : i32
        %lt3A_141 = arith.cmpi slt, %sub3A_139, %lt3A_140 : i32
        %convert_element_type3A_142 = arith.extui %lt3A_141 : i1 to i32
        %cond3A_143 = arith.constant 0 : i32
        %cond3A_144 = arith.cmpi ne, %convert_element_type3A_142, %cond3A_143 : i32
        scf.if %cond3A_144 {
          %add3A_172 = arith.constant 2 : i32
          %add3A_173 = arith.addi %scan3A_111, %add3A_172 : i32
          %sub3A_174 = arith.constant 1 : i32
          %sub3A_175 = arith.subi %add3A_173, %sub3A_174 : i32
          %jit3A_176 = arith.constant 2 : i32
          %eq3A_177 = arith.constant 0 : i32
          %eq3A_178 = arith.cmpi eq, %jit3A_176, %eq3A_177 : i32
          %jit3A_179 = arith.constant 1 : i32
          %select_n3A_180 = arith.select %eq3A_178, %jit3A_179, %jit3A_176 : i32
          %rem3A_181 = arith.remsi %sub3A_175, %select_n3A_180 : i32
          %ne3A_182 = arith.constant 0 : i32
          %ne3A_183 = arith.cmpi ne, %rem3A_181, %ne3A_182 : i32
          %lt3A_184 = arith.constant 0 : i32
          %lt3A_185 = arith.cmpi slt, %rem3A_181, %lt3A_184 : i32
          %lt3A_186 = arith.constant 0 : i32
          %lt3A_187 = arith.cmpi slt, %select_n3A_180, %lt3A_186 : i32
          %ne3A_188 = arith.xori %lt3A_185, %lt3A_187 : i1
          %and3A_189 = arith.andi %ne3A_188, %ne3A_183 : i1
          %add3A_190 = arith.addi %rem3A_181, %select_n3A_180 : i32
          %select_n3A_191 = arith.select %and3A_189, %add3A_190, %rem3A_181 : i32
          %mul3A_192 = arith.constant 128 : i32
          %mul3A_193 = arith.muli %select_n3A_191, %mul3A_192 : i32
          %dma_start3A_194 = arith.constant 0 : i32
          %dma_start3A_195 = tpu.memref_slice %arg8[%mul3A_193, %dma_start3A_194] : memref<256x128xf32, #tpu.memory_space<vmem>> -> memref<128x128xf32, #tpu.memory_space<vmem>>
          %dma_start3A_196 = arith.constant 0 : i32
          %dma_start3A_197 = tpu.memref_slice %arg6[%sub3A_175, %dma_start3A_196] : memref<40x128xi32, #tpu.memory_space<vmem>> -> memref<1x128xi32, #tpu.memory_space<vmem>>
          %dma_start3A_198 = tpu.memref_squeeze %dma_start3A_197 : memref<1x128xi32, #tpu.memory_space<vmem>> -> memref<128xi32, #tpu.memory_space<vmem>>
          %dma_start3A_199 = arith.constant 0 : i32
          %dma_start3A_200 = arith.constant 0 : i32
          %dma_start3A_201 = tpu.memref_slice %arg2[%dma_start3A_199, %dma_start3A_200] : memref<10240x128xf32, #tpu.memory_space<hbm>> -> memref<10240x128xf32, #tpu.memory_space<hbm>>
          tpu.enqueue_indirect_dma source(%dma_start3A_201 : memref<10240x128xf32, #tpu.memory_space<hbm>>) target(%dma_start3A_195 : memref<128x128xf32, #tpu.memory_space<vmem>>) offsets(%dma_start3A_198 : memref<128xi32, #tpu.memory_space<vmem>>) semaphore(%arg10 : memref<!tpu.dma_semaphore, #tpu.memory_space<semaphore_mem>>)
        } else {
        }
        %jit3A_145 = arith.constant 2 : i32
        %eq3A_146 = arith.constant 0 : i32
        %eq3A_147 = arith.cmpi eq, %jit3A_145, %eq3A_146 : i32
        %jit3A_148 = arith.constant 1 : i32
        %select_n3A_149 = arith.select %eq3A_147, %jit3A_148, %jit3A_145 : i32
        %rem3A_150 = arith.remsi %scan3A_111, %select_n3A_149 : i32
        %ne3A_151 = arith.constant 0 : i32
        %ne3A_152 = arith.cmpi ne, %rem3A_150, %ne3A_151 : i32
        %lt3A_153 = arith.constant 0 : i32
        %lt3A_154 = arith.cmpi slt, %rem3A_150, %lt3A_153 : i32
        %lt3A_155 = arith.constant 0 : i32
        %lt3A_156 = arith.cmpi slt, %select_n3A_149, %lt3A_155 : i32
        %ne3A_157 = arith.xori %lt3A_154, %lt3A_156 : i1
        %and3A_158 = arith.andi %ne3A_157, %ne3A_152 : i1
        %add3A_159 = arith.addi %rem3A_150, %select_n3A_149 : i32
        %select_n3A_160 = arith.select %and3A_158, %add3A_159, %rem3A_150 : i32
        %mul3A_161 = arith.constant 128 : i32
        %mul3A_162 = arith.muli %select_n3A_160, %mul3A_161 : i32
        %dma_start3A_163 = arith.constant 0 : i32
        %dma_start3A_164 = tpu.memref_slice %arg8[%mul3A_162, %dma_start3A_163] : memref<256x128xf32, #tpu.memory_space<vmem>> -> memref<128x128xf32, #tpu.memory_space<vmem>>
        %dma_start3A_165 = arith.constant 0 : i32
        %dma_start3A_166 = tpu.memref_slice %arg7[%scan3A_111, %dma_start3A_165] : memref<40x128xi32, #tpu.memory_space<vmem>> -> memref<1x128xi32, #tpu.memory_space<vmem>>
        %dma_start3A_167 = tpu.memref_squeeze %dma_start3A_166 : memref<1x128xi32, #tpu.memory_space<vmem>> -> memref<128xi32, #tpu.memory_space<vmem>>
        %dma_start3A_168 = arith.constant 0 : i32
        %dma_start3A_169 = arith.constant 0 : i32
        %dma_start3A_170 = tpu.memref_slice %arg9[%dma_start3A_168, %dma_start3A_169] : memref<10240x128xf32, #tpu.memory_space<vmem_shared>> -> memref<10240x128xf32, #tpu.memory_space<vmem_shared>>
        tpu.enqueue_indirect_dma source(%dma_start3A_164 : memref<128x128xf32, #tpu.memory_space<vmem>>) target(%dma_start3A_170 : memref<10240x128xf32, #tpu.memory_space<vmem_shared>>) offsets(%dma_start3A_167 : memref<128xi32, #tpu.memory_space<vmem>>) semaphore(%arg11 : memref<!tpu.dma_semaphore, #tpu.memory_space<semaphore_mem>>) {add = true}
        %scan3A_171 = arith.constant 0 : i32
        scf.yield %scan3A_171 : i32
      }
      %scan3A_100 = arith.constant 40 : i32
      %dma_wait3A = arith.constant 39 : i32
      %dma_wait3A_101 = arith.constant 128 : i32
      %dma_wait3A_102 = arith.constant 0 : i32
      %dma_wait3A_103 = tpu.memref_slice %arg8[%dma_wait3A_101, %dma_wait3A_102] : memref<256x128xf32, #tpu.memory_space<vmem>> -> memref<128x128xf32, #tpu.memory_space<vmem>>
      %dma_wait3A_104 = arith.constant 0 : i32
      %dma_wait3A_105 = tpu.memref_slice %arg7[%dma_wait3A, %dma_wait3A_104] : memref<40x128xi32, #tpu.memory_space<vmem>> -> memref<1x128xi32, #tpu.memory_space<vmem>>
      %dma_wait3A_106 = tpu.memref_squeeze %dma_wait3A_105 : memref<1x128xi32, #tpu.memory_space<vmem>> -> memref<128xi32, #tpu.memory_space<vmem>>
      %dma_wait3A_107 = arith.constant 0 : i32
      %dma_wait3A_108 = arith.constant 0 : i32
      %dma_wait3A_109 = tpu.memref_slice %arg9[%dma_wait3A_107, %dma_wait3A_108] : memref<10240x128xf32, #tpu.memory_space<vmem_shared>> -> memref<10240x128xf32, #tpu.memory_space<vmem_shared>>
      tpu.wait_indirect_dma semaphore(%arg11 : memref<!tpu.dma_semaphore, #tpu.memory_space<semaphore_mem>>) src(%dma_wait3A_103 : memref<128x128xf32, #tpu.memory_space<vmem>>) dst(%dma_wait3A_109 : memref<10240x128xf32, #tpu.memory_space<vmem_shared>>)
      %while3A_110 = arith.constant 0 : i32
      scf.yield %while3A_110 : i32
    }
    %barrier3A_44 = arith.constant 0 : index
    tpu.barrier barrier_id(%barrier3A_44)
    %mul3A_45 = arith.constant 640 : i32
    %mul3A_46 = arith.muli %arg1, %mul3A_45 : i32
    %add3A_47 = arith.constant 0 : i32
    %add3A_48 = arith.addi %mul3A_46, %add3A_47 : i32
    %mul3A_49 = arith.constant 10240 : i32
    %mul3A_50 = arith.muli %arg0, %mul3A_49 : i32
    %add3A_51 = arith.addi %mul3A_50, %add3A_48 : i32
    "tpu.region"() ({
      %run_scoped3A = tpu.sem_alloc : memref<!tpu.dma_semaphore, #tpu.memory_space<semaphore_mem>>
      %dma_start3A = arith.constant 0 : i32
      %dma_start3A_80 = tpu.memref_slice %arg5[%add3A_51, %dma_start3A] : memref<20480x128xf32, #tpu.memory_space<hbm>> -> memref<128x128xf32, #tpu.memory_space<hbm>>
      %dma_start3A_81 = arith.constant 0 : i32
      %dma_start3A_82 = tpu.memref_slice %arg9[%add3A_48, %dma_start3A_81] : memref<10240x128xf32, #tpu.memory_space<vmem_shared>> -> memref<128x128xf32, #tpu.memory_space<vmem_shared>>
      tpu.enqueue_dma source(%dma_start3A_82 : memref<128x128xf32, #tpu.memory_space<vmem_shared>>) target(%dma_start3A_80 : memref<128x128xf32, #tpu.memory_space<hbm>>) target_semaphore(%run_scoped3A : memref<!tpu.dma_semaphore, #tpu.memory_space<semaphore_mem>>)
      %dma_wait3A = arith.constant 0 : i32
      %dma_wait3A_83 = tpu.memref_slice %arg5[%add3A_51, %dma_wait3A] : memref<20480x128xf32, #tpu.memory_space<hbm>> -> memref<128x128xf32, #tpu.memory_space<hbm>>
      %dma_wait3A_84 = arith.constant 0 : i32
      %dma_wait3A_85 = tpu.memref_slice %arg9[%add3A_48, %dma_wait3A_84] : memref<10240x128xf32, #tpu.memory_space<vmem_shared>> -> memref<128x128xf32, #tpu.memory_space<vmem_shared>>
      tpu.wait_dma2 semaphore(%run_scoped3A : memref<!tpu.dma_semaphore, #tpu.memory_space<semaphore_mem>>) src(%dma_wait3A_85 : memref<128x128xf32, #tpu.memory_space<vmem_shared>>) dst(%dma_wait3A_83 : memref<128x128xf32, #tpu.memory_space<hbm>>)
      tpu.yield
    }) : () -> ()
    %mul3A_52 = arith.constant 640 : i32
    %mul3A_53 = arith.muli %arg1, %mul3A_52 : i32
    %add3A_54 = arith.constant 128 : i32
    %add3A_55 = arith.addi %mul3A_53, %add3A_54 : i32
    %mul3A_56 = arith.constant 10240 : i32
    %mul3A_57 = arith.muli %arg0, %mul3A_56 : i32
    %add3A_58 = arith.addi %mul3A_57, %add3A_55 : i32
    "tpu.region"() ({
      %run_scoped3A = tpu.sem_alloc : memref<!tpu.dma_semaphore, #tpu.memory_space<semaphore_mem>>
      %dma_start3A = arith.constant 0 : i32
      %dma_start3A_80 = tpu.memref_slice %arg5[%add3A_58, %dma_start3A] : memref<20480x128xf32, #tpu.memory_space<hbm>> -> memref<128x128xf32, #tpu.memory_space<hbm>>
      %dma_start3A_81 = arith.constant 0 : i32
      %dma_start3A_82 = tpu.memref_slice %arg9[%add3A_55, %dma_start3A_81] : memref<10240x128xf32, #tpu.memory_space<vmem_shared>> -> memref<128x128xf32, #tpu.memory_space<vmem_shared>>
      tpu.enqueue_dma source(%dma_start3A_82 : memref<128x128xf32, #tpu.memory_space<vmem_shared>>) target(%dma_start3A_80 : memref<128x128xf32, #tpu.memory_space<hbm>>) target_semaphore(%run_scoped3A : memref<!tpu.dma_semaphore, #tpu.memory_space<semaphore_mem>>)
      %dma_wait3A = arith.constant 0 : i32
      %dma_wait3A_83 = tpu.memref_slice %arg5[%add3A_58, %dma_wait3A] : memref<20480x128xf32, #tpu.memory_space<hbm>> -> memref<128x128xf32, #tpu.memory_space<hbm>>
      %dma_wait3A_84 = arith.constant 0 : i32
      %dma_wait3A_85 = tpu.memref_slice %arg9[%add3A_55, %dma_wait3A_84] : memref<10240x128xf32, #tpu.memory_space<vmem_shared>> -> memref<128x128xf32, #tpu.memory_space<vmem_shared>>
      tpu.wait_dma2 semaphore(%run_scoped3A : memref<!tpu.dma_semaphore, #tpu.memory_space<semaphore_mem>>) src(%dma_wait3A_85 : memref<128x128xf32, #tpu.memory_space<vmem_shared>>) dst(%dma_wait3A_83 : memref<128x128xf32, #tpu.memory_space<hbm>>)
      tpu.yield
    }) : () -> ()
    %mul3A_59 = arith.constant 640 : i32
    %mul3A_60 = arith.muli %arg1, %mul3A_59 : i32
    %add3A_61 = arith.constant 256 : i32
    %add3A_62 = arith.addi %mul3A_60, %add3A_61 : i32
    %mul3A_63 = arith.constant 10240 : i32
    %mul3A_64 = arith.muli %arg0, %mul3A_63 : i32
    %add3A_65 = arith.addi %mul3A_64, %add3A_62 : i32
    "tpu.region"() ({
      %run_scoped3A = tpu.sem_alloc : memref<!tpu.dma_semaphore, #tpu.memory_space<semaphore_mem>>
      %dma_start3A = arith.constant 0 : i32
      %dma_start3A_80 = tpu.memref_slice %arg5[%add3A_65, %dma_start3A] : memref<20480x128xf32, #tpu.memory_space<hbm>> -> memref<128x128xf32, #tpu.memory_space<hbm>>
      %dma_start3A_81 = arith.constant 0 : i32
      %dma_start3A_82 = tpu.memref_slice %arg9[%add3A_62, %dma_start3A_81] : memref<10240x128xf32, #tpu.memory_space<vmem_shared>> -> memref<128x128xf32, #tpu.memory_space<vmem_shared>>
      tpu.enqueue_dma source(%dma_start3A_82 : memref<128x128xf32, #tpu.memory_space<vmem_shared>>) target(%dma_start3A_80 : memref<128x128xf32, #tpu.memory_space<hbm>>) target_semaphore(%run_scoped3A : memref<!tpu.dma_semaphore, #tpu.memory_space<semaphore_mem>>)
      %dma_wait3A = arith.constant 0 : i32
      %dma_wait3A_83 = tpu.memref_slice %arg5[%add3A_65, %dma_wait3A] : memref<20480x128xf32, #tpu.memory_space<hbm>> -> memref<128x128xf32, #tpu.memory_space<hbm>>
      %dma_wait3A_84 = arith.constant 0 : i32
      %dma_wait3A_85 = tpu.memref_slice %arg9[%add3A_62, %dma_wait3A_84] : memref<10240x128xf32, #tpu.memory_space<vmem_shared>> -> memref<128x128xf32, #tpu.memory_space<vmem_shared>>
      tpu.wait_dma2 semaphore(%run_scoped3A : memref<!tpu.dma_semaphore, #tpu.memory_space<semaphore_mem>>) src(%dma_wait3A_85 : memref<128x128xf32, #tpu.memory_space<vmem_shared>>) dst(%dma_wait3A_83 : memref<128x128xf32, #tpu.memory_space<hbm>>)
      tpu.yield
    }) : () -> ()
    %mul3A_66 = arith.constant 640 : i32
    %mul3A_67 = arith.muli %arg1, %mul3A_66 : i32
    %add3A_68 = arith.constant 384 : i32
    %add3A_69 = arith.addi %mul3A_67, %add3A_68 : i32
    %mul3A_70 = arith.constant 10240 : i32
    %mul3A_71 = arith.muli %arg0, %mul3A_70 : i32
    %add3A_72 = arith.addi %mul3A_71, %add3A_69 : i32
    "tpu.region"() ({
      %run_scoped3A = tpu.sem_alloc : memref<!tpu.dma_semaphore, #tpu.memory_space<semaphore_mem>>
      %dma_start3A = arith.constant 0 : i32
      %dma_start3A_80 = tpu.memref_slice %arg5[%add3A_72, %dma_start3A] : memref<20480x128xf32, #tpu.memory_space<hbm>> -> memref<128x128xf32, #tpu.memory_space<hbm>>
      %dma_start3A_81 = arith.constant 0 : i32
      %dma_start3A_82 = tpu.memref_slice %arg9[%add3A_69, %dma_start3A_81] : memref<10240x128xf32, #tpu.memory_space<vmem_shared>> -> memref<128x128xf32, #tpu.memory_space<vmem_shared>>
      tpu.enqueue_dma source(%dma_start3A_82 : memref<128x128xf32, #tpu.memory_space<vmem_shared>>) target(%dma_start3A_80 : memref<128x128xf32, #tpu.memory_space<hbm>>) target_semaphore(%run_scoped3A : memref<!tpu.dma_semaphore, #tpu.memory_space<semaphore_mem>>)
      %dma_wait3A = arith.constant 0 : i32
      %dma_wait3A_83 = tpu.memref_slice %arg5[%add3A_72, %dma_wait3A] : memref<20480x128xf32, #tpu.memory_space<hbm>> -> memref<128x128xf32, #tpu.memory_space<hbm>>
      %dma_wait3A_84 = arith.constant 0 : i32
      %dma_wait3A_85 = tpu.memref_slice %arg9[%add3A_69, %dma_wait3A_84] : memref<10240x128xf32, #tpu.memory_space<vmem_shared>> -> memref<128x128xf32, #tpu.memory_space<vmem_shared>>
      tpu.wait_dma2 semaphore(%run_scoped3A : memref<!tpu.dma_semaphore, #tpu.memory_space<semaphore_mem>>) src(%dma_wait3A_85 : memref<128x128xf32, #tpu.memory_space<vmem_shared>>) dst(%dma_wait3A_83 : memref<128x128xf32, #tpu.memory_space<hbm>>)
      tpu.yield
    }) : () -> ()
    %mul3A_73 = arith.constant 640 : i32
    %mul3A_74 = arith.muli %arg1, %mul3A_73 : i32
    %add3A_75 = arith.constant 512 : i32
    %add3A_76 = arith.addi %mul3A_74, %add3A_75 : i32
    %mul3A_77 = arith.constant 10240 : i32
    %mul3A_78 = arith.muli %arg0, %mul3A_77 : i32
    %add3A_79 = arith.addi %mul3A_78, %add3A_76 : i32
    "tpu.region"() ({
      %run_scoped3A = tpu.sem_alloc : memref<!tpu.dma_semaphore, #tpu.memory_space<semaphore_mem>>
      %dma_start3A = arith.constant 0 : i32
      %dma_start3A_80 = tpu.memref_slice %arg5[%add3A_79, %dma_start3A] : memref<20480x128xf32, #tpu.memory_space<hbm>> -> memref<128x128xf32, #tpu.memory_space<hbm>>
      %dma_start3A_81 = arith.constant 0 : i32
      %dma_start3A_82 = tpu.memref_slice %arg9[%add3A_76, %dma_start3A_81] : memref<10240x128xf32, #tpu.memory_space<vmem_shared>> -> memref<128x128xf32, #tpu.memory_space<vmem_shared>>
      tpu.enqueue_dma source(%dma_start3A_82 : memref<128x128xf32, #tpu.memory_space<vmem_shared>>) target(%dma_start3A_80 : memref<128x128xf32, #tpu.memory_space<hbm>>) target_semaphore(%run_scoped3A : memref<!tpu.dma_semaphore, #tpu.memory_space<semaphore_mem>>)
      %dma_wait3A = arith.constant 0 : i32
      %dma_wait3A_83 = tpu.memref_slice %arg5[%add3A_79, %dma_wait3A] : memref<20480x128xf32, #tpu.memory_space<hbm>> -> memref<128x128xf32, #tpu.memory_space<hbm>>
      %dma_wait3A_84 = arith.constant 0 : i32
      %dma_wait3A_85 = tpu.memref_slice %arg9[%add3A_76, %dma_wait3A_84] : memref<10240x128xf32, #tpu.memory_space<vmem_shared>> -> memref<128x128xf32, #tpu.memory_space<vmem_shared>>
      tpu.wait_dma2 semaphore(%run_scoped3A : memref<!tpu.dma_semaphore, #tpu.memory_space<semaphore_mem>>) src(%dma_wait3A_85 : memref<128x128xf32, #tpu.memory_space<vmem_shared>>) dst(%dma_wait3A_83 : memref<128x128xf32, #tpu.memory_space<hbm>>)
      tpu.yield
    }) : () -> ()
    return
  }
}

#map = affine_map<(d0, d1) -> (0, 0)>
#map1 = affine_map<(d0, d1) -> (0)>
module attributes {stable_mosaic.version = 14 : i64} {
  func.func @_deg_body(%arg0: i32, %arg1: i32, %arg2: memref<2560x128xi32, #tpu.memory_space<hbm>>, %arg3: memref<327680xf32, #tpu.memory_space<hbm>>, %arg4: memref<80x128xi32, #tpu.memory_space<vmem>>, %arg5: memref<10240xf32, #tpu.memory_space<vmem>>) attributes {dimension_semantics = [#tpu.dimension_semantics<core_parallel>, #tpu.dimension_semantics<subcore_parallel>], iteration_bounds = array<i64: 2, 16>, scalar_prefetch = 0 : i64, scratch_operands = 2 : i64, tpu.core_type = #tpu.core_type<sc_vector_subcore>, window_params = [{transform_indices = #map}, {transform_indices = #map1}]} {
    %mul3A = arith.constant 16 : i32
    %mul3A_0 = arith.muli %arg0, %mul3A : i32
    %add3A = arith.addi %mul3A_0, %arg1 : i32
    %broadcast_in_dim3A = arith.constant 0.000000e+00 : f32
    %broadcast_in_dim3A_1 = vector.broadcast %broadcast_in_dim3A : f32 to vector<16xf32>
    %broadcast_in_dim3A_2 = arith.constant 1.000000e+00 : f32
    %broadcast_in_dim3A_3 = vector.broadcast %broadcast_in_dim3A_2 : f32 to vector<16xf32>
    %scan3A = arith.constant 0 : i32
    %scan3A_4 = arith.constant 0 : i32
    %scan3A_5 = arith.constant 640 : i32
    %scan3A_6 = arith.addi %scan3A_4, %scan3A_5 : i32
    %scan3A_7 = arith.constant 1 : i32
    %scan3A_8 = scf.for %scan3A_21 = %scan3A_4 to %scan3A_6 step %scan3A_7 iter_args(%scan3A_22 = %scan3A) -> (i32)  : i32 {
      %mul3A_23 = arith.constant 16 : i32
      %mul3A_24 = arith.muli %scan3A_21, %mul3A_23 : i32
      %swap3A = arith.index_cast %mul3A_24 : i32 to index
      %swap3A_25 = tpu.vector_load %arg5[%swap3A] {strides = array<i32>} : memref<10240xf32, #tpu.memory_space<vmem>>, vector<16xf32>,
      tpu.vector_store %arg5[%swap3A], %broadcast_in_dim3A_1 {strides = array<i32>} : memref<10240xf32, #tpu.memory_space<vmem>>, vector<16xf32>,
      %scan3A_26 = arith.constant 0 : i32
      scf.yield %scan3A_26 : i32
    }
    %scan3A_9 = arith.constant 640 : i32
    %mul3A_10 = arith.constant 80 : i32
    %mul3A_11 = arith.muli %add3A, %mul3A_10 : i32
    "tpu.region"() ({
      %run_scoped3A = tpu.sem_alloc : memref<!tpu.dma_semaphore, #tpu.memory_space<semaphore_mem>>
      %dma_start3A = arith.constant 0 : i32
      %dma_start3A_21 = tpu.memref_slice %arg2[%mul3A_11, %dma_start3A] : memref<2560x128xi32, #tpu.memory_space<hbm>> -> memref<80x128xi32, #tpu.memory_space<hbm>>
      %dma_start3A_22 = arith.constant 0 : i32
      %dma_start3A_23 = tpu.memref_slice %arg2[%mul3A_11, %dma_start3A_22] : memref<2560x128xi32, #tpu.memory_space<hbm>> -> memref<80x128xi32, #tpu.memory_space<hbm>>
      tpu.enqueue_dma source(%dma_start3A_23 : memref<80x128xi32, #tpu.memory_space<hbm>>) target(%arg4 : memref<80x128xi32, #tpu.memory_space<vmem>>) target_semaphore(%run_scoped3A : memref<!tpu.dma_semaphore, #tpu.memory_space<semaphore_mem>>)
      %dma_wait3A = arith.constant 0 : i32
      %dma_wait3A_24 = tpu.memref_slice %arg2[%mul3A_11, %dma_wait3A] : memref<2560x128xi32, #tpu.memory_space<hbm>> -> memref<80x128xi32, #tpu.memory_space<hbm>>
      %dma_wait3A_25 = arith.constant 0 : i32
      %dma_wait3A_26 = tpu.memref_slice %arg2[%mul3A_11, %dma_wait3A_25] : memref<2560x128xi32, #tpu.memory_space<hbm>> -> memref<80x128xi32, #tpu.memory_space<hbm>>
      tpu.wait_dma2 semaphore(%run_scoped3A : memref<!tpu.dma_semaphore, #tpu.memory_space<semaphore_mem>>) src(%dma_wait3A_26 : memref<80x128xi32, #tpu.memory_space<hbm>>) dst(%arg4 : memref<80x128xi32, #tpu.memory_space<vmem>>)
      tpu.yield
    }) : () -> ()
    %scan3A_12 = arith.constant 0 : i32
    %scan3A_13 = arith.constant 0 : i32
    %scan3A_14 = arith.constant 80 : i32
    %scan3A_15 = arith.addi %scan3A_13, %scan3A_14 : i32
    %scan3A_16 = arith.constant 1 : i32
    %scan3A_17 = scf.for %scan3A_21 = %scan3A_13 to %scan3A_15 step %scan3A_16 iter_args(%scan3A_22 = %scan3A_12) -> (i32)  : i32 {
      %get3A = arith.index_cast %scan3A_21 : i32 to index
      %get3A_23 = arith.constant 0 : index
      %get3A_24 = tpu.vector_load %arg4[%get3A, %get3A_23] {strides = array<i32>} : memref<80x128xi32, #tpu.memory_space<vmem>>, vector<16xi32>,
      tpu.vector_store_idx %arg5[%get3A_24], %broadcast_in_dim3A_3 {add = true} : memref<10240xf32, #tpu.memory_space<vmem>>[vector<16xi32>], vector<16xf32>,
      %get3A_25 = arith.index_cast %scan3A_21 : i32 to index
      %get3A_26 = arith.constant 16 : index
      %get3A_27 = tpu.vector_load %arg4[%get3A_25, %get3A_26] {strides = array<i32>} : memref<80x128xi32, #tpu.memory_space<vmem>>, vector<16xi32>,
      tpu.vector_store_idx %arg5[%get3A_27], %broadcast_in_dim3A_3 {add = true} : memref<10240xf32, #tpu.memory_space<vmem>>[vector<16xi32>], vector<16xf32>,
      %get3A_28 = arith.index_cast %scan3A_21 : i32 to index
      %get3A_29 = arith.constant 32 : index
      %get3A_30 = tpu.vector_load %arg4[%get3A_28, %get3A_29] {strides = array<i32>} : memref<80x128xi32, #tpu.memory_space<vmem>>, vector<16xi32>,
      tpu.vector_store_idx %arg5[%get3A_30], %broadcast_in_dim3A_3 {add = true} : memref<10240xf32, #tpu.memory_space<vmem>>[vector<16xi32>], vector<16xf32>,
      %get3A_31 = arith.index_cast %scan3A_21 : i32 to index
      %get3A_32 = arith.constant 48 : index
      %get3A_33 = tpu.vector_load %arg4[%get3A_31, %get3A_32] {strides = array<i32>} : memref<80x128xi32, #tpu.memory_space<vmem>>, vector<16xi32>,
      tpu.vector_store_idx %arg5[%get3A_33], %broadcast_in_dim3A_3 {add = true} : memref<10240xf32, #tpu.memory_space<vmem>>[vector<16xi32>], vector<16xf32>,
      %get3A_34 = arith.index_cast %scan3A_21 : i32 to index
      %get3A_35 = arith.constant 64 : index
      %get3A_36 = tpu.vector_load %arg4[%get3A_34, %get3A_35] {strides = array<i32>} : memref<80x128xi32, #tpu.memory_space<vmem>>, vector<16xi32>,
      tpu.vector_store_idx %arg5[%get3A_36], %broadcast_in_dim3A_3 {add = true} : memref<10240xf32, #tpu.memory_space<vmem>>[vector<16xi32>], vector<16xf32>,
      %get3A_37 = arith.index_cast %scan3A_21 : i32 to index
      %get3A_38 = arith.constant 80 : index
      %get3A_39 = tpu.vector_load %arg4[%get3A_37, %get3A_38] {strides = array<i32>} : memref<80x128xi32, #tpu.memory_space<vmem>>, vector<16xi32>,
      tpu.vector_store_idx %arg5[%get3A_39], %broadcast_in_dim3A_3 {add = true} : memref<10240xf32, #tpu.memory_space<vmem>>[vector<16xi32>], vector<16xf32>,
      %get3A_40 = arith.index_cast %scan3A_21 : i32 to index
      %get3A_41 = arith.constant 96 : index
      %get3A_42 = tpu.vector_load %arg4[%get3A_40, %get3A_41] {strides = array<i32>} : memref<80x128xi32, #tpu.memory_space<vmem>>, vector<16xi32>,
      tpu.vector_store_idx %arg5[%get3A_42], %broadcast_in_dim3A_3 {add = true} : memref<10240xf32, #tpu.memory_space<vmem>>[vector<16xi32>], vector<16xf32>,
      %get3A_43 = arith.index_cast %scan3A_21 : i32 to index
      %get3A_44 = arith.constant 112 : index
      %get3A_45 = tpu.vector_load %arg4[%get3A_43, %get3A_44] {strides = array<i32>} : memref<80x128xi32, #tpu.memory_space<vmem>>, vector<16xi32>,
      tpu.vector_store_idx %arg5[%get3A_45], %broadcast_in_dim3A_3 {add = true} : memref<10240xf32, #tpu.memory_space<vmem>>[vector<16xi32>], vector<16xf32>,
      %scan3A_46 = arith.constant 0 : i32
      scf.yield %scan3A_46 : i32
    }
    %scan3A_18 = arith.constant 80 : i32
    %mul3A_19 = arith.constant 10240 : i32
    %mul3A_20 = arith.muli %add3A, %mul3A_19 : i32
    "tpu.region"() ({
      %run_scoped3A = tpu.sem_alloc : memref<!tpu.dma_semaphore, #tpu.memory_space<semaphore_mem>>
      %dma_start3A = tpu.memref_slice %arg3[%mul3A_20] : memref<327680xf32, #tpu.memory_space<hbm>> -> memref<10240xf32, #tpu.memory_space<hbm>>
      %dma_start3A_21 = tpu.memref_slice %arg3[%mul3A_20] : memref<327680xf32, #tpu.memory_space<hbm>> -> memref<10240xf32, #tpu.memory_space<hbm>>
      tpu.enqueue_dma source(%arg5 : memref<10240xf32, #tpu.memory_space<vmem>>) target(%dma_start3A_21 : memref<10240xf32, #tpu.memory_space<hbm>>) target_semaphore(%run_scoped3A : memref<!tpu.dma_semaphore, #tpu.memory_space<semaphore_mem>>)
      %dma_wait3A = tpu.memref_slice %arg3[%mul3A_20] : memref<327680xf32, #tpu.memory_space<hbm>> -> memref<10240xf32, #tpu.memory_space<hbm>>
      %dma_wait3A_22 = tpu.memref_slice %arg3[%mul3A_20] : memref<327680xf32, #tpu.memory_space<hbm>> -> memref<10240xf32, #tpu.memory_space<hbm>>
      tpu.wait_dma2 semaphore(%run_scoped3A : memref<!tpu.dma_semaphore, #tpu.memory_space<semaphore_mem>>) src(%arg5 : memref<10240xf32, #tpu.memory_space<vmem>>) dst(%dma_wait3A_22 : memref<10240xf32, #tpu.memory_space<hbm>>)
      tpu.yield
    }) : () -> ()
    return
  }
}

module attributes {stable_mosaic.version = 14 : i64} {
  func.func @_pre_body(%arg0: i32, %arg1: memref<512x128xf32, #tpu.memory_space<vmem>>, %arg2: memref<128x128xf32, #tpu.memory_space<vmem>>, %arg3: memref<512x32xf32, #tpu.memory_space<vmem>>, %arg4: memref<512x128xf32, #tpu.memory_space<vmem>>, %arg5: memref<512x32xf32, #tpu.memory_space<vmem>>) attributes {dimension_semantics = [#tpu.dimension_semantics<arbitrary>], iteration_bounds = array<i64: 20>, scalar_prefetch = 0 : i64, scratch_operands = 0 : i64, tpu.core_type = #tpu.core_type<tc>, window_params = [{transform_indices = @transform_0, window_bounds = array<i64: 512, 128>}, {pipeline_mode = #tpu.pipeline_mode<synchronous>, transform_indices = @transform_1, window_bounds = array<i64: 128, 128>}, {transform_indices = @transform_2, window_bounds = array<i64: 512, 32>}, {transform_indices = @transform_3, window_bounds = array<i64: 512, 128>}, {transform_indices = @transform_4, window_bounds = array<i64: 512, 32>}]} {
    %get3A = arith.constant 0 : index
    %get3A_0 = arith.constant 0 : index
    %get3A_1 = vector.load %arg3[%get3A, %get3A_0] : memref<512x32xf32, #tpu.memory_space<vmem>>, vector<512x32xf32>
    %reduce_sum3A = arith.constant dense<0.000000e+00> : vector<512xf32>
    %reduce_sum3A_2 = vector.multi_reduction <add>, %get3A_1, %reduce_sum3A [1] : vector<512x32xf32> to vector<512xf32>
    %broadcast_in_dim3A = vector.shape_cast %reduce_sum3A_2 : vector<512xf32> to vector<512x1xf32>
    %add3A = arith.constant 1.000000e+00 : f32
    %add3A_3 = vector.broadcast %add3A : f32 to vector<512x1xf32>
    %add3A_4 = arith.addf %broadcast_in_dim3A, %add3A_3 : vector<512x1xf32>
    %rsqrt3A = math.rsqrt %add3A_4 : vector<512x1xf32>
    %broadcast_in_dim3A_5 = vector.shape_cast %rsqrt3A : vector<512x1xf32> to vector<512x1xf32>
    %broadcast_in_dim3A_6 = vector.broadcast %broadcast_in_dim3A_5 : vector<512x1xf32> to vector<512x32xf32>
    %swap3A = arith.constant 0 : index
    %swap3A_7 = arith.constant 0 : index
    %swap3A_8 = vector.load %arg5[%swap3A, %swap3A_7] : memref<512x32xf32, #tpu.memory_space<vmem>>, vector<512x32xf32>
    tpu.vector_store %arg5[%swap3A, %swap3A_7], %broadcast_in_dim3A_6 {strides = array<i32>} : memref<512x32xf32, #tpu.memory_space<vmem>>, vector<512x32xf32>,
    %get3A_9 = arith.constant 0 : index
    %get3A_10 = arith.constant 0 : index
    %get3A_11 = vector.load %arg1[%get3A_9, %get3A_10] : memref<512x128xf32, #tpu.memory_space<vmem>>, vector<512x128xf32>
    %get3A_12 = arith.constant 0 : index
    %get3A_13 = arith.constant 0 : index
    %get3A_14 = vector.load %arg2[%get3A_12, %get3A_13] : memref<128x128xf32, #tpu.memory_space<vmem>>, vector<128x128xf32>
    %dot_general3A = arith.constant dense<0.000000e+00> : vector<512x128xf32>
    %dot_general3A_15 = tpu.matmul %get3A_11, %get3A_14, %dot_general3A {dimension_numbers = #tpu.dot_dimension_numbers<[1], [0], [0], [1], [0, 0, 1, 1], [], []>, transpose_lhs_hint = false} : vector<512x128xf32>, vector<128x128xf32>, vector<512x128xf32> -> vector<512x128xf32>
    %mul3A = vector.broadcast %rsqrt3A : vector<512x1xf32> to vector<512x128xf32>
    %mul3A_16 = arith.mulf %dot_general3A_15, %mul3A : vector<512x128xf32>
    %swap3A_17 = arith.constant 0 : index
    %swap3A_18 = arith.constant 0 : index
    %swap3A_19 = vector.load %arg4[%swap3A_17, %swap3A_18] : memref<512x128xf32, #tpu.memory_space<vmem>>, vector<512x128xf32>
    tpu.vector_store %arg4[%swap3A_17, %swap3A_18], %mul3A_16 {strides = array<i32>} : memref<512x128xf32, #tpu.memory_space<vmem>>, vector<512x128xf32>,
    return
  }
  func.func @transform_0(%arg0: i32) -> (i32, i32) {
    %c0_i32 = arith.constant 0 : i32
    %c0_i32_0 = arith.constant 0 : i32
    return %arg0, %c0_i32 : i32, i32
  }
  func.func @transform_1(%arg0: i32) -> (i32, i32) {
    %c0_i32 = arith.constant 0 : i32
    %c0_i32_0 = arith.constant 0 : i32
    %c0_i32_1 = arith.constant 0 : i32
    return %c0_i32, %c0_i32_0 : i32, i32
  }
  func.func @transform_2(%arg0: i32) -> (i32, i32) {
    %c0_i32 = arith.constant 0 : i32
    %c0_i32_0 = arith.constant 0 : i32
    return %arg0, %c0_i32 : i32, i32
  }
  func.func @transform_3(%arg0: i32) -> (i32, i32) {
    %c0_i32 = arith.constant 0 : i32
    %c0_i32_0 = arith.constant 0 : i32
    return %arg0, %c0_i32 : i32, i32
  }
  func.func @transform_4(%arg0: i32) -> (i32, i32) {
    %c0_i32 = arith.constant 0 : i32
    %c0_i32_0 = arith.constant 0 : i32
    return %arg0, %c0_i32 : i32, i32
  }
}

module attributes {stable_mosaic.version = 14 : i64} {
  func.func @_mid_body(%arg0: i32, %arg1: memref<512x128xf32, #tpu.memory_space<vmem>>, %arg2: memref<512x128xf32, #tpu.memory_space<vmem>>, %arg3: memref<512x128xf32, #tpu.memory_space<vmem>>, %arg4: memref<512x32xf32, #tpu.memory_space<vmem>>, %arg5: memref<1x128xf32, #tpu.memory_space<vmem>>, %arg6: memref<128x128xf32, #tpu.memory_space<vmem>>, %arg7: memref<512x128xf32, #tpu.memory_space<vmem>>) attributes {dimension_semantics = [#tpu.dimension_semantics<arbitrary>], iteration_bounds = array<i64: 20>, scalar_prefetch = 0 : i64, scratch_operands = 0 : i64, tpu.core_type = #tpu.core_type<tc>, window_params = [{transform_indices = @transform_0, window_bounds = array<i64: 512, 128>}, {transform_indices = @transform_1, window_bounds = array<i64: 512, 128>}, {transform_indices = @transform_2, window_bounds = array<i64: 512, 128>}, {transform_indices = @transform_3, window_bounds = array<i64: 512, 32>}, {pipeline_mode = #tpu.pipeline_mode<synchronous>, transform_indices = @transform_4, window_bounds = array<i64: 1, 128>}, {pipeline_mode = #tpu.pipeline_mode<synchronous>, transform_indices = @transform_5, window_bounds = array<i64: 128, 128>}, {transform_indices = @transform_6, window_bounds = array<i64: 512, 128>}]} {
    %get3A = arith.constant 0 : index
    %get3A_0 = arith.constant 0 : index
    %get3A_1 = vector.load %arg4[%get3A, %get3A_0] : memref<512x32xf32, #tpu.memory_space<vmem>>, vector<512x32xf32>
    %slice3A = vector.extract_strided_slice %get3A_1 {offsets = [0, 0], sizes = [512, 1], strides = [1, 1]} : vector<512x32xf32> to vector<512x1xf32>
    %get3A_2 = arith.constant 0 : index
    %get3A_3 = arith.constant 0 : index
    %get3A_4 = vector.load %arg1[%get3A_2, %get3A_3] : memref<512x128xf32, #tpu.memory_space<vmem>>, vector<512x128xf32>
    %get3A_5 = arith.constant 0 : index
    %get3A_6 = arith.constant 0 : index
    %get3A_7 = vector.load %arg2[%get3A_5, %get3A_6] : memref<512x128xf32, #tpu.memory_space<vmem>>, vector<512x128xf32>
    %add3A = arith.addf %get3A_4, %get3A_7 : vector<512x128xf32>
    %get3A_8 = arith.constant 0 : index
    %get3A_9 = arith.constant 0 : index
    %get3A_10 = vector.load %arg3[%get3A_8, %get3A_9] : memref<512x128xf32, #tpu.memory_space<vmem>>, vector<512x128xf32>
    %add3A_11 = arith.addf %add3A, %get3A_10 : vector<512x128xf32>
    %mul3A = vector.broadcast %slice3A : vector<512x1xf32> to vector<512x128xf32>
    %mul3A_12 = arith.mulf %mul3A, %add3A_11 : vector<512x128xf32>
    %get3A_13 = arith.constant 0 : index
    %get3A_14 = arith.constant 0 : index
    %get3A_15 = vector.load %arg5[%get3A_13, %get3A_14] : memref<1x128xf32, #tpu.memory_space<vmem>>, vector<1x128xf32>
    %add3A_16 = vector.broadcast %get3A_15 : vector<1x128xf32> to vector<512x128xf32>
    %add3A_17 = arith.addf %mul3A_12, %add3A_16 : vector<512x128xf32>
    %max3A = arith.constant 0.000000e+00 : f32
    %max3A_18 = vector.broadcast %max3A : f32 to vector<512x128xf32>
    %max3A_19 = arith.maximumf %add3A_17, %max3A_18 : vector<512x128xf32>
    %get3A_20 = arith.constant 0 : index
    %get3A_21 = arith.constant 0 : index
    %get3A_22 = vector.load %arg6[%get3A_20, %get3A_21] : memref<128x128xf32, #tpu.memory_space<vmem>>, vector<128x128xf32>
    %dot_general3A = arith.constant dense<0.000000e+00> : vector<512x128xf32>
    %dot_general3A_23 = tpu.matmul %max3A_19, %get3A_22, %dot_general3A {dimension_numbers = #tpu.dot_dimension_numbers<[1], [0], [0], [1], [0, 0, 1, 1], [], []>, transpose_lhs_hint = false} : vector<512x128xf32>, vector<128x128xf32>, vector<512x128xf32> -> vector<512x128xf32>
    %mul3A_24 = vector.broadcast %slice3A : vector<512x1xf32> to vector<512x128xf32>
    %mul3A_25 = arith.mulf %dot_general3A_23, %mul3A_24 : vector<512x128xf32>
    %swap3A = arith.constant 0 : index
    %swap3A_26 = arith.constant 0 : index
    %swap3A_27 = vector.load %arg7[%swap3A, %swap3A_26] : memref<512x128xf32, #tpu.memory_space<vmem>>, vector<512x128xf32>
    tpu.vector_store %arg7[%swap3A, %swap3A_26], %mul3A_25 {strides = array<i32>} : memref<512x128xf32, #tpu.memory_space<vmem>>, vector<512x128xf32>,
    return
  }
  func.func @transform_0(%arg0: i32) -> (i32, i32) {
    %c0_i32 = arith.constant 0 : i32
    %c0_i32_0 = arith.constant 0 : i32
    return %arg0, %c0_i32 : i32, i32
  }
  func.func @transform_1(%arg0: i32) -> (i32, i32) {
    %add3A = arith.constant 20 : i32
    %add3A_0 = arith.addi %arg0, %add3A : i32
    %c0_i32 = arith.constant 0 : i32
    %c0_i32_1 = arith.constant 0 : i32
    return %add3A_0, %c0_i32 : i32, i32
  }
  func.func @transform_2(%arg0: i32) -> (i32, i32) {
    %c0_i32 = arith.constant 0 : i32
    %c0_i32_0 = arith.constant 0 : i32
    return %arg0, %c0_i32 : i32, i32
  }
  func.func @transform_3(%arg0: i32) -> (i32, i32) {
    %c0_i32 = arith.constant 0 : i32
    %c0_i32_0 = arith.constant 0 : i32
    return %arg0, %c0_i32 : i32, i32
  }
  func.func @transform_4(%arg0: i32) -> (i32, i32) {
    %c0_i32 = arith.constant 0 : i32
    %c0_i32_0 = arith.constant 0 : i32
    %c0_i32_1 = arith.constant 0 : i32
    return %c0_i32, %c0_i32_0 : i32, i32
  }
  func.func @transform_5(%arg0: i32) -> (i32, i32) {
    %c0_i32 = arith.constant 0 : i32
    %c0_i32_0 = arith.constant 0 : i32
    %c0_i32_1 = arith.constant 0 : i32
    return %c0_i32, %c0_i32_0 : i32, i32
  }
  func.func @transform_6(%arg0: i32) -> (i32, i32) {
    %c0_i32 = arith.constant 0 : i32
    %c0_i32_0 = arith.constant 0 : i32
    return %arg0, %c0_i32 : i32, i32
  }
}

module attributes {stable_mosaic.version = 14 : i64} {
  func.func @_post_body(%arg0: i32, %arg1: memref<512x128xf32, #tpu.memory_space<vmem>>, %arg2: memref<512x128xf32, #tpu.memory_space<vmem>>, %arg3: memref<512x128xf32, #tpu.memory_space<vmem>>, %arg4: memref<512x32xf32, #tpu.memory_space<vmem>>, %arg5: memref<1x128xf32, #tpu.memory_space<vmem>>, %arg6: memref<512x128xf32, #tpu.memory_space<vmem>>) attributes {dimension_semantics = [#tpu.dimension_semantics<arbitrary>], iteration_bounds = array<i64: 20>, scalar_prefetch = 0 : i64, scratch_operands = 0 : i64, tpu.core_type = #tpu.core_type<tc>, window_params = [{transform_indices = @transform_0, window_bounds = array<i64: 512, 128>}, {transform_indices = @transform_1, window_bounds = array<i64: 512, 128>}, {transform_indices = @transform_2, window_bounds = array<i64: 512, 128>}, {transform_indices = @transform_3, window_bounds = array<i64: 512, 32>}, {pipeline_mode = #tpu.pipeline_mode<synchronous>, transform_indices = @transform_4, window_bounds = array<i64: 1, 128>}, {transform_indices = @transform_5, window_bounds = array<i64: 512, 128>}]} {
    %get3A = arith.constant 0 : index
    %get3A_0 = arith.constant 0 : index
    %get3A_1 = vector.load %arg4[%get3A, %get3A_0] : memref<512x32xf32, #tpu.memory_space<vmem>>, vector<512x32xf32>
    %slice3A = vector.extract_strided_slice %get3A_1 {offsets = [0, 0], sizes = [512, 1], strides = [1, 1]} : vector<512x32xf32> to vector<512x1xf32>
    %get3A_2 = arith.constant 0 : index
    %get3A_3 = arith.constant 0 : index
    %get3A_4 = vector.load %arg1[%get3A_2, %get3A_3] : memref<512x128xf32, #tpu.memory_space<vmem>>, vector<512x128xf32>
    %get3A_5 = arith.constant 0 : index
    %get3A_6 = arith.constant 0 : index
    %get3A_7 = vector.load %arg2[%get3A_5, %get3A_6] : memref<512x128xf32, #tpu.memory_space<vmem>>, vector<512x128xf32>
    %add3A = arith.addf %get3A_4, %get3A_7 : vector<512x128xf32>
    %get3A_8 = arith.constant 0 : index
    %get3A_9 = arith.constant 0 : index
    %get3A_10 = vector.load %arg3[%get3A_8, %get3A_9] : memref<512x128xf32, #tpu.memory_space<vmem>>, vector<512x128xf32>
    %add3A_11 = arith.addf %add3A, %get3A_10 : vector<512x128xf32>
    %mul3A = vector.broadcast %slice3A : vector<512x1xf32> to vector<512x128xf32>
    %mul3A_12 = arith.mulf %mul3A, %add3A_11 : vector<512x128xf32>
    %get3A_13 = arith.constant 0 : index
    %get3A_14 = arith.constant 0 : index
    %get3A_15 = vector.load %arg5[%get3A_13, %get3A_14] : memref<1x128xf32, #tpu.memory_space<vmem>>, vector<1x128xf32>
    %add3A_16 = vector.broadcast %get3A_15 : vector<1x128xf32> to vector<512x128xf32>
    %add3A_17 = arith.addf %mul3A_12, %add3A_16 : vector<512x128xf32>
    %swap3A = arith.constant 0 : index
    %swap3A_18 = arith.constant 0 : index
    %swap3A_19 = vector.load %arg6[%swap3A, %swap3A_18] : memref<512x128xf32, #tpu.memory_space<vmem>>, vector<512x128xf32>
    tpu.vector_store %arg6[%swap3A, %swap3A_18], %add3A_17 {strides = array<i32>} : memref<512x128xf32, #tpu.memory_space<vmem>>, vector<512x128xf32>,
    return
  }
  func.func @transform_0(%arg0: i32) -> (i32, i32) {
    %c0_i32 = arith.constant 0 : i32
    %c0_i32_0 = arith.constant 0 : i32
    return %arg0, %c0_i32 : i32, i32
  }
  func.func @transform_1(%arg0: i32) -> (i32, i32) {
    %add3A = arith.constant 20 : i32
    %add3A_0 = arith.addi %arg0, %add3A : i32
    %c0_i32 = arith.constant 0 : i32
    %c0_i32_1 = arith.constant 0 : i32
    return %add3A_0, %c0_i32 : i32, i32
  }
  func.func @transform_2(%arg0: i32) -> (i32, i32) {
    %c0_i32 = arith.constant 0 : i32
    %c0_i32_0 = arith.constant 0 : i32
    return %arg0, %c0_i32 : i32, i32
  }
  func.func @transform_3(%arg0: i32) -> (i32, i32) {
    %c0_i32 = arith.constant 0 : i32
    %c0_i32_0 = arith.constant 0 : i32
    return %arg0, %c0_i32 : i32, i32
  }
  func.func @transform_4(%arg0: i32) -> (i32, i32) {
    %c0_i32 = arith.constant 0 : i32
    %c0_i32_0 = arith.constant 0 : i32
    %c0_i32_1 = arith.constant 0 : i32
    return %c0_i32, %c0_i32_0 : i32, i32
  }
  func.func @transform_5(%arg0: i32) -> (i32, i32) {
    %c0_i32 = arith.constant 0 : i32
    %c0_i32_0 = arith.constant 0 : i32
    return %arg0, %c0_i32 : i32, i32
  }
}

</mosaic_0001>

<sc_bundles>
// kernel: kernel.11.cloned.1.call-start
scs
__scs_entry_jumppad:
0x0: {  	(pc) =	sbr.rel $0x88, $3  }
0x1: {  	(tag) =	ssettag $0x0;
	lr =	simm.s32 $0x1  }
0x2: {  	[smem:$0x3F9B] =	sst lr;
	_ =	strace $0xD0000000  }
0x3: {  	_ = 	snop  }
0x4: {  	_ = 	snop  }
0x5: {  	_ = 	snop  }
0x6: {  	_ = 	snop  }
0x7: {  	_ = 	snop  }
__scs_overlays_trampoline_lowered:
0x8: {  	[smem:$0x3FAA] =	sst s0  }
0x9: {  	[smem:$0x3FAB] =	sst s1  }
0xa: {  	[smem:$0x3FAC] =	sst s2  }
0xb: {  	[smem:$0x3FAD] =	sst s3  }
0xc: {  	[smem:$0x3FAE] =	sst s4  }
0xd: {  	[smem:$0x3FAF] =	sst s5  }
0xe: {  	[smem:$0x3FB0] =	sst s6  }
0xf: {  	[smem:$0x3FB1] =	sst s7  }
0x10: {  	[smem:$0x3FB2] =	sst s8  }
0x11: {  	[smem:$0x3FB3] =	sst s9;
	s0 =	simm.s32 @!p0 $0x0  }
0x12: {  	s1 =	sld [smem:$0x3F99];
	s0 =	simm.s32 @p0 $0x1  }
0x13: {  	[smem:$0x3FB4] =	sst s0;
	s0 =	simm.s32 @!p1 $0x0  }
0x14: {  	s2 =	sld [smem:$0x3F98];
	s0 =	simm.s32 @p1 $0x1  }
0x15: {  	[smem:$0x3FB5] =	sst s0;
	s0 =	simm.s32 @!p2 $0x0  }
0x16: {  	s3 =	sld [smem:$0x3FDB];
	s0 =	simm.s32 @p2 $0x1  }
0x17: {  	s4 =	simm.s32 $0x1BF5;
	[smem:$0x3FB7] =	sst s0  }
0x18: {  	s0 =	sld [smem:$0x3F9A];
	_ =	swait.ge [sflag:s4], $0x0  }
0x19: {  	s7 =	sld [smem:$0x3F9B]  }
0x1a: {  	s8 =	sadd.s32 $0xFFFFE003, lr  }
0x1b: {  	s9 =	sadd.s32 $0xFFFFFEF7, lr;
	s5 =	simm.s32 $0xFFFFFFFF;
	p2 =	slt.u32 s8, $0xFFFFF086  }
0x1c: {  	p1 =	slt.u32 s9, $0xF7A;
	s5 =	simm.s32 @!p2 $0x0  }
0x1d: {  	s5 =	simm.s32 @p1 $0x1;
	p0 =	seq.s32 s7, s2  }
0x1e: {  	s7 =	smul.u32 @!p0 $0xF7A, s2;
	p2 =	seq.s32 @!p0 s5, $0x0  }
0x1f: {  	s9 =	smul.u32 $0xF7A, s1;
	s8 =	simm.s32 @!p0 $0x1BF5;
	p2 =	por !p2, p0  }
0x20: {  	[sflag:s8] =	ssyncset.s32 @!p0 $0xFFFFF086;
	s6 =	sadd.s32 @!p0 s3, s7;
	s7 =	simm.s32 @!p0 $0x108  }
0x21: {  	s3 =	sadd.s32 s3, s9;
	s6 =	sadd.s32 @!p0 $0x88, s6;
	s7 =	simm.s32 @p2 $0x1082  }
0x22: {  	[simem:s7], [sflag:s8] =	dma.local @!p0 [hbm:s6], $0xF7A  }
0x23: {  	s9 =	sor.u32 $0xD0000000, s2;
	s6 =	simm.s32 $0x108;
	_ =	swait.ge @!p0 [sflag:s8], $0x0  }
0x24: {  	s3 =	sadd.s32 $0x88, s3;
	s6 =	simm.s32 @!p1 $0x1082;
	[sflag:s4] =	ssyncset.s32 $0xFFFFF086  }
0x25: {  	[simem:s6], [sflag:s4] =	dma.local [hbm:s3], $0xF7A  }
0x26: {  	[smem:$0x3F9B] =	sst s1;
	(tag) =	ssettag s2;
	_ =	strace s9  }
0x27: {  	s1 =	sld [smem:$0x3FAB]  }
0x28: {  	s2 =	sld [smem:$0x3FAC]  }
0x29: {  	s4 =	sld [smem:$0x3FAE]  }
0x2a: {  	p0 =	seq.s32 s5, $0x0;
	s5 =	sld [smem:$0x3FAF]  }
0x2b: {  	s6 =	sld [smem:$0x3FB0]  }
0x2c: {  	s7 =	sld [smem:$0x3FB1]  }
0x2d: {  	s3 =	simm.s32 $0x108;
	s8 =	sld [smem:$0x3FB2]  }
0x2e: {  	s3 =	simm.s32 @!p0 $0x1082;
	s9 =	sld [smem:$0x3FB3]  }
0x2f: {  	lr =	sadd.s32 s0, s3;
	s0 =	sld [smem:$0x3FAA]  }
0x30: {  	s3 =	sld [smem:$0x3FAD]  }
0x31: {  	[smem:$0x3FB6] =	sst s10  }
0x32: {  	s10 =	sld [smem:$0x3FB4];
	_ =	sdelay $0x3  }
0x33: {  	p0 =	seq.s32 s10, $0x1;
	s10 =	sld [smem:$0x3FB6];
	_ =	sdelay $0x3  }
0x34: {  	[smem:$0x3FB6] =	sst s10  }
0x35: {  	s10 =	sld [smem:$0x3FB5];
	_ =	sdelay $0x3  }
0x36: {  	p1 =	seq.s32 s10, $0x1;
	s10 =	sld [smem:$0x3FB6];
	_ =	sdelay $0x3  }
0x37: {  	[smem:$0x3FB6] =	sst s10  }
0x38: {  	s10 =	sld [smem:$0x3FB7]  }
0x39: {  	_ = 	snop;
	(pc) =	sbr.ind lr, $3  }
0x3a: {  	_ = 	snop  }
0x3b: {  	_ = 	snop  }
0x3c: {  	p2 =	seq.s32 s10, $0x1;
	s10 =	sld [smem:$0x3FB6]  }
0x3d: {  	_ =	shalt  }
0x3e: {  	_ =	shalt  }
0x3f: {  	_ =	shalt  }
0x40: {  	_ =	shalt  }
0x41: {  	_ =	shalt  }
0x42: {  	_ =	shalt  }
0x43: {  	_ =	shalt  }
0x44: {  	_ =	shalt  }
0x45: {  	_ =	shalt  }
0x46: {  	_ =	shalt  }
0x47: {  	_ =	shalt  }
0x48: {  	_ =	shalt  }
0x49: {  	_ =	shalt  }
0x4a: {  	_ =	shalt  }
0x4b: {  	_ =	shalt  }
0x4c: {  	_ =	shalt  }
0x4d: {  	_ =	shalt  }
0x4e: {  	_ =	shalt  }
0x4f: {  	_ =	shalt  }
0x50: {  	_ =	shalt  }
0x51: {  	_ =	shalt  }
0x52: {  	_ =	shalt  }
0x53: {  	_ =	shalt  }
0x54: {  	_ =	shalt  }
0x55: {  	_ =	shalt  }
0x56: {  	_ =	shalt  }
0x57: {  	_ =	shalt  }
0x58: {  	_ =	shalt  }
0x59: {  	_ =	shalt  }
0x5a: {  	_ =	shalt  }
0x5b: {  	_ =	shalt  }
0x5c: {  	_ =	shalt  }
0x5d: {  	_ =	shalt  }
0x5e: {  	_ =	shalt  }
0x5f: {  	_ =	shalt  }
0x60: {  	_ =	shalt  }
0x61: {  	_ =	shalt  }
0x62: {  	_ =	shalt  }
0x63: {  	_ =	shalt  }
0x64: {  	_ =	shalt  }
0x65: {  	_ =	shalt  }
0x66: {  	_ =	shalt  }
0x67: {  	_ =	shalt  }
0x68: {  	_ =	shalt  }
0x69: {  	_ =	shalt  }
0x6a: {  	_ =	shalt  }
0x6b: {  	_ =	shalt  }
0x6c: {  	_ =	shalt  }
0x6d: {  	_ =	shalt  }
0x6e: {  	_ =	shalt  }
0x6f: {  	_ =	shalt  }
0x70: {  	_ =	shalt  }
0x71: {  	_ =	shalt  }
0x72: {  	_ =	shalt  }
0x73: {  	_ =	shalt  }
0x74: {  	_ =	shalt  }
0x75: {  	_ =	shalt  }
0x76: {  	_ =	shalt  }
0x77: {  	_ =	shalt  }
0x78: {  	_ =	shalt  }
0x79: {  	_ =	shalt  }
0x7a: {  	_ =	shalt  }
0x7b: {  	_ =	shalt  }
0x7c: {  	_ =	shalt  }
0x7d: {  	_ =	shalt  }
0x7e: {  	_ =	shalt  }
0x7f: {  	_ =	shalt  }
0x80: {  	_ =	shalt  }
0x81: {  	_ =	shalt  }
0x82: {  	_ =	shalt  }
0x83: {  	_ =	shalt  }
0x84: {  	_ =	shalt  }
0x85: {  	_ =	shalt  }
0x86: {  	_ =	shalt  }
0x87: {  	_ =	shalt  }
.Lfunc_end0:
.L_simem_size_0:
called_computation.1_lowered:
.L_overlay_start_0:
0x88: {  	s2 =	sld [smem:$0x3FD9]  }
0x89: {  	s3 =	sld [smem:$0x3FFE];
	_ =	sdelay $0x1  }
0x8a: {  	s1 =	srdreg.scid  }
0x8b: {  	s0 =	sand.u32 $0x1, s1  }
0x8c: {  	s17 =	sshll.u32 s0, $0xA;
	s2 =	sadd.s32 s3, s2  }
0x8d: {  	s2 =	sadd.s32 s2, s17  }
0x8e: {  	[smem:$0x3FC2] =	sst s2  }
0x8f: {  	_ = 	snop  }
0x90: {  	s2 =	sld [smem:$0x3FD0];
	(tm) =	ssettm $0x1  }
0x91: {  	s18 =	sld [smem:$0x3FFB];
	_ =	sdelay $0x3  }
0x92: {  	_ =	strace s18  }
0x93: {  	s3 =	sld [smem:$0x3FFC];
	_ =	sdelay $0x3  }
0x94: {  	_ =	strace s3  }
0x95: {  	s3 =	sld [smem:$0x3FFD];
	_ =	sdelay $0x3  }
0x96: {  	_ =	strace s3  }
0x97: {  	_ =	strace $0x8FFFFFFF  }
0x98: {  	s19 =	sld [smem:$0x3FDB];
	_ =	sdelay $0x1  }
0x99: {  	s4 =	simm.s32 $_scs_section_size  }
0x9a: {  	s5 =	simm.s32 $_size__tile_overlayer_lowered;
	s6 =	simm.s32 $_tile_overlayer_lowered  }
0x9b: {  	s22 =	simm.s32 $0x1BFF;
	s21 =	sshll.u32 s6, $0x1;
	s3 =	sadd.s32 s4, s19  }
0x9c: {  	s7 =	simm.s32 $0x0;
	s20 =	sshll.u32 s5, $0x1;
	s5 =	sadd.s32 s21, s3  }
0x9d: {  	[timem:s7], [sflag:s22] =	dma.local [hbm:s5], s20  }
0x9e: {  	_ =	swait.ge [sflag:s22], s20  }
0x9f: {  	s4 =	ssub.s32 $0x0, s20;
	[sflag:s22] =	ssyncset.done $0x0  }
0xa0: {  	[sflag:s22] =	ssyncadd.s32 s4;
	_ =	sdelay $0x1  }
0xa1: {  	s23 =	simm.s32 $0x1B8B  }
0xa2: {  	_ =	swait.ge [sflag:s23], $0x1  }
0xa3: {  	[sflag:s23] =	ssyncset.done $0x0  }
0xa4: {  	s25 =	simm.s32 $0x1B8E;
	s24 =	sld [smem:$0x3FFE];
	[sflag:s23] =	ssyncadd.s32 $0xFFFFFFFF  }
0xa5: {  	s26 =	simm.s32 $execute0_lowered;
	[smem:$0x3FD2] =	sst s25  }
0xa6: {  	s5 =	sshll.u32 s26, $0x1;
	_ =	strace $0x80000049;
	[dreg:$0x1] =	wrdreg $0xFFFFFFFF  }
0xa7: {  	s28 =	simm.s32 $_size_execute0_lowered;
	s3 =	sadd.s32 s3, s5;
	[dreg:$0x0] =	wrdreg $0x0  }
0xa8: {  	s5 =	sshll.u32 s28, $0x1;
	[dreg:$0x2] =	wrdreg s3  }
0xa9: {  	[dreg:$0x3] =	wrdreg s5  }
0xaa: {  	[dreg:$0x4] =	wrdreg $0xC0  }
0xab: {  	_ =	task [dreg:s7], $0x5FFFF  }
0xac: {  	[dreg:$0x1] =	wrdreg $0xFFFFFFFF  }
0xad: {  	[dreg:$0x0] =	wrdreg $0x60  }
0xae: {  	[dreg:$0x2] =	wrdreg s24  }
0xaf: {  	[dreg:$0x3] =	wrdreg s2  }
0xb0: {  	[dreg:$0x4] =	wrdreg $0xA8000  }
0xb1: {  	[dreg:$0x5] =	wrdreg $0x9  }
0xb2: {  	_ =	task.clear_ibuf [dreg:s7], $0x6FFFF;
	_ =	strace $0x90000049  }
0xb3: {  	s29 =	simm.s32 $0x9;
	_ =	strace $0x8000004B  }
0xb4: {  	_ =	swait.ge [sflag:s29], $0x1  }
0xb5: {  	[sflag:s29] =	ssyncadd.s32 $0xFFFFFFFF  }
0xb6: {  	_ =	strace $0x9000004B  }
0xb7: {  	_ =	sfence  }
0xb8: {  	s30 =	sld [smem:$0x0];
	_ =	sdelay $0x2  }
0xb9: {  	s31 =	sshll.u32 s1, $0xD;
	s1 =	sshrl.u32 s1, $0x2  }
0xba: {  	s3 =	sand.u32 $0x4000, s31;
	s1 =	sadd.s32 s1, s30  }
0xbb: {  	s0 =	sor.u32 s3, s0;
	s1 =	sshll.u32 s1, $0x11  }
0xbc: {  	s0 =	sor.u32 s1, s0  }
0xbd: {  	s0 =	sadd.s32 $0x8F2B, s0  }
0xbe: {  	[sflag:s0] =	ssyncadd.remote.s32 $0x1  }
0xbf: {  	_ =	sfence.sel $0xFFFF  }
0xc0: {  	[dreg:$0x0] =	wrdreg $0xFFFFFFFF;
	(pc) =	sbr.abs _section_cstart, $3  }
0xc1: {  	[dreg:$0x1] =	wrdreg $0xFFFFFFFF  }
0xc2: {  	_ =	task.clear_ibuf [dreg:s7], $0x2FFFF;
	_ =	strace $0x9FFFFFFF  }
0xc3: {  	(tm) =	ssettm $0x7FFFFFFF  }
tec
execute0_lowered:
.L_overlay_start_1:
0x0: {  	(tag) =	ssettag $0x1  }
0x1: {  	s0 =	rddreg [dreg:$0x0]  }
0x2: {  	s18 =	rddreg [dreg:$0x1]  }
0x3: {  	s1 =	rddreg [dreg:$0x2]  }
0x4: {  	s3 =	simm.s32 $0x0;
	s5 =	srdreg.scid;
	s2 =	stileid.u32  }
0x5: {  	s21 =	simm.s32 $0x3;
	[smem:$0x7FF] =	sst s3;
	s10 =	smul.u32 $0x280, s2  }
0x6: {  	s4 =	sadd.s32 $0xC600, s0;
	s7 =	sand.u32 $0x1, s5;
	s6 =	smul.u32 $0x50000, s2  }
0x7: {  	s19 =	sadd.s32 $0x2600, s0;
	s0 =	sadd.s32 $0x34600, s0;
	s20 =	smul.u32 $0xA0, s2  }
0x8: {  	_ =	strace $0x8000004A;
	s5 =	ssub.s32 $0x2, s7;
	s11 =	ssub.s32 $0x0, s7  }
0x9: {  	s17 =	smul.u32 $0x2800, s7;
	s8 =	sshrl.u32 s5, $0x1;
	s22 =	sshrl.u32 s6, $0x2  }
0xa: {  	s12 =	sadd.s32 $0x80, s10;
	s13 =	sadd.s32 $0x100, s10;
	s14 =	sadd.s32 $0x180, s10  }
0xb: {  	s16 =	sadd.s32 $0x200, s10;
	s11 =	sand.u32 $0x50, s11;
	s15 =	ssub.s32 s5, s8  }
0xc: {  	s5 =	sadd.s32 s22, s1;
	s23 =	sshll.u32 s12, $0x7;
	s24 =	sshll.u32 s13, $0x7  }
0xd: {  	s9 =	sshll.u32 s14, $0x7;
	s25 =	sshll.u32 s16, $0x7;
	s10 =	sadd.s32 s10, s17  }
0xe: {  	s12 =	sadd.s32 s17, s12;
	s20 =	sadd.s32 s20, s11;
	s28 =	sadd.s32 s17, s13  }
0xf: {  	s29 =	sadd.s32 s17, s14;
	s30 =	sadd.s32 s17, s16;
	s22 =	simm.s32 $0x1  }
0x10: {  	s6 =	sadd.s32 s23, s1;
	s7 =	sadd.s32 s24, s1;
	s8 =	sadd.s32 s9, s1  }
0x11: {  	s9 =	sadd.s32 s25, s1;
	s10 =	sshll.u32 s10, $0x4;
	s26 =	sshll.u32 s12, $0x4  }
0x12: {  	s12 =	sshll.u32 s28, $0x4;
	s13 =	sshll.u32 s29, $0x4;
	s14 =	sshll.u32 s30, $0x4  }
0x13: {  	s15 =	smax.u32 s15, $0x1;
	s31 =	sshll.u32 s20, $0x4;
	s20 =	simm.s32 $0x2800  }
.Ltmp0:
0x14: {  	s23 =	simm.s32 $0x2780;
	s24 =	simm.s32 $0x2;
	(pc) =	sbr.rel .LBB2_1-.Ltmp0, $4  }
0x15: {  	s25 =	simm.s32 $0x80;
	s10 =	sadd.s32 s0, s10;
	s11 =	sadd.s32 s0, s26  }
0x16: {  	s12 =	sadd.s32 s0, s12;
	s13 =	sadd.s32 s0, s13;
	s14 =	sadd.s32 s0, s14  }
0x17: {  	s16 =	sadd.s32 s18, s31;
	s17 =	sadd.s32 s19, s31;
	s0 =	sadd.s32 $0x280, s31  }
0x18: {  	v0 =	vimm.f32 $0.0e+00;
	s26 =	simm.s32 $0x0;
	s18 =	sadd.s32 s18, s0;
	s19 =	sadd.s32 s19, s0  }
.LBB2_9:
0x19: {  	[spmem:s1] =	stream.indirect.scatter.add.f32 [tilespmem:s0], [sflag:$0x2], $0x80, s23, s25, $0xb8;
	[tilespmem:$0x1E800] =	vst v63  }
0x1a: {  	_ =	swait.ge [sflag:s24], $0x4000  }
0x1b: {  	s2 =	stileid.u32;
	[sflag:s24] =	ssyncset.done $0x0  }
0x1c: {  	s0 =	sshll.u32 s2, $0x6;
	[sflag:s24] =	ssyncadd.s32 $0xFFFFC000  }
0x1d: {  	s2 =	sshrl.u32 s5, $0x3;
	s0 =	sor.u32 $0x1C03, s0;
	[bflag:$0x0] =	sbarrier.arrive $0xFFFF  }
0x1e: {  	[hbm:s10], [sflag:s0] =	dma.local [spmem:s2], $0x800  }
0x1f: {  	_ =	swait.ge [sflag:s21], $0x800  }
0x20: {  	[sflag:s21] =	ssyncset.done $0x0  }
0x21: {  	s28 =	sshrl.u32 s6, $0x3;
	[sflag:s21] =	ssyncadd.s32 $0xFFFFF800  }
0x22: {  	[hbm:s11], [sflag:s0] =	dma.local [spmem:s28], $0x800  }
0x23: {  	_ =	swait.ge [sflag:s21], $0x800  }
0x24: {  	[sflag:s21] =	ssyncset.done $0x0  }
0x25: {  	s29 =	sshrl.u32 s7, $0x3;
	[sflag:s21] =	ssyncadd.s32 $0xFFFFF800  }
0x26: {  	[hbm:s12], [sflag:s0] =	dma.local [spmem:s29], $0x800  }
0x27: {  	_ =	swait.ge [sflag:s21], $0x800  }
0x28: {  	[sflag:s21] =	ssyncset.done $0x0  }
0x29: {  	s30 =	sshrl.u32 s8, $0x3;
	[sflag:s21] =	ssyncadd.s32 $0xFFFFF800  }
0x2a: {  	[hbm:s13], [sflag:s0] =	dma.local [spmem:s30], $0x800  }
0x2b: {  	s26 =	sadd.s32 $0x1, s26;
	_ =	swait.ge [sflag:s21], $0x800  }
0x2c: {  	p0 =	sne.s32 s26, s15;
	[sflag:s21] =	ssyncset.done $0x0  }
.Ltmp1:
0x2d: {  	s31 =	sshrl.u32 s9, $0x3;
	[sflag:s21] =	ssyncadd.s32 $0xFFFFF800;
	(pc) =	sbr.rel @!p0 .LBB2_10-.Ltmp1, $4  }
0x2e: {  	[hbm:s14], [sflag:s0] =	dma.local [spmem:s31], $0x800  }
0x2f: {  	_ =	swait.ge [sflag:s21], $0x800  }
0x30: {  	[sflag:s21] =	ssyncset.done $0x0  }
0x31: {  	[sflag:s21] =	ssyncadd.s32 $0xFFFFF800  }
.LBB2_1:
0x32: {  	s28 =	simm.s32 $0x0;
	s29 =	simm.s32 $0x200  }
.LBB2_2:
0x33: {  	p0 =	sne.s32 s29, $0xFE00;
	[tilespmem:s28+$0x2870] =	vst v0  }
0x34: {  	[tilespmem:s28+$0x2800] =	vst v0  }
0x35: {  	[tilespmem:s28+$0x2810] =	vst v0  }
.Ltmp2:
0x36: {  	[tilespmem:s28+$0x2820] =	vst v0;
	(pc) =	sbr.rel @p0 .LBB2_2-.Ltmp2, $4  }
0x37: {  	[tilespmem:s28+$0x2830] =	vst v0  }
0x38: {  	[tilespmem:s28+$0x2840] =	vst v0  }
0x39: {  	[tilespmem:s28+$0x2850] =	vst v0  }
0x3a: {  	[tilespmem:s28+$0x2860] =	vst v0;
	s28 =	sshra.s32 s29, $0x2;
	s29 =	sadd.s32 $0x200, s29  }
0x3b: {  	[tilespmem:s28+$0x2870] =	vst v0  }
0x3c: {  	[tilespmem:s28+$0x2800] =	vst v0  }
0x3d: {  	[tilespmem:s28+$0x2810] =	vst v0  }
0x3e: {  	[tilespmem:s28+$0x2820] =	vst v0  }
0x3f: {  	[tilespmem:s28+$0x2830] =	vst v0  }
0x40: {  	[tilespmem:s28+$0x2840] =	vst v0  }
0x41: {  	[tilespmem:s28+$0x2850] =	vst v0  }
0x42: {  	[tilespmem:s28+$0x2860] =	vst v0  }
0x43: {  	[spmem:s5] =	stream.linear.scatter [tilespmem:s20], [sflag:$0x3], $0x4000, $0x38;
	[tilespmem:$0x1E800] =	vst v63  }
0x44: {  	_ =	swait.ge [sflag:s21], $0x4000  }
0x45: {  	[sflag:s21] =	ssyncset.done $0x0  }
0x46: {  	[sflag:s21] =	ssyncadd.s32 $0xFFFFC000  }
0x47: {  	[spmem:s6] =	stream.linear.scatter [tilespmem:s20], [sflag:$0x3], $0x4000, $0x38;
	[tilespmem:$0x1E800] =	vst v63  }
0x48: {  	_ =	swait.ge [sflag:s21], $0x4000  }
0x49: {  	[sflag:s21] =	ssyncset.done $0x0  }
0x4a: {  	[sflag:s21] =	ssyncadd.s32 $0xFFFFC000  }
0x4b: {  	[spmem:s7] =	stream.linear.scatter [tilespmem:s20], [sflag:$0x3], $0x4000, $0x38;
	[tilespmem:$0x1E800] =	vst v63  }
0x4c: {  	_ =	swait.ge [sflag:s21], $0x4000  }
0x4d: {  	[sflag:s21] =	ssyncset.done $0x0  }
0x4e: {  	[sflag:s21] =	ssyncadd.s32 $0xFFFFC000  }
0x4f: {  	[spmem:s8] =	stream.linear.scatter [tilespmem:s20], [sflag:$0x3], $0x4000, $0x38;
	[tilespmem:$0x1E800] =	vst v63  }
0x50: {  	_ =	swait.ge [sflag:s21], $0x4000  }
0x51: {  	[sflag:s21] =	ssyncset.done $0x0  }
0x52: {  	[sflag:s21] =	ssyncadd.s32 $0xFFFFC000  }
0x53: {  	[spmem:s9] =	stream.linear.scatter [tilespmem:s20], [sflag:$0x3], $0x4000, $0x38;
	[tilespmem:$0x1E800] =	vst v63  }
0x54: {  	_ =	swait.ge [sflag:s21], $0x4000  }
0x55: {  	[sflag:s21] =	ssyncset.done $0x0  }
0x56: {  	[sflag:s21] =	ssyncadd.s32 $0xFFFFC000  }
0x57: {  	[bflag:$0x0] =	sbarrier.arrive $0xFFFF  }
0x58: {  	[tilespmem:s3], [sflag:$0x3] =	stream.linear.gather [hbm4b:s16+s3], $0x1400, $0x38;
	[tilespmem:$0x1E800] =	vst v63  }
0x59: {  	_ =	swait.ge [sflag:s21], $0x1400  }
0x5a: {  	[sflag:s21] =	ssyncset.done $0x0  }
0x5b: {  	s28 =	simm.s32 $0x1400;
	[sflag:s21] =	ssyncadd.s32 $0xFFFFEC00  }
0x5c: {  	[tilespmem:s28], [sflag:$0x3] =	stream.linear.gather [hbm4b:s17+s3], $0x1400, $0x38;
	[tilespmem:$0x1E800] =	vst v63  }
0x5d: {  	_ =	swait.ge [sflag:s21], $0x1400  }
0x5e: {  	s29 =	simm.s32 $0x80;
	[sflag:s21] =	ssyncset.done $0x0  }
0x5f: {  	s30 =	simm.s32 $0x4000;
	s31 =	simm.s32 $0x27;
	[sflag:s21] =	ssyncadd.s32 $0xFFFFEC00  }
0x60: {  	[tilespmem:s20], [sflag:$0x1] =	stream.indirect.gather [hbm4b:s4+s29], $0x80, s3, s29, $0xb8;
	[tilespmem:$0x1E800] =	vst v63  }
.LBB2_4:
0x61: {  	p0 =	seq.s32 s31, $0x27  }
0x62: {  	p1 =	seq.s32 @!p0 s31, $0x0  }
0x63: {  	_ =	swait.ge [sflag:s22], $0x4000;
	p1 =	por p0, !p1  }
.Ltmp3:
0x64: {  	[sflag:s22] =	ssyncset.done $0x0;
	(pc) =	sbr.rel @!p1 .LBB2_6-.Ltmp3, $4  }
0x65: {  	s2 =	simm.s32 @!p0 $0x2;
	[sflag:s22] =	ssyncadd.s32 $0xFFFFC000  }
0x66: {  	s0 =	sadd.s32 $0xFFFFC000, s30;
	_ =	swait.ge @!p0 [sflag:s2], $0x4000  }
0x67: {  	s0 =	sand.u32 $0x4000, s0;
	[sflag:s2] =	ssyncset.done @!p0 $0x0  }
0x68: {  	s0 =	sor.u32 $0x2800, s0;
	[sflag:s2] =	ssyncadd.s32 @!p0 $0xFFFFC000  }
0x69: {  	s2 =	sand.u32 $0x4000, s30  }
.Ltmp4:
0x6a: {  	s2 =	sor.u32 $0x2800, s2;
	(pc) =	sbr.rel .LBB2_4-.Ltmp4, $4  }
0x6b: {  	[tilespmem:s2], [sflag:$0x1] =	stream.indirect.gather [hbm4b:s4+s25], $0x80, s29, s25, $0xb8;
	[tilespmem:$0x1E800] =	vst v63  }
0x6c: {  	s30 =	sadd.s32 $0x4000, s30  }
0x6d: {  	[spmem:s1] =	stream.indirect.scatter.add.f32 [tilespmem:s0], [sflag:$0x2], $0x80, s28, s25, $0xb8;
	[tilespmem:$0x1E800] =	vst v63  }
0x6e: {  	s31 =	sadd.s32 $0xFFFFFFFF, s31;
	s29 =	sadd.s32 $0x80, s29;
	s28 =	sadd.s32 $0x80, s28  }
.LBB2_6:
0x6f: {  	s28 =	simm.s32 $0x80  }
0x70: {  	[spmem:s1] =	stream.indirect.scatter.add.f32 [tilespmem:s0], [sflag:$0x2], $0x80, s23, s28, $0xb8;
	[tilespmem:$0x1E800] =	vst v63  }
0x71: {  	_ =	swait.ge [sflag:s24], $0x4000  }
0x72: {  	[sflag:s24] =	ssyncset.done $0x0  }
0x73: {  	[sflag:s24] =	ssyncadd.s32 $0xFFFFC000  }
0x74: {  	[tilespmem:s3], [sflag:$0x3] =	stream.linear.gather [hbm4b:s18+s3], $0x1400, $0x38;
	[tilespmem:$0x1E800] =	vst v63  }
0x75: {  	_ =	swait.ge [sflag:s21], $0x1400  }
0x76: {  	[sflag:s21] =	ssyncset.done $0x0  }
0x77: {  	s29 =	simm.s32 $0x1400;
	[sflag:s21] =	ssyncadd.s32 $0xFFFFEC00  }
0x78: {  	[tilespmem:s29], [sflag:$0x3] =	stream.linear.gather [hbm4b:s19+s3], $0x1400, $0x38;
	[tilespmem:$0x1E800] =	vst v63  }
0x79: {  	_ =	swait.ge [sflag:s21], $0x1400  }
0x7a: {  	[sflag:s21] =	ssyncset.done $0x0  }
0x7b: {  	s30 =	simm.s32 $0x4000;
	s31 =	simm.s32 $0x27;
	[sflag:s21] =	ssyncadd.s32 $0xFFFFEC00  }
0x7c: {  	[tilespmem:s20], [sflag:$0x1] =	stream.indirect.gather [hbm4b:s4+s28], $0x80, s3, s28, $0xb8;
	[tilespmem:$0x1E800] =	vst v63  }
.LBB2_7:
0x7d: {  	p0 =	seq.s32 s31, $0x27  }
0x7e: {  	p1 =	seq.s32 @!p0 s31, $0x0  }
0x7f: {  	_ =	swait.ge [sflag:s22], $0x4000;
	p1 =	por p0, !p1  }
.Ltmp5:
0x80: {  	[sflag:s22] =	ssyncset.done $0x0;
	(pc) =	sbr.rel @!p1 .LBB2_9-.Ltmp5, $4  }
0x81: {  	s2 =	simm.s32 @!p0 $0x2;
	[sflag:s22] =	ssyncadd.s32 $0xFFFFC000  }
0x82: {  	s0 =	sadd.s32 $0xFFFFC000, s30;
	_ =	swait.ge @!p0 [sflag:s2], $0x4000  }
0x83: {  	s0 =	sand.u32 $0x4000, s0;
	[sflag:s2] =	ssyncset.done @!p0 $0x0  }
0x84: {  	s0 =	sor.u32 $0x2800, s0;
	[sflag:s2] =	ssyncadd.s32 @!p0 $0xFFFFC000  }
0x85: {  	s2 =	sand.u32 $0x4000, s30  }
.Ltmp6:
0x86: {  	s2 =	sor.u32 $0x2800, s2;
	(pc) =	sbr.rel .LBB2_7-.Ltmp6, $4  }
0x87: {  	[tilespmem:s2], [sflag:$0x1] =	stream.indirect.gather [hbm4b:s4+s25], $0x80, s28, s25, $0xb8;
	[tilespmem:$0x1E800] =	vst v63  }
0x88: {  	s30 =	sadd.s32 $0x4000, s30  }
0x89: {  	[spmem:s1] =	stream.indirect.scatter.add.f32 [tilespmem:s0], [sflag:$0x2], $0x80, s29, s25, $0xb8;
	[tilespmem:$0x1E800] =	vst v63  }
0x8a: {  	s31 =	sadd.s32 $0xFFFFFFFF, s31;
	s28 =	sadd.s32 $0x80, s28;
	s29 =	sadd.s32 $0x80, s29  }
.LBB2_10:
0x8b: {  	_ =	sfence.sel $0x180000  }
0x8c: {  	[bflag:$0x0] =	sbarrier.arrive $0xFFFF  }
0x8d: {  	_ =	strace $0x9000004A  }
0x8e: {  	s0 =	stileid.u32;
	[bflag:$0x2] =	sbarrier.arrive $0xFFFF  }
0x8f: {  	p0 =	sne.s32 s0, $0x0;
	s0 =	rddreg [dreg:$0x3]  }
0x90: {  	s0 =	sadd.s32 @!p0 $0x100000, s0  }
0x91: {  	[sflag:s0] =	ssyncadd.tile.s32 @!p0 $0x1;
	_ =	shalt  }
.Lfunc_end2:
_tile_overlayer_lowered:
.L_overlay_start_2:
0x92: {  	(tag) =	ssettag $0x2  }
0x93: {  	s0 =	rddreg [dreg:$0x0];
	s2 =	stileid.u32  }
0x94: {  	s1 =	rddreg [dreg:$0x1];
	p0 =	sne.s32 s2, $0x0  }
0x95: {  	s3 =	rddreg [dreg:$0x2];
	[bflag:$0x3] =	sbarrier.arrive $0xFFFF;
	s2 =	simm.s32 @!p0 $0x1C03  }
0x96: {  	[timem:s3], [sflag:s2] =	dma.local @!p0 [hbm:s0], s1  }
0x97: {  	s0 =	simm.s32 @!p0 $0x3  }
0x98: {  	_ =	swait.ge @!p0 [sflag:s0], s1  }
0x99: {  	s1 =	ssub.s32 @!p0 $0x0, s1;
	[sflag:s0] =	ssyncset.done @!p0 $0x0  }
0x9a: {  	[sflag:s0] =	ssyncadd.s32 @!p0 s1  }
0x9b: {  	[bflag:$0x3] =	sbarrier.arrive $0xFFFF  }
0x9c: {  	_ =	shalt  }

// kernel: kernel.14.cloned.1.call-start
scs
__scs_entry_jumppad:
0x0: {  	(pc) =	sbr.rel $0x88, $3  }
0x1: {  	(tag) =	ssettag $0x0;
	lr =	simm.s32 $0x1  }
0x2: {  	[smem:$0x3F9B] =	sst lr;
	_ =	strace $0xD0000000  }
0x3: {  	_ = 	snop  }
0x4: {  	_ = 	snop  }
0x5: {  	_ = 	snop  }
0x6: {  	_ = 	snop  }
0x7: {  	_ = 	snop  }
__scs_overlays_trampoline_lowered:
0x8: {  	[smem:$0x3FAA] =	sst s0  }
0x9: {  	[smem:$0x3FAB] =	sst s1  }
0xa: {  	[smem:$0x3FAC] =	sst s2  }
0xb: {  	[smem:$0x3FAD] =	sst s3  }
0xc: {  	[smem:$0x3FAE] =	sst s4  }
0xd: {  	[smem:$0x3FAF] =	sst s5  }
0xe: {  	[smem:$0x3FB0] =	sst s6  }
0xf: {  	[smem:$0x3FB1] =	sst s7  }
0x10: {  	[smem:$0x3FB2] =	sst s8  }
0x11: {  	[smem:$0x3FB3] =	sst s9;
	s0 =	simm.s32 @!p0 $0x0  }
0x12: {  	s1 =	sld [smem:$0x3F99];
	s0 =	simm.s32 @p0 $0x1  }
0x13: {  	[smem:$0x3FB4] =	sst s0;
	s0 =	simm.s32 @!p1 $0x0  }
0x14: {  	s2 =	sld [smem:$0x3F98];
	s0 =	simm.s32 @p1 $0x1  }
0x15: {  	[smem:$0x3FB5] =	sst s0;
	s0 =	simm.s32 @!p2 $0x0  }
0x16: {  	s3 =	sld [smem:$0x3FDB];
	s0 =	simm.s32 @p2 $0x1  }
0x17: {  	s4 =	simm.s32 $0x1BF5;
	[smem:$0x3FB7] =	sst s0  }
0x18: {  	s0 =	sld [smem:$0x3F9A];
	_ =	swait.ge [sflag:s4], $0x0  }
0x19: {  	s7 =	sld [smem:$0x3F9B]  }
0x1a: {  	s8 =	sadd.s32 $0xFFFFE003, lr  }
0x1b: {  	s9 =	sadd.s32 $0xFFFFFEF7, lr;
	s5 =	simm.s32 $0xFFFFFFFF;
	p2 =	slt.u32 s8, $0xFFFFF086  }
0x1c: {  	p1 =	slt.u32 s9, $0xF7A;
	s5 =	simm.s32 @!p2 $0x0  }
0x1d: {  	s5 =	simm.s32 @p1 $0x1;
	p0 =	seq.s32 s7, s2  }
0x1e: {  	s7 =	smul.u32 @!p0 $0xF7A, s2;
	p2 =	seq.s32 @!p0 s5, $0x0  }
0x1f: {  	s9 =	smul.u32 $0xF7A, s1;
	s8 =	simm.s32 @!p0 $0x1BF5;
	p2 =	por !p2, p0  }
0x20: {  	[sflag:s8] =	ssyncset.s32 @!p0 $0xFFFFF086;
	s6 =	sadd.s32 @!p0 s3, s7;
	s7 =	simm.s32 @!p0 $0x108  }
0x21: {  	s3 =	sadd.s32 s3, s9;
	s6 =	sadd.s32 @!p0 $0x88, s6;
	s7 =	simm.s32 @p2 $0x1082  }
0x22: {  	[simem:s7], [sflag:s8] =	dma.local @!p0 [hbm:s6], $0xF7A  }
0x23: {  	s9 =	sor.u32 $0xD0000000, s2;
	s6 =	simm.s32 $0x108;
	_ =	swait.ge @!p0 [sflag:s8], $0x0  }
0x24: {  	s3 =	sadd.s32 $0x88, s3;
	s6 =	simm.s32 @!p1 $0x1082;
	[sflag:s4] =	ssyncset.s32 $0xFFFFF086  }
0x25: {  	[simem:s6], [sflag:s4] =	dma.local [hbm:s3], $0xF7A  }
0x26: {  	[smem:$0x3F9B] =	sst s1;
	(tag) =	ssettag s2;
	_ =	strace s9  }
0x27: {  	s1 =	sld [smem:$0x3FAB]  }
0x28: {  	s2 =	sld [smem:$0x3FAC]  }
0x29: {  	s4 =	sld [smem:$0x3FAE]  }
0x2a: {  	p0 =	seq.s32 s5, $0x0;
	s5 =	sld [smem:$0x3FAF]  }
0x2b: {  	s6 =	sld [smem:$0x3FB0]  }
0x2c: {  	s7 =	sld [smem:$0x3FB1]  }
0x2d: {  	s3 =	simm.s32 $0x108;
	s8 =	sld [smem:$0x3FB2]  }
0x2e: {  	s3 =	simm.s32 @!p0 $0x1082;
	s9 =	sld [smem:$0x3FB3]  }
0x2f: {  	lr =	sadd.s32 s0, s3;
	s0 =	sld [smem:$0x3FAA]  }
0x30: {  	s3 =	sld [smem:$0x3FAD]  }
0x31: {  	[smem:$0x3FB6] =	sst s10  }
0x32: {  	s10 =	sld [smem:$0x3FB4];
	_ =	sdelay $0x3  }
0x33: {  	p0 =	seq.s32 s10, $0x1;
	s10 =	sld [smem:$0x3FB6];
	_ =	sdelay $0x3  }
0x34: {  	[smem:$0x3FB6] =	sst s10  }
0x35: {  	s10 =	sld [smem:$0x3FB5];
	_ =	sdelay $0x3  }
0x36: {  	p1 =	seq.s32 s10, $0x1;
	s10 =	sld [smem:$0x3FB6];
	_ =	sdelay $0x3  }
0x37: {  	[smem:$0x3FB6] =	sst s10  }
0x38: {  	s10 =	sld [smem:$0x3FB7]  }
0x39: {  	_ = 	snop;
	(pc) =	sbr.ind lr, $3  }
0x3a: {  	_ = 	snop  }
0x3b: {  	_ = 	snop  }
0x3c: {  	p2 =	seq.s32 s10, $0x1;
	s10 =	sld [smem:$0x3FB6]  }
0x3d: {  	_ =	shalt  }
0x3e: {  	_ =	shalt  }
0x3f: {  	_ =	shalt  }
0x40: {  	_ =	shalt  }
0x41: {  	_ =	shalt  }
0x42: {  	_ =	shalt  }
0x43: {  	_ =	shalt  }
0x44: {  	_ =	shalt  }
0x45: {  	_ =	shalt  }
0x46: {  	_ =	shalt  }
0x47: {  	_ =	shalt  }
0x48: {  	_ =	shalt  }
0x49: {  	_ =	shalt  }
0x4a: {  	_ =	shalt  }
0x4b: {  	_ =	shalt  }
0x4c: {  	_ =	shalt  }
0x4d: {  	_ =	shalt  }
0x4e: {  	_ =	shalt  }
0x4f: {  	_ =	shalt  }
0x50: {  	_ =	shalt  }
0x51: {  	_ =	shalt  }
0x52: {  	_ =	shalt  }
0x53: {  	_ =	shalt  }
0x54: {  	_ =	shalt  }
0x55: {  	_ =	shalt  }
0x56: {  	_ =	shalt  }
0x57: {  	_ =	shalt  }
0x58: {  	_ =	shalt  }
0x59: {  	_ =	shalt  }
0x5a: {  	_ =	shalt  }
0x5b: {  	_ =	shalt  }
0x5c: {  	_ =	shalt  }
0x5d: {  	_ =	shalt  }
0x5e: {  	_ =	shalt  }
0x5f: {  	_ =	shalt  }
0x60: {  	_ =	shalt  }
0x61: {  	_ =	shalt  }
0x62: {  	_ =	shalt  }
0x63: {  	_ =	shalt  }
0x64: {  	_ =	shalt  }
0x65: {  	_ =	shalt  }
0x66: {  	_ =	shalt  }
0x67: {  	_ =	shalt  }
0x68: {  	_ =	shalt  }
0x69: {  	_ =	shalt  }
0x6a: {  	_ =	shalt  }
0x6b: {  	_ =	shalt  }
0x6c: {  	_ =	shalt  }
0x6d: {  	_ =	shalt  }
0x6e: {  	_ =	shalt  }
0x6f: {  	_ =	shalt  }
0x70: {  	_ =	shalt  }
0x71: {  	_ =	shalt  }
0x72: {  	_ =	shalt  }
0x73: {  	_ =	shalt  }
0x74: {  	_ =	shalt  }
0x75: {  	_ =	shalt  }
0x76: {  	_ =	shalt  }
0x77: {  	_ =	shalt  }
0x78: {  	_ =	shalt  }
0x79: {  	_ =	shalt  }
0x7a: {  	_ =	shalt  }
0x7b: {  	_ =	shalt  }
0x7c: {  	_ =	shalt  }
0x7d: {  	_ =	shalt  }
0x7e: {  	_ =	shalt  }
0x7f: {  	_ =	shalt  }
0x80: {  	_ =	shalt  }
0x81: {  	_ =	shalt  }
0x82: {  	_ =	shalt  }
0x83: {  	_ =	shalt  }
0x84: {  	_ =	shalt  }
0x85: {  	_ =	shalt  }
0x86: {  	_ =	shalt  }
0x87: {  	_ =	shalt  }
.Lfunc_end0:
.L_simem_size_0:
called_computation.2_lowered:
.L_overlay_start_0:
0x88: {  	s2 =	sld [smem:$0x3FD9]  }
0x89: {  	s3 =	sld [smem:$0x3FFE];
	_ =	sdelay $0x1  }
0x8a: {  	s1 =	srdreg.scid  }
0x8b: {  	s0 =	sand.u32 $0x1, s1  }
0x8c: {  	s17 =	sshll.u32 s0, $0xA;
	s2 =	sadd.s32 s3, s2  }
0x8d: {  	s2 =	sadd.s32 s2, s17  }
0x8e: {  	[smem:$0x3FC2] =	sst s2  }
0x8f: {  	_ = 	snop  }
0x90: {  	s2 =	sld [smem:$0x3FD0];
	(tm) =	ssettm $0x1  }
0x91: {  	s18 =	sld [smem:$0x3FFB];
	_ =	sdelay $0x3  }
0x92: {  	_ =	strace s18  }
0x93: {  	s3 =	sld [smem:$0x3FFC];
	_ =	sdelay $0x3  }
0x94: {  	_ =	strace s3  }
0x95: {  	s3 =	sld [smem:$0x3FFD];
	_ =	sdelay $0x3  }
0x96: {  	_ =	strace s3  }
0x97: {  	_ =	strace $0x8FFFFFFF  }
0x98: {  	s19 =	sld [smem:$0x3FDB];
	_ =	sdelay $0x1  }
0x99: {  	s4 =	simm.s32 $_scs_section_size  }
0x9a: {  	s5 =	simm.s32 $_size__tile_overlayer_lowered;
	s6 =	simm.s32 $_tile_overlayer_lowered  }
0x9b: {  	s22 =	simm.s32 $0x1BFF;
	s21 =	sshll.u32 s6, $0x1;
	s3 =	sadd.s32 s4, s19  }
0x9c: {  	s7 =	simm.s32 $0x0;
	s20 =	sshll.u32 s5, $0x1;
	s5 =	sadd.s32 s21, s3  }
0x9d: {  	[timem:s7], [sflag:s22] =	dma.local [hbm:s5], s20  }
0x9e: {  	_ =	swait.ge [sflag:s22], s20  }
0x9f: {  	s4 =	ssub.s32 $0x0, s20;
	[sflag:s22] =	ssyncset.done $0x0  }
0xa0: {  	[sflag:s22] =	ssyncadd.s32 s4;
	_ =	sdelay $0x1  }
0xa1: {  	s23 =	simm.s32 $0x1B8B  }
0xa2: {  	_ =	swait.ge [sflag:s23], $0x1  }
0xa3: {  	[sflag:s23] =	ssyncset.done $0x0  }
0xa4: {  	s25 =	simm.s32 $0x1B8E;
	s24 =	sld [smem:$0x3FFE];
	[sflag:s23] =	ssyncadd.s32 $0xFFFFFFFF  }
0xa5: {  	s26 =	simm.s32 $execute0_lowered;
	[smem:$0x3FD2] =	sst s25  }
0xa6: {  	s5 =	sshll.u32 s26, $0x1;
	_ =	strace $0x8000004C;
	[dreg:$0x1] =	wrdreg $0xFFFFFFFF  }
0xa7: {  	s28 =	simm.s32 $_size_execute0_lowered;
	s3 =	sadd.s32 s3, s5;
	[dreg:$0x0] =	wrdreg $0x0  }
0xa8: {  	s5 =	sshll.u32 s28, $0x1;
	[dreg:$0x2] =	wrdreg s3  }
0xa9: {  	[dreg:$0x3] =	wrdreg s5  }
0xaa: {  	[dreg:$0x4] =	wrdreg $0xC0  }
0xab: {  	_ =	task [dreg:s7], $0x5FFFF  }
0xac: {  	[dreg:$0x1] =	wrdreg $0xFFFFFFFF  }
0xad: {  	[dreg:$0x0] =	wrdreg $0x60  }
0xae: {  	[dreg:$0x2] =	wrdreg s24  }
0xaf: {  	[dreg:$0x3] =	wrdreg s2  }
0xb0: {  	[dreg:$0x4] =	wrdreg $0xA8000  }
0xb1: {  	[dreg:$0x5] =	wrdreg $0x9  }
0xb2: {  	_ =	task.clear_ibuf [dreg:s7], $0x6FFFF;
	_ =	strace $0x9000004C  }
0xb3: {  	s29 =	simm.s32 $0x9;
	_ =	strace $0x8000004E  }
0xb4: {  	_ =	swait.ge [sflag:s29], $0x1  }
0xb5: {  	[sflag:s29] =	ssyncadd.s32 $0xFFFFFFFF  }
0xb6: {  	_ =	strace $0x9000004E  }
0xb7: {  	_ =	sfence  }
0xb8: {  	s30 =	sld [smem:$0x0];
	_ =	sdelay $0x2  }
0xb9: {  	s31 =	sshll.u32 s1, $0xD;
	s1 =	sshrl.u32 s1, $0x2  }
0xba: {  	s3 =	sand.u32 $0x4000, s31;
	s1 =	sadd.s32 s1, s30  }
0xbb: {  	s0 =	sor.u32 s3, s0;
	s1 =	sshll.u32 s1, $0x11  }
0xbc: {  	s0 =	sor.u32 s1, s0  }
0xbd: {  	s0 =	sadd.s32 $0x8F2B, s0  }
0xbe: {  	[sflag:s0] =	ssyncadd.remote.s32 $0x1  }
0xbf: {  	_ =	sfence.sel $0xFFFF  }
0xc0: {  	[dreg:$0x0] =	wrdreg $0xFFFFFFFF;
	(pc) =	sbr.abs _section_cstart, $3  }
0xc1: {  	[dreg:$0x1] =	wrdreg $0xFFFFFFFF  }
0xc2: {  	_ =	task.clear_ibuf [dreg:s7], $0x2FFFF;
	_ =	strace $0x9FFFFFFF  }
0xc3: {  	(tm) =	ssettm $0x7FFFFFFF  }
tec
execute0_lowered:
.L_overlay_start_1:
0x0: {  	(tag) =	ssettag $0x1  }
0x1: {  	s0 =	rddreg [dreg:$0x0]  }
0x2: {  	s18 =	rddreg [dreg:$0x1]  }
0x3: {  	s1 =	rddreg [dreg:$0x2]  }
0x4: {  	s3 =	simm.s32 $0x0;
	s5 =	srdreg.scid;
	s2 =	stileid.u32  }
0x5: {  	s21 =	simm.s32 $0x3;
	[smem:$0x7FF] =	sst s3;
	s10 =	smul.u32 $0x280, s2  }
0x6: {  	s4 =	sadd.s32 $0xC600, s0;
	s7 =	sand.u32 $0x1, s5;
	s6 =	smul.u32 $0x50000, s2  }
0x7: {  	s19 =	sadd.s32 $0x2600, s0;
	s0 =	sadd.s32 $0x34600, s0;
	s20 =	smul.u32 $0xA0, s2  }
0x8: {  	_ =	strace $0x8000004D;
	s5 =	ssub.s32 $0x2, s7;
	s11 =	ssub.s32 $0x0, s7  }
0x9: {  	s17 =	smul.u32 $0x2800, s7;
	s8 =	sshrl.u32 s5, $0x1;
	s22 =	sshrl.u32 s6, $0x2  }
0xa: {  	s12 =	sadd.s32 $0x80, s10;
	s13 =	sadd.s32 $0x100, s10;
	s14 =	sadd.s32 $0x180, s10  }
0xb: {  	s16 =	sadd.s32 $0x200, s10;
	s11 =	sand.u32 $0x50, s11;
	s15 =	ssub.s32 s5, s8  }
0xc: {  	s5 =	sadd.s32 s22, s1;
	s23 =	sshll.u32 s12, $0x7;
	s24 =	sshll.u32 s13, $0x7  }
0xd: {  	s9 =	sshll.u32 s14, $0x7;
	s25 =	sshll.u32 s16, $0x7;
	s10 =	sadd.s32 s10, s17  }
0xe: {  	s12 =	sadd.s32 s17, s12;
	s20 =	sadd.s32 s20, s11;
	s28 =	sadd.s32 s17, s13  }
0xf: {  	s29 =	sadd.s32 s17, s14;
	s30 =	sadd.s32 s17, s16;
	s22 =	simm.s32 $0x1  }
0x10: {  	s6 =	sadd.s32 s23, s1;
	s7 =	sadd.s32 s24, s1;
	s8 =	sadd.s32 s9, s1  }
0x11: {  	s9 =	sadd.s32 s25, s1;
	s10 =	sshll.u32 s10, $0x4;
	s26 =	sshll.u32 s12, $0x4  }
0x12: {  	s12 =	sshll.u32 s28, $0x4;
	s13 =	sshll.u32 s29, $0x4;
	s14 =	sshll.u32 s30, $0x4  }
0x13: {  	s15 =	smax.u32 s15, $0x1;
	s31 =	sshll.u32 s20, $0x4;
	s20 =	simm.s32 $0x2800  }
.Ltmp0:
0x14: {  	s23 =	simm.s32 $0x2780;
	s24 =	simm.s32 $0x2;
	(pc) =	sbr.rel .LBB2_1-.Ltmp0, $4  }
0x15: {  	s25 =	simm.s32 $0x80;
	s10 =	sadd.s32 s0, s10;
	s11 =	sadd.s32 s0, s26  }
0x16: {  	s12 =	sadd.s32 s0, s12;
	s13 =	sadd.s32 s0, s13;
	s14 =	sadd.s32 s0, s14  }
0x17: {  	s16 =	sadd.s32 s18, s31;
	s17 =	sadd.s32 s19, s31;
	s0 =	sadd.s32 $0x280, s31  }
0x18: {  	v0 =	vimm.f32 $0.0e+00;
	s26 =	simm.s32 $0x0;
	s18 =	sadd.s32 s18, s0;
	s19 =	sadd.s32 s19, s0  }
.LBB2_9:
0x19: {  	[spmem:s1] =	stream.indirect.scatter.add.f32 [tilespmem:s0], [sflag:$0x2], $0x80, s23, s25, $0xb8;
	[tilespmem:$0x1E800] =	vst v63  }
0x1a: {  	_ =	swait.ge [sflag:s24], $0x4000  }
0x1b: {  	s2 =	stileid.u32;
	[sflag:s24] =	ssyncset.done $0x0  }
0x1c: {  	s0 =	sshll.u32 s2, $0x6;
	[sflag:s24] =	ssyncadd.s32 $0xFFFFC000  }
0x1d: {  	s2 =	sshrl.u32 s5, $0x3;
	s0 =	sor.u32 $0x1C03, s0;
	[bflag:$0x0] =	sbarrier.arrive $0xFFFF  }
0x1e: {  	[hbm:s10], [sflag:s0] =	dma.local [spmem:s2], $0x800  }
0x1f: {  	_ =	swait.ge [sflag:s21], $0x800  }
0x20: {  	[sflag:s21] =	ssyncset.done $0x0  }
0x21: {  	s28 =	sshrl.u32 s6, $0x3;
	[sflag:s21] =	ssyncadd.s32 $0xFFFFF800  }
0x22: {  	[hbm:s11], [sflag:s0] =	dma.local [spmem:s28], $0x800  }
0x23: {  	_ =	swait.ge [sflag:s21], $0x800  }
0x24: {  	[sflag:s21] =	ssyncset.done $0x0  }
0x25: {  	s29 =	sshrl.u32 s7, $0x3;
	[sflag:s21] =	ssyncadd.s32 $0xFFFFF800  }
0x26: {  	[hbm:s12], [sflag:s0] =	dma.local [spmem:s29], $0x800  }
0x27: {  	_ =	swait.ge [sflag:s21], $0x800  }
0x28: {  	[sflag:s21] =	ssyncset.done $0x0  }
0x29: {  	s30 =	sshrl.u32 s8, $0x3;
	[sflag:s21] =	ssyncadd.s32 $0xFFFFF800  }
0x2a: {  	[hbm:s13], [sflag:s0] =	dma.local [spmem:s30], $0x800  }
0x2b: {  	s26 =	sadd.s32 $0x1, s26;
	_ =	swait.ge [sflag:s21], $0x800  }
0x2c: {  	p0 =	sne.s32 s26, s15;
	[sflag:s21] =	ssyncset.done $0x0  }
.Ltmp1:
0x2d: {  	s31 =	sshrl.u32 s9, $0x3;
	[sflag:s21] =	ssyncadd.s32 $0xFFFFF800;
	(pc) =	sbr.rel @!p0 .LBB2_10-.Ltmp1, $4  }
0x2e: {  	[hbm:s14], [sflag:s0] =	dma.local [spmem:s31], $0x800  }
0x2f: {  	_ =	swait.ge [sflag:s21], $0x800  }
0x30: {  	[sflag:s21] =	ssyncset.done $0x0  }
0x31: {  	[sflag:s21] =	ssyncadd.s32 $0xFFFFF800  }
.LBB2_1:
0x32: {  	s28 =	simm.s32 $0x0;
	s29 =	simm.s32 $0x200  }
.LBB2_2:
0x33: {  	p0 =	sne.s32 s29, $0xFE00;
	[tilespmem:s28+$0x2870] =	vst v0  }
0x34: {  	[tilespmem:s28+$0x2800] =	vst v0  }
0x35: {  	[tilespmem:s28+$0x2810] =	vst v0  }
.Ltmp2:
0x36: {  	[tilespmem:s28+$0x2820] =	vst v0;
	(pc) =	sbr.rel @p0 .LBB2_2-.Ltmp2, $4  }
0x37: {  	[tilespmem:s28+$0x2830] =	vst v0  }
0x38: {  	[tilespmem:s28+$0x2840] =	vst v0  }
0x39: {  	[tilespmem:s28+$0x2850] =	vst v0  }
0x3a: {  	[tilespmem:s28+$0x2860] =	vst v0;
	s28 =	sshra.s32 s29, $0x2;
	s29 =	sadd.s32 $0x200, s29  }
0x3b: {  	[tilespmem:s28+$0x2870] =	vst v0  }
0x3c: {  	[tilespmem:s28+$0x2800] =	vst v0  }
0x3d: {  	[tilespmem:s28+$0x2810] =	vst v0  }
0x3e: {  	[tilespmem:s28+$0x2820] =	vst v0  }
0x3f: {  	[tilespmem:s28+$0x2830] =	vst v0  }
0x40: {  	[tilespmem:s28+$0x2840] =	vst v0  }
0x41: {  	[tilespmem:s28+$0x2850] =	vst v0  }
0x42: {  	[tilespmem:s28+$0x2860] =	vst v0  }
0x43: {  	[spmem:s5] =	stream.linear.scatter [tilespmem:s20], [sflag:$0x3], $0x4000, $0x38;
	[tilespmem:$0x1E800] =	vst v63  }
0x44: {  	_ =	swait.ge [sflag:s21], $0x4000  }
0x45: {  	[sflag:s21] =	ssyncset.done $0x0  }
0x46: {  	[sflag:s21] =	ssyncadd.s32 $0xFFFFC000  }
0x47: {  	[spmem:s6] =	stream.linear.scatter [tilespmem:s20], [sflag:$0x3], $0x4000, $0x38;
	[tilespmem:$0x1E800] =	vst v63  }
0x48: {  	_ =	swait.ge [sflag:s21], $0x4000  }
0x49: {  	[sflag:s21] =	ssyncset.done $0x0  }
0x4a: {  	[sflag:s21] =	ssyncadd.s32 $0xFFFFC000  }
0x4b: {  	[spmem:s7] =	stream.linear.scatter [tilespmem:s20], [sflag:$0x3], $0x4000, $0x38;
	[tilespmem:$0x1E800] =	vst v63  }
0x4c: {  	_ =	swait.ge [sflag:s21], $0x4000  }
0x4d: {  	[sflag:s21] =	ssyncset.done $0x0  }
0x4e: {  	[sflag:s21] =	ssyncadd.s32 $0xFFFFC000  }
0x4f: {  	[spmem:s8] =	stream.linear.scatter [tilespmem:s20], [sflag:$0x3], $0x4000, $0x38;
	[tilespmem:$0x1E800] =	vst v63  }
0x50: {  	_ =	swait.ge [sflag:s21], $0x4000  }
0x51: {  	[sflag:s21] =	ssyncset.done $0x0  }
0x52: {  	[sflag:s21] =	ssyncadd.s32 $0xFFFFC000  }
0x53: {  	[spmem:s9] =	stream.linear.scatter [tilespmem:s20], [sflag:$0x3], $0x4000, $0x38;
	[tilespmem:$0x1E800] =	vst v63  }
0x54: {  	_ =	swait.ge [sflag:s21], $0x4000  }
0x55: {  	[sflag:s21] =	ssyncset.done $0x0  }
0x56: {  	[sflag:s21] =	ssyncadd.s32 $0xFFFFC000  }
0x57: {  	[bflag:$0x0] =	sbarrier.arrive $0xFFFF  }
0x58: {  	[tilespmem:s3], [sflag:$0x3] =	stream.linear.gather [hbm4b:s16+s3], $0x1400, $0x38;
	[tilespmem:$0x1E800] =	vst v63  }
0x59: {  	_ =	swait.ge [sflag:s21], $0x1400  }
0x5a: {  	[sflag:s21] =	ssyncset.done $0x0  }
0x5b: {  	s28 =	simm.s32 $0x1400;
	[sflag:s21] =	ssyncadd.s32 $0xFFFFEC00  }
0x5c: {  	[tilespmem:s28], [sflag:$0x3] =	stream.linear.gather [hbm4b:s17+s3], $0x1400, $0x38;
	[tilespmem:$0x1E800] =	vst v63  }
0x5d: {  	_ =	swait.ge [sflag:s21], $0x1400  }
0x5e: {  	s29 =	simm.s32 $0x80;
	[sflag:s21] =	ssyncset.done $0x0  }
0x5f: {  	s30 =	simm.s32 $0x4000;
	s31 =	simm.s32 $0x27;
	[sflag:s21] =	ssyncadd.s32 $0xFFFFEC00  }
0x60: {  	[tilespmem:s20], [sflag:$0x1] =	stream.indirect.gather [hbm4b:s4+s29], $0x80, s3, s29, $0xb8;
	[tilespmem:$0x1E800] =	vst v63  }
.LBB2_4:
0x61: {  	p0 =	seq.s32 s31, $0x27  }
0x62: {  	p1 =	seq.s32 @!p0 s31, $0x0  }
0x63: {  	_ =	swait.ge [sflag:s22], $0x4000;
	p1 =	por p0, !p1  }
.Ltmp3:
0x64: {  	[sflag:s22] =	ssyncset.done $0x0;
	(pc) =	sbr.rel @!p1 .LBB2_6-.Ltmp3, $4  }
0x65: {  	s2 =	simm.s32 @!p0 $0x2;
	[sflag:s22] =	ssyncadd.s32 $0xFFFFC000  }
0x66: {  	s0 =	sadd.s32 $0xFFFFC000, s30;
	_ =	swait.ge @!p0 [sflag:s2], $0x4000  }
0x67: {  	s0 =	sand.u32 $0x4000, s0;
	[sflag:s2] =	ssyncset.done @!p0 $0x0  }
0x68: {  	s0 =	sor.u32 $0x2800, s0;
	[sflag:s2] =	ssyncadd.s32 @!p0 $0xFFFFC000  }
0x69: {  	s2 =	sand.u32 $0x4000, s30  }
.Ltmp4:
0x6a: {  	s2 =	sor.u32 $0x2800, s2;
	(pc) =	sbr.rel .LBB2_4-.Ltmp4, $4  }
0x6b: {  	[tilespmem:s2], [sflag:$0x1] =	stream.indirect.gather [hbm4b:s4+s25], $0x80, s29, s25, $0xb8;
	[tilespmem:$0x1E800] =	vst v63  }
0x6c: {  	s30 =	sadd.s32 $0x4000, s30  }
0x6d: {  	[spmem:s1] =	stream.indirect.scatter.add.f32 [tilespmem:s0], [sflag:$0x2], $0x80, s28, s25, $0xb8;
	[tilespmem:$0x1E800] =	vst v63  }
0x6e: {  	s31 =	sadd.s32 $0xFFFFFFFF, s31;
	s29 =	sadd.s32 $0x80, s29;
	s28 =	sadd.s32 $0x80, s28  }
.LBB2_6:
0x6f: {  	s28 =	simm.s32 $0x80  }
0x70: {  	[spmem:s1] =	stream.indirect.scatter.add.f32 [tilespmem:s0], [sflag:$0x2], $0x80, s23, s28, $0xb8;
	[tilespmem:$0x1E800] =	vst v63  }
0x71: {  	_ =	swait.ge [sflag:s24], $0x4000  }
0x72: {  	[sflag:s24] =	ssyncset.done $0x0  }
0x73: {  	[sflag:s24] =	ssyncadd.s32 $0xFFFFC000  }
0x74: {  	[tilespmem:s3], [sflag:$0x3] =	stream.linear.gather [hbm4b:s18+s3], $0x1400, $0x38;
	[tilespmem:$0x1E800] =	vst v63  }
0x75: {  	_ =	swait.ge [sflag:s21], $0x1400  }
0x76: {  	[sflag:s21] =	ssyncset.done $0x0  }
0x77: {  	s29 =	simm.s32 $0x1400;
	[sflag:s21] =	ssyncadd.s32 $0xFFFFEC00  }
0x78: {  	[tilespmem:s29], [sflag:$0x3] =	stream.linear.gather [hbm4b:s19+s3], $0x1400, $0x38;
	[tilespmem:$0x1E800] =	vst v63  }
0x79: {  	_ =	swait.ge [sflag:s21], $0x1400  }
0x7a: {  	[sflag:s21] =	ssyncset.done $0x0  }
0x7b: {  	s30 =	simm.s32 $0x4000;
	s31 =	simm.s32 $0x27;
	[sflag:s21] =	ssyncadd.s32 $0xFFFFEC00  }
0x7c: {  	[tilespmem:s20], [sflag:$0x1] =	stream.indirect.gather [hbm4b:s4+s28], $0x80, s3, s28, $0xb8;
	[tilespmem:$0x1E800] =	vst v63  }
.LBB2_7:
0x7d: {  	p0 =	seq.s32 s31, $0x27  }
0x7e: {  	p1 =	seq.s32 @!p0 s31, $0x0  }
0x7f: {  	_ =	swait.ge [sflag:s22], $0x4000;
	p1 =	por p0, !p1  }
.Ltmp5:
0x80: {  	[sflag:s22] =	ssyncset.done $0x0;
	(pc) =	sbr.rel @!p1 .LBB2_9-.Ltmp5, $4  }
0x81: {  	s2 =	simm.s32 @!p0 $0x2;
	[sflag:s22] =	ssyncadd.s32 $0xFFFFC000  }
0x82: {  	s0 =	sadd.s32 $0xFFFFC000, s30;
	_ =	swait.ge @!p0 [sflag:s2], $0x4000  }
0x83: {  	s0 =	sand.u32 $0x4000, s0;
	[sflag:s2] =	ssyncset.done @!p0 $0x0  }
0x84: {  	s0 =	sor.u32 $0x2800, s0;
	[sflag:s2] =	ssyncadd.s32 @!p0 $0xFFFFC000  }
0x85: {  	s2 =	sand.u32 $0x4000, s30  }
.Ltmp6:
0x86: {  	s2 =	sor.u32 $0x2800, s2;
	(pc) =	sbr.rel .LBB2_7-.Ltmp6, $4  }
0x87: {  	[tilespmem:s2], [sflag:$0x1] =	stream.indirect.gather [hbm4b:s4+s25], $0x80, s28, s25, $0xb8;
	[tilespmem:$0x1E800] =	vst v63  }
0x88: {  	s30 =	sadd.s32 $0x4000, s30  }
0x89: {  	[spmem:s1] =	stream.indirect.scatter.add.f32 [tilespmem:s0], [sflag:$0x2], $0x80, s29, s25, $0xb8;
	[tilespmem:$0x1E800] =	vst v63  }
0x8a: {  	s31 =	sadd.s32 $0xFFFFFFFF, s31;
	s28 =	sadd.s32 $0x80, s28;
	s29 =	sadd.s32 $0x80, s29  }
.LBB2_10:
0x8b: {  	_ =	sfence.sel $0x180000  }
0x8c: {  	[bflag:$0x0] =	sbarrier.arrive $0xFFFF  }
0x8d: {  	_ =	strace $0x9000004D  }
0x8e: {  	s0 =	stileid.u32;
	[bflag:$0x2] =	sbarrier.arrive $0xFFFF  }
0x8f: {  	p0 =	sne.s32 s0, $0x0;
	s0 =	rddreg [dreg:$0x3]  }
0x90: {  	s0 =	sadd.s32 @!p0 $0x100000, s0  }
0x91: {  	[sflag:s0] =	ssyncadd.tile.s32 @!p0 $0x1;
	_ =	shalt  }
.Lfunc_end2:
_tile_overlayer_lowered:
.L_overlay_start_2:
0x92: {  	(tag) =	ssettag $0x2  }
0x93: {  	s0 =	rddreg [dreg:$0x0];
	s2 =	stileid.u32  }
0x94: {  	s1 =	rddreg [dreg:$0x1];
	p0 =	sne.s32 s2, $0x0  }
0x95: {  	s3 =	rddreg [dreg:$0x2];
	[bflag:$0x3] =	sbarrier.arrive $0xFFFF;
	s2 =	simm.s32 @!p0 $0x1C03  }
0x96: {  	[timem:s3], [sflag:s2] =	dma.local @!p0 [hbm:s0], s1  }
0x97: {  	s0 =	simm.s32 @!p0 $0x3  }
0x98: {  	_ =	swait.ge @!p0 [sflag:s0], s1  }
0x99: {  	s1 =	ssub.s32 @!p0 $0x0, s1;
	[sflag:s0] =	ssyncset.done @!p0 $0x0  }
0x9a: {  	[sflag:s0] =	ssyncadd.s32 @!p0 s1  }
0x9b: {  	[bflag:$0x3] =	sbarrier.arrive $0xFFFF  }
0x9c: {  	_ =	shalt  }

// kernel: kernel.8.cloned.1.call-start
scs
__scs_entry_jumppad:
0x0: {  	(pc) =	sbr.rel $0x88, $3  }
0x1: {  	(tag) =	ssettag $0x0;
	lr =	simm.s32 $0x1  }
0x2: {  	[smem:$0x3F9B] =	sst lr;
	_ =	strace $0xD0000000  }
0x3: {  	_ = 	snop  }
0x4: {  	_ = 	snop  }
0x5: {  	_ = 	snop  }
0x6: {  	_ = 	snop  }
0x7: {  	_ = 	snop  }
__scs_overlays_trampoline_lowered:
0x8: {  	[smem:$0x3FAA] =	sst s0  }
0x9: {  	[smem:$0x3FAB] =	sst s1  }
0xa: {  	[smem:$0x3FAC] =	sst s2  }
0xb: {  	[smem:$0x3FAD] =	sst s3  }
0xc: {  	[smem:$0x3FAE] =	sst s4  }
0xd: {  	[smem:$0x3FAF] =	sst s5  }
0xe: {  	[smem:$0x3FB0] =	sst s6  }
0xf: {  	[smem:$0x3FB1] =	sst s7  }
0x10: {  	[smem:$0x3FB2] =	sst s8  }
0x11: {  	[smem:$0x3FB3] =	sst s9;
	s0 =	simm.s32 @!p0 $0x0  }
0x12: {  	s1 =	sld [smem:$0x3F99];
	s0 =	simm.s32 @p0 $0x1  }
0x13: {  	[smem:$0x3FB4] =	sst s0;
	s0 =	simm.s32 @!p1 $0x0  }
0x14: {  	s2 =	sld [smem:$0x3F98];
	s0 =	simm.s32 @p1 $0x1  }
0x15: {  	[smem:$0x3FB5] =	sst s0;
	s0 =	simm.s32 @!p2 $0x0  }
0x16: {  	s3 =	sld [smem:$0x3FDB];
	s0 =	simm.s32 @p2 $0x1  }
0x17: {  	s4 =	simm.s32 $0x1BF5;
	[smem:$0x3FB7] =	sst s0  }
0x18: {  	s0 =	sld [smem:$0x3F9A];
	_ =	swait.ge [sflag:s4], $0x0  }
0x19: {  	s7 =	sld [smem:$0x3F9B]  }
0x1a: {  	s8 =	sadd.s32 $0xFFFFE003, lr  }
0x1b: {  	s9 =	sadd.s32 $0xFFFFFEF7, lr;
	s5 =	simm.s32 $0xFFFFFFFF;
	p2 =	slt.u32 s8, $0xFFFFF086  }
0x1c: {  	p1 =	slt.u32 s9, $0xF7A;
	s5 =	simm.s32 @!p2 $0x0  }
0x1d: {  	s5 =	simm.s32 @p1 $0x1;
	p0 =	seq.s32 s7, s2  }
0x1e: {  	s7 =	smul.u32 @!p0 $0xF7A, s2;
	p2 =	seq.s32 @!p0 s5, $0x0  }
0x1f: {  	s9 =	smul.u32 $0xF7A, s1;
	s8 =	simm.s32 @!p0 $0x1BF5;
	p2 =	por !p2, p0  }
0x20: {  	[sflag:s8] =	ssyncset.s32 @!p0 $0xFFFFF086;
	s6 =	sadd.s32 @!p0 s3, s7;
	s7 =	simm.s32 @!p0 $0x108  }
0x21: {  	s3 =	sadd.s32 s3, s9;
	s6 =	sadd.s32 @!p0 $0x88, s6;
	s7 =	simm.s32 @p2 $0x1082  }
0x22: {  	[simem:s7], [sflag:s8] =	dma.local @!p0 [hbm:s6], $0xF7A  }
0x23: {  	s9 =	sor.u32 $0xD0000000, s2;
	s6 =	simm.s32 $0x108;
	_ =	swait.ge @!p0 [sflag:s8], $0x0  }
0x24: {  	s3 =	sadd.s32 $0x88, s3;
	s6 =	simm.s32 @!p1 $0x1082;
	[sflag:s4] =	ssyncset.s32 $0xFFFFF086  }
0x25: {  	[simem:s6], [sflag:s4] =	dma.local [hbm:s3], $0xF7A  }
0x26: {  	[smem:$0x3F9B] =	sst s1;
	(tag) =	ssettag s2;
	_ =	strace s9  }
0x27: {  	s1 =	sld [smem:$0x3FAB]  }
0x28: {  	s2 =	sld [smem:$0x3FAC]  }
0x29: {  	s4 =	sld [smem:$0x3FAE]  }
0x2a: {  	p0 =	seq.s32 s5, $0x0;
	s5 =	sld [smem:$0x3FAF]  }
0x2b: {  	s6 =	sld [smem:$0x3FB0]  }
0x2c: {  	s7 =	sld [smem:$0x3FB1]  }
0x2d: {  	s3 =	simm.s32 $0x108;
	s8 =	sld [smem:$0x3FB2]  }
0x2e: {  	s3 =	simm.s32 @!p0 $0x1082;
	s9 =	sld [smem:$0x3FB3]  }
0x2f: {  	lr =	sadd.s32 s0, s3;
	s0 =	sld [smem:$0x3FAA]  }
0x30: {  	s3 =	sld [smem:$0x3FAD]  }
0x31: {  	[smem:$0x3FB6] =	sst s10  }
0x32: {  	s10 =	sld [smem:$0x3FB4];
	_ =	sdelay $0x3  }
0x33: {  	p0 =	seq.s32 s10, $0x1;
	s10 =	sld [smem:$0x3FB6];
	_ =	sdelay $0x3  }
0x34: {  	[smem:$0x3FB6] =	sst s10  }
0x35: {  	s10 =	sld [smem:$0x3FB5];
	_ =	sdelay $0x3  }
0x36: {  	p1 =	seq.s32 s10, $0x1;
	s10 =	sld [smem:$0x3FB6];
	_ =	sdelay $0x3  }
0x37: {  	[smem:$0x3FB6] =	sst s10  }
0x38: {  	s10 =	sld [smem:$0x3FB7]  }
0x39: {  	_ = 	snop;
	(pc) =	sbr.ind lr, $3  }
0x3a: {  	_ = 	snop  }
0x3b: {  	_ = 	snop  }
0x3c: {  	p2 =	seq.s32 s10, $0x1;
	s10 =	sld [smem:$0x3FB6]  }
0x3d: {  	_ =	shalt  }
0x3e: {  	_ =	shalt  }
0x3f: {  	_ =	shalt  }
0x40: {  	_ =	shalt  }
0x41: {  	_ =	shalt  }
0x42: {  	_ =	shalt  }
0x43: {  	_ =	shalt  }
0x44: {  	_ =	shalt  }
0x45: {  	_ =	shalt  }
0x46: {  	_ =	shalt  }
0x47: {  	_ =	shalt  }
0x48: {  	_ =	shalt  }
0x49: {  	_ =	shalt  }
0x4a: {  	_ =	shalt  }
0x4b: {  	_ =	shalt  }
0x4c: {  	_ =	shalt  }
0x4d: {  	_ =	shalt  }
0x4e: {  	_ =	shalt  }
0x4f: {  	_ =	shalt  }
0x50: {  	_ =	shalt  }
0x51: {  	_ =	shalt  }
0x52: {  	_ =	shalt  }
0x53: {  	_ =	shalt  }
0x54: {  	_ =	shalt  }
0x55: {  	_ =	shalt  }
0x56: {  	_ =	shalt  }
0x57: {  	_ =	shalt  }
0x58: {  	_ =	shalt  }
0x59: {  	_ =	shalt  }
0x5a: {  	_ =	shalt  }
0x5b: {  	_ =	shalt  }
0x5c: {  	_ =	shalt  }
0x5d: {  	_ =	shalt  }
0x5e: {  	_ =	shalt  }
0x5f: {  	_ =	shalt  }
0x60: {  	_ =	shalt  }
0x61: {  	_ =	shalt  }
0x62: {  	_ =	shalt  }
0x63: {  	_ =	shalt  }
0x64: {  	_ =	shalt  }
0x65: {  	_ =	shalt  }
0x66: {  	_ =	shalt  }
0x67: {  	_ =	shalt  }
0x68: {  	_ =	shalt  }
0x69: {  	_ =	shalt  }
0x6a: {  	_ =	shalt  }
0x6b: {  	_ =	shalt  }
0x6c: {  	_ =	shalt  }
0x6d: {  	_ =	shalt  }
0x6e: {  	_ =	shalt  }
0x6f: {  	_ =	shalt  }
0x70: {  	_ =	shalt  }
0x71: {  	_ =	shalt  }
0x72: {  	_ =	shalt  }
0x73: {  	_ =	shalt  }
0x74: {  	_ =	shalt  }
0x75: {  	_ =	shalt  }
0x76: {  	_ =	shalt  }
0x77: {  	_ =	shalt  }
0x78: {  	_ =	shalt  }
0x79: {  	_ =	shalt  }
0x7a: {  	_ =	shalt  }
0x7b: {  	_ =	shalt  }
0x7c: {  	_ =	shalt  }
0x7d: {  	_ =	shalt  }
0x7e: {  	_ =	shalt  }
0x7f: {  	_ =	shalt  }
0x80: {  	_ =	shalt  }
0x81: {  	_ =	shalt  }
0x82: {  	_ =	shalt  }
0x83: {  	_ =	shalt  }
0x84: {  	_ =	shalt  }
0x85: {  	_ =	shalt  }
0x86: {  	_ =	shalt  }
0x87: {  	_ =	shalt  }
.Lfunc_end0:
.L_simem_size_0:
called_computation_lowered:
.L_overlay_start_0:
0x88: {  	s2 =	sld [smem:$0x3FD9]  }
0x89: {  	s3 =	sld [smem:$0x3FFE];
	_ =	sdelay $0x1  }
0x8a: {  	s1 =	srdreg.scid  }
0x8b: {  	s0 =	sand.u32 $0x1, s1  }
0x8c: {  	s16 =	sshll.u32 s0, $0xA;
	s2 =	sadd.s32 s3, s2  }
0x8d: {  	s2 =	sadd.s32 s2, s16  }
0x8e: {  	[smem:$0x3FC2] =	sst s2  }
0x8f: {  	_ = 	snop  }
0x90: {  	(tm) =	ssettm $0x1  }
0x91: {  	s17 =	sld [smem:$0x3FFB];
	_ =	sdelay $0x3  }
0x92: {  	_ =	strace s17  }
0x93: {  	s2 =	sld [smem:$0x3FFC];
	_ =	sdelay $0x3  }
0x94: {  	_ =	strace s2  }
0x95: {  	s2 =	sld [smem:$0x3FFD];
	_ =	sdelay $0x3  }
0x96: {  	_ =	strace s2  }
0x97: {  	_ =	strace $0x8FFFFFFF  }
0x98: {  	s18 =	sld [smem:$0x3FDB];
	_ =	sdelay $0x1  }
0x99: {  	s19 =	simm.s32 $_scs_section_size  }
0x9a: {  	s4 =	simm.s32 $_size__tile_overlayer_lowered;
	s5 =	simm.s32 $_tile_overlayer_lowered  }
0x9b: {  	s22 =	simm.s32 $0x1BFF;
	s21 =	sshll.u32 s5, $0x1;
	s2 =	sadd.s32 s19, s18  }
0x9c: {  	s6 =	simm.s32 $0x0;
	s20 =	sshll.u32 s4, $0x1;
	s4 =	sadd.s32 s21, s2  }
0x9d: {  	[timem:s6], [sflag:s22] =	dma.local [hbm:s4], s20  }
0x9e: {  	_ =	swait.ge [sflag:s22], s20  }
0x9f: {  	s3 =	ssub.s32 $0x0, s20;
	[sflag:s22] =	ssyncset.done $0x0  }
0xa0: {  	[sflag:s22] =	ssyncadd.s32 s3;
	_ =	sdelay $0x1  }
0xa1: {  	s23 =	simm.s32 $0x1B8B  }
0xa2: {  	_ =	swait.ge [sflag:s23], $0x1  }
0xa3: {  	[sflag:s23] =	ssyncset.done $0x0  }
0xa4: {  	s25 =	simm.s32 $0x1B8E;
	s24 =	sld [smem:$0x3FFE];
	[sflag:s23] =	ssyncadd.s32 $0xFFFFFFFF  }
0xa5: {  	s26 =	simm.s32 $execute0_lowered;
	[smem:$0x3FD2] =	sst s25  }
0xa6: {  	s4 =	sshll.u32 s26, $0x1;
	_ =	strace $0x80000046;
	[dreg:$0x1] =	wrdreg $0xFFFFFFFF  }
0xa7: {  	s28 =	simm.s32 $_size_execute0_lowered;
	s2 =	sadd.s32 s2, s4;
	[dreg:$0x0] =	wrdreg $0x0  }
0xa8: {  	s4 =	sshll.u32 s28, $0x1;
	[dreg:$0x2] =	wrdreg s2  }
0xa9: {  	[dreg:$0x3] =	wrdreg s4  }
0xaa: {  	[dreg:$0x4] =	wrdreg $0xC0  }
0xab: {  	_ =	task [dreg:s6], $0x5FFFF  }
0xac: {  	[dreg:$0x1] =	wrdreg $0xFFFFFFFF  }
0xad: {  	[dreg:$0x0] =	wrdreg $0x60  }
0xae: {  	[dreg:$0x2] =	wrdreg s24  }
0xaf: {  	[dreg:$0x3] =	wrdreg $0x9  }
0xb0: {  	_ =	task.clear_ibuf [dreg:s6], $0x4FFFF;
	_ =	strace $0x90000046  }
0xb1: {  	s29 =	simm.s32 $0x9;
	_ =	strace $0x80000048  }
0xb2: {  	_ =	swait.ge [sflag:s29], $0x1  }
0xb3: {  	[sflag:s29] =	ssyncadd.s32 $0xFFFFFFFF  }
0xb4: {  	_ =	strace $0x90000048  }
0xb5: {  	_ =	sfence  }
0xb6: {  	s30 =	sld [smem:$0x0];
	_ =	sdelay $0x2  }
0xb7: {  	s31 =	sshll.u32 s1, $0xD;
	s1 =	sshrl.u32 s1, $0x2  }
0xb8: {  	s3 =	sand.u32 $0x4000, s31;
	s1 =	sadd.s32 s1, s30  }
0xb9: {  	s0 =	sor.u32 s3, s0;
	s1 =	sshll.u32 s1, $0x11  }
0xba: {  	s0 =	sor.u32 s1, s0  }
0xbb: {  	s0 =	sadd.s32 $0x8F2B, s0  }
0xbc: {  	[sflag:s0] =	ssyncadd.remote.s32 $0x1  }
0xbd: {  	_ =	sfence.sel $0xFFFF  }
0xbe: {  	[dreg:$0x0] =	wrdreg $0xFFFFFFFF;
	(pc) =	sbr.abs _section_cstart, $3  }
0xbf: {  	[dreg:$0x1] =	wrdreg $0xFFFFFFFF  }
0xc0: {  	_ =	task.clear_ibuf [dreg:s6], $0x2FFFF;
	_ =	strace $0x9FFFFFFF  }
0xc1: {  	(tm) =	ssettm $0x7FFFFFFF  }
tec
execute0_lowered:
.L_overlay_start_1:
0x0: {  	(tag) =	ssettag $0x1  }
0x1: {  	s0 =	srdreg.scid  }
0x2: {  	s4 =	rddreg [dreg:$0x0];
	s3 =	sand.u32 $0x1, s0  }
0x3: {  	s1 =	stileid.u32;
	s7 =	simm.s32 $0x2800;
	s2 =	sshll.u32 s3, $0x4  }
0x4: {  	s0 =	rddreg [dreg:$0x1];
	s3 =	ssub.s32 $0x2, s3;
	s5 =	sor.u32 s1, s2  }
0x5: {  	s2 =	simm.s32 $0x0;
	s6 =	sshrl.u32 s3, $0x1;
	s5 =	smul.u32 $0x500, s5  }
0x6: {  	s8 =	simm.s32 $0x0;
	[smem:$0x7FF] =	sst s2;
	s31 =	ssub.s32 s3, s6  }
0x7: {  	s6 =	simm.s32 $0x1;
	_ =	strace $0x80000047;
	s4 =	sadd.s32 s5, s4  }
0x8: {  	v0 =	vimm.f32 $0.0e+00;
	v1 =	vimm.f32 $1.000000000e+00;
	s5 =	smax.u32 s31, $0x1;
	s3 =	sadd.s32 $0x2600, s4;
	s4 =	sadd.s32 $0xC600, s4  }
.LBB2_1:
0x9: {  	s9 =	simm.s32 $0x40;
	s10 =	simm.s32 $0x0  }
.LBB2_2:
0xa: {  	p0 =	sne.s32 s9, $0x9FC0;
	[tilespmem:s10+$0x2800] =	vst v0;
	s10 =	smov.u32 s9;
	s9 =	sadd.s32 $0x40, s9  }
.Ltmp0:
0xb: {  	(pc) =	sbr.rel @p0 .LBB2_2-.Ltmp0, $2  }
0xc: {  	_ =	sdelay $0x2  }
0xd: {  	s10 =	sshra.s32 s10, $0x2  }
0xe: {  	[tilespmem:s10+$0x2800] =	vst v0;
	s9 =	simm.s32 $0x0  }
0xf: {  	[tilespmem:s9], [sflag:$0x1] =	stream.linear.gather [hbm4b:s3+s9], $0x2800, $0x38;
	[tilespmem:$0x5000] =	vst v63  }
0x10: {  	_ =	swait.ge [sflag:s6], $0x2800  }
0x11: {  	[sflag:s6] =	ssyncset.done $0x0  }
0x12: {  	[sflag:s6] =	ssyncadd.s32 $0xFFFFD800  }
.LBB2_4:
0x13: {  	s10 =	sshra.s32 s9, $0x2  }
0x14: {  	v2 =	vld [tilespmem:s10+$0x0];
	_ =	sdelay $0x7  }
0x15: {  	[tilespmem:v2+s7+$0x0] =	vst.idx.add.f32.msk $0xffff, v1  }
0x16: {  	v2 =	vld [tilespmem:s10+$0x10];
	_ =	sdelay $0x7  }
0x17: {  	[tilespmem:v2+s7+$0x0] =	vst.idx.add.f32.msk $0xffff, v1  }
0x18: {  	v2 =	vld [tilespmem:s10+$0x20];
	_ =	sdelay $0x7  }
0x19: {  	[tilespmem:v2+s7+$0x0] =	vst.idx.add.f32.msk $0xffff, v1  }
0x1a: {  	v2 =	vld [tilespmem:s10+$0x30];
	_ =	sdelay $0x7  }
0x1b: {  	[tilespmem:v2+s7+$0x0] =	vst.idx.add.f32.msk $0xffff, v1  }
0x1c: {  	v2 =	vld [tilespmem:s10+$0x40];
	_ =	sdelay $0x7  }
0x1d: {  	[tilespmem:v2+s7+$0x0] =	vst.idx.add.f32.msk $0xffff, v1  }
0x1e: {  	v2 =	vld [tilespmem:s10+$0x50];
	_ =	sdelay $0x7  }
0x1f: {  	[tilespmem:v2+s7+$0x0] =	vst.idx.add.f32.msk $0xffff, v1  }
0x20: {  	v2 =	vld [tilespmem:s10+$0x60];
	_ =	sdelay $0x7  }
0x21: {  	[tilespmem:v2+s7+$0x0] =	vst.idx.add.f32.msk $0xffff, v1  }
0x22: {  	v2 =	vld [tilespmem:s10+$0x70];
	_ =	sdelay $0x2  }
0x23: {  	p0 =	sne.s32 s9, $0x9E00  }
.Ltmp1:
0x24: {  	_ = 	snop;
	(pc) =	sbr.rel @p0 .LBB2_4-.Ltmp1, $2  }
0x25: {  	_ =	sdelay $0x2  }
0x26: {  	s9 =	sadd.s32 $0x200, s9;
	[tilespmem:v2+s7+$0x0] =	vst.idx.add.f32.msk $0xffff, v1  }
0x27: {  	s8 =	sadd.s32 $0x1, s8  }
0x28: {  	p0 =	sne.s32 s8, s5  }
.Ltmp2:
0x29: {  	_ = 	snop;
	(pc) =	sbr.rel @p0 .LBB2_1-.Ltmp2, $4  }
0x2a: {  	[hbm4b:s4+s2] =	stream.linear.scatter [tilespmem:s7], [sflag:$0x1], $0x2800, $0x38;
	[tilespmem:$0x5000] =	vst v63  }
0x2b: {  	_ =	swait.ge [sflag:s6], $0x2800  }
0x2c: {  	[sflag:s6] =	ssyncset.done $0x0  }
0x2d: {  	[sflag:s6] =	ssyncadd.s32 $0xFFFFD800  }
0x2e: {  	_ =	sfence.sel $0x180000  }
0x2f: {  	[bflag:$0x0] =	sbarrier.arrive $0xFFFF  }
0x30: {  	p0 =	sne.s32 s1, $0x0;
	_ =	strace $0x90000047  }
0x31: {  	s0 =	sadd.s32 @!p0 $0x100000, s0;
	[bflag:$0x2] =	sbarrier.arrive $0xFFFF  }
0x32: {  	[sflag:s0] =	ssyncadd.tile.s32 @!p0 $0x1;
	_ =	shalt  }
.Lfunc_end2:
_tile_overlayer_lowered:
.L_overlay_start_2:
0x33: {  	(tag) =	ssettag $0x2  }
0x34: {  	s0 =	rddreg [dreg:$0x0];
	s2 =	stileid.u32  }
0x35: {  	s1 =	rddreg [dreg:$0x1];
	p0 =	sne.s32 s2, $0x0  }
0x36: {  	s3 =	rddreg [dreg:$0x2];
	[bflag:$0x3] =	sbarrier.arrive $0xFFFF;
	s2 =	simm.s32 @!p0 $0x1C01  }
0x37: {  	[timem:s3], [sflag:s2] =	dma.local @!p0 [hbm:s0], s1  }
0x38: {  	s0 =	simm.s32 @!p0 $0x1  }
0x39: {  	_ =	swait.ge @!p0 [sflag:s0], s1  }
0x3a: {  	s1 =	ssub.s32 @!p0 $0x0, s1;
	[sflag:s0] =	ssyncset.done @!p0 $0x0  }
0x3b: {  	[sflag:s0] =	ssyncadd.s32 @!p0 s1  }
0x3c: {  	[bflag:$0x3] =	sbarrier.arrive $0xFFFF  }
0x3d: {  	_ =	shalt  }

</sc_bundles>
